<compile_context>
chip_gen: v7x
topology: tpu7x:2x2x1
jax: 0.10.2.dev20260603
libtpu: 0.0.44.dev20260713+nightly
codegen_flags: <defaults>
</compile_context>

<pallas_src>
import functools

import jax
import jax.numpy as jnp
from jax import lax
from jax.experimental import pallas as pl
from jax.experimental.pallas import tpu as pltpu
from jax.experimental.pallas import tpu_sc as plsc

N_CORES = 2
N_SUBCORES = 16
N_WORKERS = N_CORES * N_SUBCORES
HG = 8
BLK = 128
L = 16


def _lookup_kernel(B, V, D):
  b_per_w = B // N_WORKERS
  n_hgroups = b_per_w // HG
  half = HG * BLK
  hd = D // 2
  mesh = plsc.VectorSubcoreMesh(core_axis_name="c", subcore_axis_name="s")

  @functools.partial(
      pl.kernel,
      out_type=jax.ShapeDtypeStruct((D, B), jnp.float32),
      mesh=mesh,
      scratch_types=[
          pltpu.VMEM((b_per_w,), jnp.int32),
          pltpu.VMEM((D, 3 * half), jnp.float32),
          pltpu.VMEM((hd, 2 * b_per_w), jnp.float32),
          pltpu.SemaphoreType.DMA,
          pltpu.SemaphoreType.DMA,
          pltpu.SemaphoreType.DMA,
      ],
      compiler_params=pltpu.CompilerParams(needs_layout_passes=False),
  )
  def run(idx_hbm, table_hbm, out_hbm, idx_v, ring, out_stage, sem0, sem1,
          sem2):
    wid = lax.axis_index("s") * N_CORES + lax.axis_index("c")
    base = wid * b_per_w
    pltpu.sync_copy(idx_hbm.at[pl.ds(base, b_per_w)], idx_v)
    iota = lax.iota(jnp.int32, L)
    k8 = lax.bitwise_and(iota, HG - 1)
    sel = lax.shift_right_logical(iota, 3)

    def dup_idx(g):
      return plsc.load_gather(idx_v, [g * HG + k8])

    sems = (sem0, sem1, sem2)

    def issue(g, p):
      h = p * half
      offvec = lax.bitwise_and(dup_idx(g), -BLK)
      for k in range(HG):
        off = pl.multiple_of(offvec[k], BLK)
        pltpu.async_copy(
            table_hbm.at[:, pl.ds(off, BLK)],
            ring.at[:, pl.ds(h + k * BLK, BLK)],
            sems[p],
        )

    def drain(p):
      h = p * half
      pltpu.make_async_copy(
          out_hbm.at[:, pl.ds(0, half)],
          ring.at[:, pl.ds(h, half)],
          sems[p],
      ).wait()

    def extract(g, p):
      h = p * half
      lvec = lax.bitwise_and(dup_idx(g), BLK - 1)
      cols = h + k8 * BLK + lvec
      ocols = g * HG + k8 + sel * b_per_w
      for d in range(hd):
        rows = d + sel * hd
        vals = plsc.load_gather(ring, [rows, cols])
        plsc.store_scatter(out_stage, [jnp.full((L,), d, jnp.int32), ocols], vals)

    issue(0, 0)
    issue(1, 1)
    issue(2, 2)
    drain(0)
    extract(0, 0)
    issue(3, 0)

    def body(g2, carry):
      for q in range(3):
        g = 1 + 3 * g2 + q
        p = (1 + q) % 3
        drain(p)
        extract(g, p)

        @pl.when(g + 3 < n_hgroups)
        def _():
          issue(g + 3, p)

      return carry

    lax.fori_loop(0, (n_hgroups - 1) // 3, body, 0)
    pltpu.sync_copy(
        out_stage.at[:, pl.ds(0, b_per_w)],
        out_hbm.at[pl.ds(0, hd), pl.ds(base, b_per_w)],
    )
    pltpu.sync_copy(
        out_stage.at[:, pl.ds(b_per_w, b_per_w)],
        out_hbm.at[pl.ds(hd, hd), pl.ds(base, b_per_w)],
    )

  return run


def kernel(idx, emb_weight):
  B = idx.shape[0]
  V, D = emb_weight.shape
  run = _lookup_kernel(B, V, D)
  out_t = run(idx.astype(jnp.int32), emb_weight.T)
  return out_t.T

# --- scband reference (transcript-rebuilt; emitter-appended) ---
"""Pipeline reference for scband-net-z-5351529251304 (READ-ONLY COPY).

The authoritative reference and input builder live on the scoring server;
editing this copy changes nothing except your own understanding.
"""

import jax, jax.numpy as jnp
import numpy as np

N_VOCAB = 1000000
NZ = 32
BATCH = 16384

def setup_inputs(seed: int = 0) -> dict:
    key = jax.random.key(seed)
    k_idx, k_emb = jax.random.split(key)
    idx = jax.random.randint(k_idx, (BATCH,), 0, N_VOCAB, dtype=jnp.int64 if jax.config.jax_enable_x64 else jnp.int32)
    emb_weight = jax.random.normal(k_emb, (N_VOCAB, NZ), dtype=jnp.float32)
    return {"idx": idx, "emb_weight": emb_weight}

def reference(idx, emb_weight):
    # z = self.emb(idx).squeeze()
    z = jnp.take(emb_weight, idx, axis=0)
    z = jnp.squeeze(z)
    return z

if __name__ == "__main__":
    import jax
    _d = setup_inputs()
    print(jax.jit(kernel)(*tuple(_d.values())))

</pallas_src>

<mosaic_0001>
#map = affine_map<(d0, d1) -> (0)>
#map1 = affine_map<(d0, d1) -> (0, 0)>
module attributes {stable_mosaic.version = 14 : i64} {
  func.func @run(%arg0: i32, %arg1: i32, %arg2: memref<16384xi32, #tpu.memory_space<hbm>>, %arg3: memref<32x1000000xf32, #tpu.memory_space<hbm>>, %arg4: memref<32x16384xf32, #tpu.memory_space<hbm>>, %arg5: memref<512xi32, #tpu.memory_space<vmem>>, %arg6: memref<32x3072xf32, #tpu.memory_space<vmem>>, %arg7: memref<16x1024xf32, #tpu.memory_space<vmem>>, %arg8: memref<!tpu.dma_semaphore, #tpu.memory_space<semaphore_mem>>, %arg9: memref<!tpu.dma_semaphore, #tpu.memory_space<semaphore_mem>>, %arg10: memref<!tpu.dma_semaphore, #tpu.memory_space<semaphore_mem>>) attributes {dimension_semantics = [#tpu.dimension_semantics<core_parallel>, #tpu.dimension_semantics<subcore_parallel>], iteration_bounds = array<i64: 2, 16>, scalar_prefetch = 0 : i64, scratch_operands = 6 : i64, tpu.core_type = #tpu.core_type<sc_vector_subcore>, window_params = [{transform_indices = #map}, {transform_indices = #map1}, {transform_indices = #map1}]} {
    %mul3A = arith.constant 2 : i32
    %mul3A_0 = arith.muli %arg1, %mul3A : i32
    %add3A = arith.addi %mul3A_0, %arg0 : i32
    %mul3A_1 = arith.constant 512 : i32
    %mul3A_2 = arith.muli %add3A, %mul3A_1 : i32
    "tpu.region"() ({
      %run_scoped3A = tpu.sem_alloc : memref<!tpu.dma_semaphore, #tpu.memory_space<semaphore_mem>>
      %dma_start3A_626 = tpu.memref_slice %arg2[%mul3A_2] : memref<16384xi32, #tpu.memory_space<hbm>> -> memref<512xi32, #tpu.memory_space<hbm>>
      %dma_start3A_627 = tpu.memref_slice %arg2[%mul3A_2] : memref<16384xi32, #tpu.memory_space<hbm>> -> memref<512xi32, #tpu.memory_space<hbm>>
      tpu.enqueue_dma source(%dma_start3A_627 : memref<512xi32, #tpu.memory_space<hbm>>) target(%arg5 : memref<512xi32, #tpu.memory_space<vmem>>) target_semaphore(%run_scoped3A : memref<!tpu.dma_semaphore, #tpu.memory_space<semaphore_mem>>)
      %dma_wait3A_628 = tpu.memref_slice %arg2[%mul3A_2] : memref<16384xi32, #tpu.memory_space<hbm>> -> memref<512xi32, #tpu.memory_space<hbm>>
      %dma_wait3A_629 = tpu.memref_slice %arg2[%mul3A_2] : memref<16384xi32, #tpu.memory_space<hbm>> -> memref<512xi32, #tpu.memory_space<hbm>>
      tpu.wait_dma2 semaphore(%run_scoped3A : memref<!tpu.dma_semaphore, #tpu.memory_space<semaphore_mem>>) src(%dma_wait3A_629 : memref<512xi32, #tpu.memory_space<hbm>>) dst(%arg5 : memref<512xi32, #tpu.memory_space<vmem>>)
      tpu.yield
    }) : () -> ()
    %iota3A = tpu.iota {dimensions = array<i32: 0>} : vector<16xi32>
    %and3A = arith.constant 7 : i32
    %and3A_3 = vector.broadcast %and3A : i32 to vector<16xi32>
    %and3A_4 = arith.andi %iota3A, %and3A_3 : vector<16xi32>
    %shift_right_logical3A = arith.constant 3 : i32
    %shift_right_logical3A_5 = vector.broadcast %shift_right_logical3A : i32 to vector<16xi32>
    %shift_right_logical3A_6 = arith.shrui %iota3A, %shift_right_logical3A_5 : vector<16xi32>
    %add3A_7 = arith.constant 0 : i32
    %add3A_8 = vector.broadcast %add3A_7 : i32 to vector<16xi32>
    %add3A_9 = arith.addi %add3A_8, %and3A_4 : vector<16xi32>
    %gather3A = tpu.vector_load_idx %arg5[%add3A_9] : memref<512xi32, #tpu.memory_space<vmem>>[vector<16xi32>], vector<16xi32>,
    %and3A_10 = arith.constant -128 : i32
    %and3A_11 = vector.broadcast %and3A_10 : i32 to vector<16xi32>
    %and3A_12 = arith.andi %gather3A, %and3A_11 : vector<16xi32>
    %slice3A = vector.extract_strided_slice %and3A_12 {offsets = [0], sizes = [1], strides = [1]} : vector<16xi32> to vector<1xi32>
    %squeeze3A = vector.extract %slice3A[0] : i32 from vector<1xi32>
    %multiple_of3A = tpu.assume_multiple %squeeze3A, 128 : i32
    %dma_start3A = arith.constant 0 : i32
    %dma_start3A_13 = arith.constant 0 : i32
    %dma_start3A_14 = tpu.memref_slice %arg6[%dma_start3A, %dma_start3A_13] : memref<32x3072xf32, #tpu.memory_space<vmem>> -> memref<32x128xf32, #tpu.memory_space<vmem>>
    %dma_start3A_15 = arith.constant 0 : i32
    %dma_start3A_16 = tpu.memref_slice %arg3[%dma_start3A_15, %multiple_of3A] : memref<32x1000000xf32, #tpu.memory_space<hbm>> -> memref<32x128xf32, #tpu.memory_space<hbm>>
    %dma_start3A_17 = arith.constant 0 : i32
    %dma_start3A_18 = arith.constant 0 : i32
    %dma_start3A_19 = tpu.memref_slice %arg6[%dma_start3A_17, %dma_start3A_18] : memref<32x3072xf32, #tpu.memory_space<vmem>> -> memref<32x128xf32, #tpu.memory_space<vmem>>
    %dma_start3A_20 = arith.constant 0 : i32
    %dma_start3A_21 = tpu.memref_slice %arg3[%dma_start3A_20, %multiple_of3A] : memref<32x1000000xf32, #tpu.memory_space<hbm>> -> memref<32x128xf32, #tpu.memory_space<hbm>>
    tpu.enqueue_dma source(%dma_start3A_21 : memref<32x128xf32, #tpu.memory_space<hbm>>) target(%dma_start3A_19 : memref<32x128xf32, #tpu.memory_space<vmem>>) target_semaphore(%arg8 : memref<!tpu.dma_semaphore, #tpu.memory_space<semaphore_mem>>)
    %slice3A_22 = vector.extract_strided_slice %and3A_12 {offsets = [1], sizes = [1], strides = [1]} : vector<16xi32> to vector<1xi32>
    %squeeze3A_23 = vector.extract %slice3A_22[0] : i32 from vector<1xi32>
    %multiple_of3A_24 = tpu.assume_multiple %squeeze3A_23, 128 : i32
    %dma_start3A_25 = arith.constant 0 : i32
    %dma_start3A_26 = arith.constant 128 : i32
    %dma_start3A_27 = tpu.memref_slice %arg6[%dma_start3A_25, %dma_start3A_26] : memref<32x3072xf32, #tpu.memory_space<vmem>> -> memref<32x128xf32, #tpu.memory_space<vmem>>
    %dma_start3A_28 = arith.constant 0 : i32
    %dma_start3A_29 = tpu.memref_slice %arg3[%dma_start3A_28, %multiple_of3A_24] : memref<32x1000000xf32, #tpu.memory_space<hbm>> -> memref<32x128xf32, #tpu.memory_space<hbm>>
    %dma_start3A_30 = arith.constant 0 : i32
    %dma_start3A_31 = arith.constant 128 : i32
    %dma_start3A_32 = tpu.memref_slice %arg6[%dma_start3A_30, %dma_start3A_31] : memref<32x3072xf32, #tpu.memory_space<vmem>> -> memref<32x128xf32, #tpu.memory_space<vmem>>
    %dma_start3A_33 = arith.constant 0 : i32
    %dma_start3A_34 = tpu.memref_slice %arg3[%dma_start3A_33, %multiple_of3A_24] : memref<32x1000000xf32, #tpu.memory_space<hbm>> -> memref<32x128xf32, #tpu.memory_space<hbm>>
    tpu.enqueue_dma source(%dma_start3A_34 : memref<32x128xf32, #tpu.memory_space<hbm>>) target(%dma_start3A_32 : memref<32x128xf32, #tpu.memory_space<vmem>>) target_semaphore(%arg8 : memref<!tpu.dma_semaphore, #tpu.memory_space<semaphore_mem>>)
    %slice3A_35 = vector.extract_strided_slice %and3A_12 {offsets = [2], sizes = [1], strides = [1]} : vector<16xi32> to vector<1xi32>
    %squeeze3A_36 = vector.extract %slice3A_35[0] : i32 from vector<1xi32>
    %multiple_of3A_37 = tpu.assume_multiple %squeeze3A_36, 128 : i32
    %dma_start3A_38 = arith.constant 0 : i32
    %dma_start3A_39 = arith.constant 256 : i32
    %dma_start3A_40 = tpu.memref_slice %arg6[%dma_start3A_38, %dma_start3A_39] : memref<32x3072xf32, #tpu.memory_space<vmem>> -> memref<32x128xf32, #tpu.memory_space<vmem>>
    %dma_start3A_41 = arith.constant 0 : i32
    %dma_start3A_42 = tpu.memref_slice %arg3[%dma_start3A_41, %multiple_of3A_37] : memref<32x1000000xf32, #tpu.memory_space<hbm>> -> memref<32x128xf32, #tpu.memory_space<hbm>>
    %dma_start3A_43 = arith.constant 0 : i32
    %dma_start3A_44 = arith.constant 256 : i32
    %dma_start3A_45 = tpu.memref_slice %arg6[%dma_start3A_43, %dma_start3A_44] : memref<32x3072xf32, #tpu.memory_space<vmem>> -> memref<32x128xf32, #tpu.memory_space<vmem>>
    %dma_start3A_46 = arith.constant 0 : i32
    %dma_start3A_47 = tpu.memref_slice %arg3[%dma_start3A_46, %multiple_of3A_37] : memref<32x1000000xf32, #tpu.memory_space<hbm>> -> memref<32x128xf32, #tpu.memory_space<hbm>>
    tpu.enqueue_dma source(%dma_start3A_47 : memref<32x128xf32, #tpu.memory_space<hbm>>) target(%dma_start3A_45 : memref<32x128xf32, #tpu.memory_space<vmem>>) target_semaphore(%arg8 : memref<!tpu.dma_semaphore, #tpu.memory_space<semaphore_mem>>)
    %slice3A_48 = vector.extract_strided_slice %and3A_12 {offsets = [3], sizes = [1], strides = [1]} : vector<16xi32> to vector<1xi32>
    %squeeze3A_49 = vector.extract %slice3A_48[0] : i32 from vector<1xi32>
    %multiple_of3A_50 = tpu.assume_multiple %squeeze3A_49, 128 : i32
    %dma_start3A_51 = arith.constant 0 : i32
    %dma_start3A_52 = arith.constant 384 : i32
    %dma_start3A_53 = tpu.memref_slice %arg6[%dma_start3A_51, %dma_start3A_52] : memref<32x3072xf32, #tpu.memory_space<vmem>> -> memref<32x128xf32, #tpu.memory_space<vmem>>
    %dma_start3A_54 = arith.constant 0 : i32
    %dma_start3A_55 = tpu.memref_slice %arg3[%dma_start3A_54, %multiple_of3A_50] : memref<32x1000000xf32, #tpu.memory_space<hbm>> -> memref<32x128xf32, #tpu.memory_space<hbm>>
    %dma_start3A_56 = arith.constant 0 : i32
    %dma_start3A_57 = arith.constant 384 : i32
    %dma_start3A_58 = tpu.memref_slice %arg6[%dma_start3A_56, %dma_start3A_57] : memref<32x3072xf32, #tpu.memory_space<vmem>> -> memref<32x128xf32, #tpu.memory_space<vmem>>
    %dma_start3A_59 = arith.constant 0 : i32
    %dma_start3A_60 = tpu.memref_slice %arg3[%dma_start3A_59, %multiple_of3A_50] : memref<32x1000000xf32, #tpu.memory_space<hbm>> -> memref<32x128xf32, #tpu.memory_space<hbm>>
    tpu.enqueue_dma source(%dma_start3A_60 : memref<32x128xf32, #tpu.memory_space<hbm>>) target(%dma_start3A_58 : memref<32x128xf32, #tpu.memory_space<vmem>>) target_semaphore(%arg8 : memref<!tpu.dma_semaphore, #tpu.memory_space<semaphore_mem>>)
    %slice3A_61 = vector.extract_strided_slice %and3A_12 {offsets = [4], sizes = [1], strides = [1]} : vector<16xi32> to vector<1xi32>
    %squeeze3A_62 = vector.extract %slice3A_61[0] : i32 from vector<1xi32>
    %multiple_of3A_63 = tpu.assume_multiple %squeeze3A_62, 128 : i32
    %dma_start3A_64 = arith.constant 0 : i32
    %dma_start3A_65 = arith.constant 512 : i32
    %dma_start3A_66 = tpu.memref_slice %arg6[%dma_start3A_64, %dma_start3A_65] : memref<32x3072xf32, #tpu.memory_space<vmem>> -> memref<32x128xf32, #tpu.memory_space<vmem>>
    %dma_start3A_67 = arith.constant 0 : i32
    %dma_start3A_68 = tpu.memref_slice %arg3[%dma_start3A_67, %multiple_of3A_63] : memref<32x1000000xf32, #tpu.memory_space<hbm>> -> memref<32x128xf32, #tpu.memory_space<hbm>>
    %dma_start3A_69 = arith.constant 0 : i32
    %dma_start3A_70 = arith.constant 512 : i32
    %dma_start3A_71 = tpu.memref_slice %arg6[%dma_start3A_69, %dma_start3A_70] : memref<32x3072xf32, #tpu.memory_space<vmem>> -> memref<32x128xf32, #tpu.memory_space<vmem>>
    %dma_start3A_72 = arith.constant 0 : i32
    %dma_start3A_73 = tpu.memref_slice %arg3[%dma_start3A_72, %multiple_of3A_63] : memref<32x1000000xf32, #tpu.memory_space<hbm>> -> memref<32x128xf32, #tpu.memory_space<hbm>>
    tpu.enqueue_dma source(%dma_start3A_73 : memref<32x128xf32, #tpu.memory_space<hbm>>) target(%dma_start3A_71 : memref<32x128xf32, #tpu.memory_space<vmem>>) target_semaphore(%arg8 : memref<!tpu.dma_semaphore, #tpu.memory_space<semaphore_mem>>)
    %slice3A_74 = vector.extract_strided_slice %and3A_12 {offsets = [5], sizes = [1], strides = [1]} : vector<16xi32> to vector<1xi32>
    %squeeze3A_75 = vector.extract %slice3A_74[0] : i32 from vector<1xi32>
    %multiple_of3A_76 = tpu.assume_multiple %squeeze3A_75, 128 : i32
    %dma_start3A_77 = arith.constant 0 : i32
    %dma_start3A_78 = arith.constant 640 : i32
    %dma_start3A_79 = tpu.memref_slice %arg6[%dma_start3A_77, %dma_start3A_78] : memref<32x3072xf32, #tpu.memory_space<vmem>> -> memref<32x128xf32, #tpu.memory_space<vmem>>
    %dma_start3A_80 = arith.constant 0 : i32
    %dma_start3A_81 = tpu.memref_slice %arg3[%dma_start3A_80, %multiple_of3A_76] : memref<32x1000000xf32, #tpu.memory_space<hbm>> -> memref<32x128xf32, #tpu.memory_space<hbm>>
    %dma_start3A_82 = arith.constant 0 : i32
    %dma_start3A_83 = arith.constant 640 : i32
    %dma_start3A_84 = tpu.memref_slice %arg6[%dma_start3A_82, %dma_start3A_83] : memref<32x3072xf32, #tpu.memory_space<vmem>> -> memref<32x128xf32, #tpu.memory_space<vmem>>
    %dma_start3A_85 = arith.constant 0 : i32
    %dma_start3A_86 = tpu.memref_slice %arg3[%dma_start3A_85, %multiple_of3A_76] : memref<32x1000000xf32, #tpu.memory_space<hbm>> -> memref<32x128xf32, #tpu.memory_space<hbm>>
    tpu.enqueue_dma source(%dma_start3A_86 : memref<32x128xf32, #tpu.memory_space<hbm>>) target(%dma_start3A_84 : memref<32x128xf32, #tpu.memory_space<vmem>>) target_semaphore(%arg8 : memref<!tpu.dma_semaphore, #tpu.memory_space<semaphore_mem>>)
    %slice3A_87 = vector.extract_strided_slice %and3A_12 {offsets = [6], sizes = [1], strides = [1]} : vector<16xi32> to vector<1xi32>
    %squeeze3A_88 = vector.extract %slice3A_87[0] : i32 from vector<1xi32>
    %multiple_of3A_89 = tpu.assume_multiple %squeeze3A_88, 128 : i32
    %dma_start3A_90 = arith.constant 0 : i32
    %dma_start3A_91 = arith.constant 768 : i32
    %dma_start3A_92 = tpu.memref_slice %arg6[%dma_start3A_90, %dma_start3A_91] : memref<32x3072xf32, #tpu.memory_space<vmem>> -> memref<32x128xf32, #tpu.memory_space<vmem>>
    %dma_start3A_93 = arith.constant 0 : i32
    %dma_start3A_94 = tpu.memref_slice %arg3[%dma_start3A_93, %multiple_of3A_89] : memref<32x1000000xf32, #tpu.memory_space<hbm>> -> memref<32x128xf32, #tpu.memory_space<hbm>>
    %dma_start3A_95 = arith.constant 0 : i32
    %dma_start3A_96 = arith.constant 768 : i32
    %dma_start3A_97 = tpu.memref_slice %arg6[%dma_start3A_95, %dma_start3A_96] : memref<32x3072xf32, #tpu.memory_space<vmem>> -> memref<32x128xf32, #tpu.memory_space<vmem>>
    %dma_start3A_98 = arith.constant 0 : i32
    %dma_start3A_99 = tpu.memref_slice %arg3[%dma_start3A_98, %multiple_of3A_89] : memref<32x1000000xf32, #tpu.memory_space<hbm>> -> memref<32x128xf32, #tpu.memory_space<hbm>>
    tpu.enqueue_dma source(%dma_start3A_99 : memref<32x128xf32, #tpu.memory_space<hbm>>) target(%dma_start3A_97 : memref<32x128xf32, #tpu.memory_space<vmem>>) target_semaphore(%arg8 : memref<!tpu.dma_semaphore, #tpu.memory_space<semaphore_mem>>)
    %slice3A_100 = vector.extract_strided_slice %and3A_12 {offsets = [7], sizes = [1], strides = [1]} : vector<16xi32> to vector<1xi32>
    %squeeze3A_101 = vector.extract %slice3A_100[0] : i32 from vector<1xi32>
    %multiple_of3A_102 = tpu.assume_multiple %squeeze3A_101, 128 : i32
    %dma_start3A_103 = arith.constant 0 : i32
    %dma_start3A_104 = arith.constant 896 : i32
    %dma_start3A_105 = tpu.memref_slice %arg6[%dma_start3A_103, %dma_start3A_104] : memref<32x3072xf32, #tpu.memory_space<vmem>> -> memref<32x128xf32, #tpu.memory_space<vmem>>
    %dma_start3A_106 = arith.constant 0 : i32
    %dma_start3A_107 = tpu.memref_slice %arg3[%dma_start3A_106, %multiple_of3A_102] : memref<32x1000000xf32, #tpu.memory_space<hbm>> -> memref<32x128xf32, #tpu.memory_space<hbm>>
    %dma_start3A_108 = arith.constant 0 : i32
    %dma_start3A_109 = arith.constant 896 : i32
    %dma_start3A_110 = tpu.memref_slice %arg6[%dma_start3A_108, %dma_start3A_109] : memref<32x3072xf32, #tpu.memory_space<vmem>> -> memref<32x128xf32, #tpu.memory_space<vmem>>
    %dma_start3A_111 = arith.constant 0 : i32
    %dma_start3A_112 = tpu.memref_slice %arg3[%dma_start3A_111, %multiple_of3A_102] : memref<32x1000000xf32, #tpu.memory_space<hbm>> -> memref<32x128xf32, #tpu.memory_space<hbm>>
    tpu.enqueue_dma source(%dma_start3A_112 : memref<32x128xf32, #tpu.memory_space<hbm>>) target(%dma_start3A_110 : memref<32x128xf32, #tpu.memory_space<vmem>>) target_semaphore(%arg8 : memref<!tpu.dma_semaphore, #tpu.memory_space<semaphore_mem>>)
    %add3A_113 = arith.constant 8 : i32
    %add3A_114 = vector.broadcast %add3A_113 : i32 to vector<16xi32>
    %add3A_115 = arith.addi %add3A_114, %and3A_4 : vector<16xi32>
    %gather3A_116 = tpu.vector_load_idx %arg5[%add3A_115] : memref<512xi32, #tpu.memory_space<vmem>>[vector<16xi32>], vector<16xi32>,
    %and3A_117 = arith.constant -128 : i32
    %and3A_118 = vector.broadcast %and3A_117 : i32 to vector<16xi32>
    %and3A_119 = arith.andi %gather3A_116, %and3A_118 : vector<16xi32>
    %slice3A_120 = vector.extract_strided_slice %and3A_119 {offsets = [0], sizes = [1], strides = [1]} : vector<16xi32> to vector<1xi32>
    %squeeze3A_121 = vector.extract %slice3A_120[0] : i32 from vector<1xi32>
    %multiple_of3A_122 = tpu.assume_multiple %squeeze3A_121, 128 : i32
    %dma_start3A_123 = arith.constant 0 : i32
    %dma_start3A_124 = arith.constant 1024 : i32
    %dma_start3A_125 = tpu.memref_slice %arg6[%dma_start3A_123, %dma_start3A_124] : memref<32x3072xf32, #tpu.memory_space<vmem>> -> memref<32x128xf32, #tpu.memory_space<vmem>>
    %dma_start3A_126 = arith.constant 0 : i32
    %dma_start3A_127 = tpu.memref_slice %arg3[%dma_start3A_126, %multiple_of3A_122] : memref<32x1000000xf32, #tpu.memory_space<hbm>> -> memref<32x128xf32, #tpu.memory_space<hbm>>
    %dma_start3A_128 = arith.constant 0 : i32
    %dma_start3A_129 = arith.constant 1024 : i32
    %dma_start3A_130 = tpu.memref_slice %arg6[%dma_start3A_128, %dma_start3A_129] : memref<32x3072xf32, #tpu.memory_space<vmem>> -> memref<32x128xf32, #tpu.memory_space<vmem>>
    %dma_start3A_131 = arith.constant 0 : i32
    %dma_start3A_132 = tpu.memref_slice %arg3[%dma_start3A_131, %multiple_of3A_122] : memref<32x1000000xf32, #tpu.memory_space<hbm>> -> memref<32x128xf32, #tpu.memory_space<hbm>>
    tpu.enqueue_dma source(%dma_start3A_132 : memref<32x128xf32, #tpu.memory_space<hbm>>) target(%dma_start3A_130 : memref<32x128xf32, #tpu.memory_space<vmem>>) target_semaphore(%arg9 : memref<!tpu.dma_semaphore, #tpu.memory_space<semaphore_mem>>)
    %slice3A_133 = vector.extract_strided_slice %and3A_119 {offsets = [1], sizes = [1], strides = [1]} : vector<16xi32> to vector<1xi32>
    %squeeze3A_134 = vector.extract %slice3A_133[0] : i32 from vector<1xi32>
    %multiple_of3A_135 = tpu.assume_multiple %squeeze3A_134, 128 : i32
    %dma_start3A_136 = arith.constant 0 : i32
    %dma_start3A_137 = arith.constant 1152 : i32
    %dma_start3A_138 = tpu.memref_slice %arg6[%dma_start3A_136, %dma_start3A_137] : memref<32x3072xf32, #tpu.memory_space<vmem>> -> memref<32x128xf32, #tpu.memory_space<vmem>>
    %dma_start3A_139 = arith.constant 0 : i32
    %dma_start3A_140 = tpu.memref_slice %arg3[%dma_start3A_139, %multiple_of3A_135] : memref<32x1000000xf32, #tpu.memory_space<hbm>> -> memref<32x128xf32, #tpu.memory_space<hbm>>
    %dma_start3A_141 = arith.constant 0 : i32
    %dma_start3A_142 = arith.constant 1152 : i32
    %dma_start3A_143 = tpu.memref_slice %arg6[%dma_start3A_141, %dma_start3A_142] : memref<32x3072xf32, #tpu.memory_space<vmem>> -> memref<32x128xf32, #tpu.memory_space<vmem>>
    %dma_start3A_144 = arith.constant 0 : i32
    %dma_start3A_145 = tpu.memref_slice %arg3[%dma_start3A_144, %multiple_of3A_135] : memref<32x1000000xf32, #tpu.memory_space<hbm>> -> memref<32x128xf32, #tpu.memory_space<hbm>>
    tpu.enqueue_dma source(%dma_start3A_145 : memref<32x128xf32, #tpu.memory_space<hbm>>) target(%dma_start3A_143 : memref<32x128xf32, #tpu.memory_space<vmem>>) target_semaphore(%arg9 : memref<!tpu.dma_semaphore, #tpu.memory_space<semaphore_mem>>)
    %slice3A_146 = vector.extract_strided_slice %and3A_119 {offsets = [2], sizes = [1], strides = [1]} : vector<16xi32> to vector<1xi32>
    %squeeze3A_147 = vector.extract %slice3A_146[0] : i32 from vector<1xi32>
    %multiple_of3A_148 = tpu.assume_multiple %squeeze3A_147, 128 : i32
    %dma_start3A_149 = arith.constant 0 : i32
    %dma_start3A_150 = arith.constant 1280 : i32
    %dma_start3A_151 = tpu.memref_slice %arg6[%dma_start3A_149, %dma_start3A_150] : memref<32x3072xf32, #tpu.memory_space<vmem>> -> memref<32x128xf32, #tpu.memory_space<vmem>>
    %dma_start3A_152 = arith.constant 0 : i32
    %dma_start3A_153 = tpu.memref_slice %arg3[%dma_start3A_152, %multiple_of3A_148] : memref<32x1000000xf32, #tpu.memory_space<hbm>> -> memref<32x128xf32, #tpu.memory_space<hbm>>
    %dma_start3A_154 = arith.constant 0 : i32
    %dma_start3A_155 = arith.constant 1280 : i32
    %dma_start3A_156 = tpu.memref_slice %arg6[%dma_start3A_154, %dma_start3A_155] : memref<32x3072xf32, #tpu.memory_space<vmem>> -> memref<32x128xf32, #tpu.memory_space<vmem>>
    %dma_start3A_157 = arith.constant 0 : i32
    %dma_start3A_158 = tpu.memref_slice %arg3[%dma_start3A_157, %multiple_of3A_148] : memref<32x1000000xf32, #tpu.memory_space<hbm>> -> memref<32x128xf32, #tpu.memory_space<hbm>>
    tpu.enqueue_dma source(%dma_start3A_158 : memref<32x128xf32, #tpu.memory_space<hbm>>) target(%dma_start3A_156 : memref<32x128xf32, #tpu.memory_space<vmem>>) target_semaphore(%arg9 : memref<!tpu.dma_semaphore, #tpu.memory_space<semaphore_mem>>)
    %slice3A_159 = vector.extract_strided_slice %and3A_119 {offsets = [3], sizes = [1], strides = [1]} : vector<16xi32> to vector<1xi32>
    %squeeze3A_160 = vector.extract %slice3A_159[0] : i32 from vector<1xi32>
    %multiple_of3A_161 = tpu.assume_multiple %squeeze3A_160, 128 : i32
    %dma_start3A_162 = arith.constant 0 : i32
    %dma_start3A_163 = arith.constant 1408 : i32
    %dma_start3A_164 = tpu.memref_slice %arg6[%dma_start3A_162, %dma_start3A_163] : memref<32x3072xf32, #tpu.memory_space<vmem>> -> memref<32x128xf32, #tpu.memory_space<vmem>>
    %dma_start3A_165 = arith.constant 0 : i32
    %dma_start3A_166 = tpu.memref_slice %arg3[%dma_start3A_165, %multiple_of3A_161] : memref<32x1000000xf32, #tpu.memory_space<hbm>> -> memref<32x128xf32, #tpu.memory_space<hbm>>
    %dma_start3A_167 = arith.constant 0 : i32
    %dma_start3A_168 = arith.constant 1408 : i32
    %dma_start3A_169 = tpu.memref_slice %arg6[%dma_start3A_167, %dma_start3A_168] : memref<32x3072xf32, #tpu.memory_space<vmem>> -> memref<32x128xf32, #tpu.memory_space<vmem>>
    %dma_start3A_170 = arith.constant 0 : i32
    %dma_start3A_171 = tpu.memref_slice %arg3[%dma_start3A_170, %multiple_of3A_161] : memref<32x1000000xf32, #tpu.memory_space<hbm>> -> memref<32x128xf32, #tpu.memory_space<hbm>>
    tpu.enqueue_dma source(%dma_start3A_171 : memref<32x128xf32, #tpu.memory_space<hbm>>) target(%dma_start3A_169 : memref<32x128xf32, #tpu.memory_space<vmem>>) target_semaphore(%arg9 : memref<!tpu.dma_semaphore, #tpu.memory_space<semaphore_mem>>)
    %slice3A_172 = vector.extract_strided_slice %and3A_119 {offsets = [4], sizes = [1], strides = [1]} : vector<16xi32> to vector<1xi32>
    %squeeze3A_173 = vector.extract %slice3A_172[0] : i32 from vector<1xi32>
    %multiple_of3A_174 = tpu.assume_multiple %squeeze3A_173, 128 : i32
    %dma_start3A_175 = arith.constant 0 : i32
    %dma_start3A_176 = arith.constant 1536 : i32
    %dma_start3A_177 = tpu.memref_slice %arg6[%dma_start3A_175, %dma_start3A_176] : memref<32x3072xf32, #tpu.memory_space<vmem>> -> memref<32x128xf32, #tpu.memory_space<vmem>>
    %dma_start3A_178 = arith.constant 0 : i32
    %dma_start3A_179 = tpu.memref_slice %arg3[%dma_start3A_178, %multiple_of3A_174] : memref<32x1000000xf32, #tpu.memory_space<hbm>> -> memref<32x128xf32, #tpu.memory_space<hbm>>
    %dma_start3A_180 = arith.constant 0 : i32
    %dma_start3A_181 = arith.constant 1536 : i32
    %dma_start3A_182 = tpu.memref_slice %arg6[%dma_start3A_180, %dma_start3A_181] : memref<32x3072xf32, #tpu.memory_space<vmem>> -> memref<32x128xf32, #tpu.memory_space<vmem>>
    %dma_start3A_183 = arith.constant 0 : i32
    %dma_start3A_184 = tpu.memref_slice %arg3[%dma_start3A_183, %multiple_of3A_174] : memref<32x1000000xf32, #tpu.memory_space<hbm>> -> memref<32x128xf32, #tpu.memory_space<hbm>>
    tpu.enqueue_dma source(%dma_start3A_184 : memref<32x128xf32, #tpu.memory_space<hbm>>) target(%dma_start3A_182 : memref<32x128xf32, #tpu.memory_space<vmem>>) target_semaphore(%arg9 : memref<!tpu.dma_semaphore, #tpu.memory_space<semaphore_mem>>)
    %slice3A_185 = vector.extract_strided_slice %and3A_119 {offsets = [5], sizes = [1], strides = [1]} : vector<16xi32> to vector<1xi32>
    %squeeze3A_186 = vector.extract %slice3A_185[0] : i32 from vector<1xi32>
    %multiple_of3A_187 = tpu.assume_multiple %squeeze3A_186, 128 : i32
    %dma_start3A_188 = arith.constant 0 : i32
    %dma_start3A_189 = arith.constant 1664 : i32
    %dma_start3A_190 = tpu.memref_slice %arg6[%dma_start3A_188, %dma_start3A_189] : memref<32x3072xf32, #tpu.memory_space<vmem>> -> memref<32x128xf32, #tpu.memory_space<vmem>>
    %dma_start3A_191 = arith.constant 0 : i32
    %dma_start3A_192 = tpu.memref_slice %arg3[%dma_start3A_191, %multiple_of3A_187] : memref<32x1000000xf32, #tpu.memory_space<hbm>> -> memref<32x128xf32, #tpu.memory_space<hbm>>
    %dma_start3A_193 = arith.constant 0 : i32
    %dma_start3A_194 = arith.constant 1664 : i32
    %dma_start3A_195 = tpu.memref_slice %arg6[%dma_start3A_193, %dma_start3A_194] : memref<32x3072xf32, #tpu.memory_space<vmem>> -> memref<32x128xf32, #tpu.memory_space<vmem>>
    %dma_start3A_196 = arith.constant 0 : i32
    %dma_start3A_197 = tpu.memref_slice %arg3[%dma_start3A_196, %multiple_of3A_187] : memref<32x1000000xf32, #tpu.memory_space<hbm>> -> memref<32x128xf32, #tpu.memory_space<hbm>>
    tpu.enqueue_dma source(%dma_start3A_197 : memref<32x128xf32, #tpu.memory_space<hbm>>) target(%dma_start3A_195 : memref<32x128xf32, #tpu.memory_space<vmem>>) target_semaphore(%arg9 : memref<!tpu.dma_semaphore, #tpu.memory_space<semaphore_mem>>)
    %slice3A_198 = vector.extract_strided_slice %and3A_119 {offsets = [6], sizes = [1], strides = [1]} : vector<16xi32> to vector<1xi32>
    %squeeze3A_199 = vector.extract %slice3A_198[0] : i32 from vector<1xi32>
    %multiple_of3A_200 = tpu.assume_multiple %squeeze3A_199, 128 : i32
    %dma_start3A_201 = arith.constant 0 : i32
    %dma_start3A_202 = arith.constant 1792 : i32
    %dma_start3A_203 = tpu.memref_slice %arg6[%dma_start3A_201, %dma_start3A_202] : memref<32x3072xf32, #tpu.memory_space<vmem>> -> memref<32x128xf32, #tpu.memory_space<vmem>>
    %dma_start3A_204 = arith.constant 0 : i32
    %dma_start3A_205 = tpu.memref_slice %arg3[%dma_start3A_204, %multiple_of3A_200] : memref<32x1000000xf32, #tpu.memory_space<hbm>> -> memref<32x128xf32, #tpu.memory_space<hbm>>
    %dma_start3A_206 = arith.constant 0 : i32
    %dma_start3A_207 = arith.constant 1792 : i32
    %dma_start3A_208 = tpu.memref_slice %arg6[%dma_start3A_206, %dma_start3A_207] : memref<32x3072xf32, #tpu.memory_space<vmem>> -> memref<32x128xf32, #tpu.memory_space<vmem>>
    %dma_start3A_209 = arith.constant 0 : i32
    %dma_start3A_210 = tpu.memref_slice %arg3[%dma_start3A_209, %multiple_of3A_200] : memref<32x1000000xf32, #tpu.memory_space<hbm>> -> memref<32x128xf32, #tpu.memory_space<hbm>>
    tpu.enqueue_dma source(%dma_start3A_210 : memref<32x128xf32, #tpu.memory_space<hbm>>) target(%dma_start3A_208 : memref<32x128xf32, #tpu.memory_space<vmem>>) target_semaphore(%arg9 : memref<!tpu.dma_semaphore, #tpu.memory_space<semaphore_mem>>)
    %slice3A_211 = vector.extract_strided_slice %and3A_119 {offsets = [7], sizes = [1], strides = [1]} : vector<16xi32> to vector<1xi32>
    %squeeze3A_212 = vector.extract %slice3A_211[0] : i32 from vector<1xi32>
    %multiple_of3A_213 = tpu.assume_multiple %squeeze3A_212, 128 : i32
    %dma_start3A_214 = arith.constant 0 : i32
    %dma_start3A_215 = arith.constant 1920 : i32
    %dma_start3A_216 = tpu.memref_slice %arg6[%dma_start3A_214, %dma_start3A_215] : memref<32x3072xf32, #tpu.memory_space<vmem>> -> memref<32x128xf32, #tpu.memory_space<vmem>>
    %dma_start3A_217 = arith.constant 0 : i32
    %dma_start3A_218 = tpu.memref_slice %arg3[%dma_start3A_217, %multiple_of3A_213] : memref<32x1000000xf32, #tpu.memory_space<hbm>> -> memref<32x128xf32, #tpu.memory_space<hbm>>
    %dma_start3A_219 = arith.constant 0 : i32
    %dma_start3A_220 = arith.constant 1920 : i32
    %dma_start3A_221 = tpu.memref_slice %arg6[%dma_start3A_219, %dma_start3A_220] : memref<32x3072xf32, #tpu.memory_space<vmem>> -> memref<32x128xf32, #tpu.memory_space<vmem>>
    %dma_start3A_222 = arith.constant 0 : i32
    %dma_start3A_223 = tpu.memref_slice %arg3[%dma_start3A_222, %multiple_of3A_213] : memref<32x1000000xf32, #tpu.memory_space<hbm>> -> memref<32x128xf32, #tpu.memory_space<hbm>>
    tpu.enqueue_dma source(%dma_start3A_223 : memref<32x128xf32, #tpu.memory_space<hbm>>) target(%dma_start3A_221 : memref<32x128xf32, #tpu.memory_space<vmem>>) target_semaphore(%arg9 : memref<!tpu.dma_semaphore, #tpu.memory_space<semaphore_mem>>)
    %add3A_224 = arith.constant 16 : i32
    %add3A_225 = vector.broadcast %add3A_224 : i32 to vector<16xi32>
    %add3A_226 = arith.addi %add3A_225, %and3A_4 : vector<16xi32>
    %gather3A_227 = tpu.vector_load_idx %arg5[%add3A_226] : memref<512xi32, #tpu.memory_space<vmem>>[vector<16xi32>], vector<16xi32>,
    %and3A_228 = arith.constant -128 : i32
    %and3A_229 = vector.broadcast %and3A_228 : i32 to vector<16xi32>
    %and3A_230 = arith.andi %gather3A_227, %and3A_229 : vector<16xi32>
    %slice3A_231 = vector.extract_strided_slice %and3A_230 {offsets = [0], sizes = [1], strides = [1]} : vector<16xi32> to vector<1xi32>
    %squeeze3A_232 = vector.extract %slice3A_231[0] : i32 from vector<1xi32>
    %multiple_of3A_233 = tpu.assume_multiple %squeeze3A_232, 128 : i32
    %dma_start3A_234 = arith.constant 0 : i32
    %dma_start3A_235 = arith.constant 2048 : i32
    %dma_start3A_236 = tpu.memref_slice %arg6[%dma_start3A_234, %dma_start3A_235] : memref<32x3072xf32, #tpu.memory_space<vmem>> -> memref<32x128xf32, #tpu.memory_space<vmem>>
    %dma_start3A_237 = arith.constant 0 : i32
    %dma_start3A_238 = tpu.memref_slice %arg3[%dma_start3A_237, %multiple_of3A_233] : memref<32x1000000xf32, #tpu.memory_space<hbm>> -> memref<32x128xf32, #tpu.memory_space<hbm>>
    %dma_start3A_239 = arith.constant 0 : i32
    %dma_start3A_240 = arith.constant 2048 : i32
    %dma_start3A_241 = tpu.memref_slice %arg6[%dma_start3A_239, %dma_start3A_240] : memref<32x3072xf32, #tpu.memory_space<vmem>> -> memref<32x128xf32, #tpu.memory_space<vmem>>
    %dma_start3A_242 = arith.constant 0 : i32
    %dma_start3A_243 = tpu.memref_slice %arg3[%dma_start3A_242, %multiple_of3A_233] : memref<32x1000000xf32, #tpu.memory_space<hbm>> -> memref<32x128xf32, #tpu.memory_space<hbm>>
    tpu.enqueue_dma source(%dma_start3A_243 : memref<32x128xf32, #tpu.memory_space<hbm>>) target(%dma_start3A_241 : memref<32x128xf32, #tpu.memory_space<vmem>>) target_semaphore(%arg10 : memref<!tpu.dma_semaphore, #tpu.memory_space<semaphore_mem>>)
    %slice3A_244 = vector.extract_strided_slice %and3A_230 {offsets = [1], sizes = [1], strides = [1]} : vector<16xi32> to vector<1xi32>
    %squeeze3A_245 = vector.extract %slice3A_244[0] : i32 from vector<1xi32>
    %multiple_of3A_246 = tpu.assume_multiple %squeeze3A_245, 128 : i32
    %dma_start3A_247 = arith.constant 0 : i32
    %dma_start3A_248 = arith.constant 2176 : i32
    %dma_start3A_249 = tpu.memref_slice %arg6[%dma_start3A_247, %dma_start3A_248] : memref<32x3072xf32, #tpu.memory_space<vmem>> -> memref<32x128xf32, #tpu.memory_space<vmem>>
    %dma_start3A_250 = arith.constant 0 : i32
    %dma_start3A_251 = tpu.memref_slice %arg3[%dma_start3A_250, %multiple_of3A_246] : memref<32x1000000xf32, #tpu.memory_space<hbm>> -> memref<32x128xf32, #tpu.memory_space<hbm>>
    %dma_start3A_252 = arith.constant 0 : i32
    %dma_start3A_253 = arith.constant 2176 : i32
    %dma_start3A_254 = tpu.memref_slice %arg6[%dma_start3A_252, %dma_start3A_253] : memref<32x3072xf32, #tpu.memory_space<vmem>> -> memref<32x128xf32, #tpu.memory_space<vmem>>
    %dma_start3A_255 = arith.constant 0 : i32
    %dma_start3A_256 = tpu.memref_slice %arg3[%dma_start3A_255, %multiple_of3A_246] : memref<32x1000000xf32, #tpu.memory_space<hbm>> -> memref<32x128xf32, #tpu.memory_space<hbm>>
    tpu.enqueue_dma source(%dma_start3A_256 : memref<32x128xf32, #tpu.memory_space<hbm>>) target(%dma_start3A_254 : memref<32x128xf32, #tpu.memory_space<vmem>>) target_semaphore(%arg10 : memref<!tpu.dma_semaphore, #tpu.memory_space<semaphore_mem>>)
    %slice3A_257 = vector.extract_strided_slice %and3A_230 {offsets = [2], sizes = [1], strides = [1]} : vector<16xi32> to vector<1xi32>
    %squeeze3A_258 = vector.extract %slice3A_257[0] : i32 from vector<1xi32>
    %multiple_of3A_259 = tpu.assume_multiple %squeeze3A_258, 128 : i32
    %dma_start3A_260 = arith.constant 0 : i32
    %dma_start3A_261 = arith.constant 2304 : i32
    %dma_start3A_262 = tpu.memref_slice %arg6[%dma_start3A_260, %dma_start3A_261] : memref<32x3072xf32, #tpu.memory_space<vmem>> -> memref<32x128xf32, #tpu.memory_space<vmem>>
    %dma_start3A_263 = arith.constant 0 : i32
    %dma_start3A_264 = tpu.memref_slice %arg3[%dma_start3A_263, %multiple_of3A_259] : memref<32x1000000xf32, #tpu.memory_space<hbm>> -> memref<32x128xf32, #tpu.memory_space<hbm>>
    %dma_start3A_265 = arith.constant 0 : i32
    %dma_start3A_266 = arith.constant 2304 : i32
    %dma_start3A_267 = tpu.memref_slice %arg6[%dma_start3A_265, %dma_start3A_266] : memref<32x3072xf32, #tpu.memory_space<vmem>> -> memref<32x128xf32, #tpu.memory_space<vmem>>
    %dma_start3A_268 = arith.constant 0 : i32
    %dma_start3A_269 = tpu.memref_slice %arg3[%dma_start3A_268, %multiple_of3A_259] : memref<32x1000000xf32, #tpu.memory_space<hbm>> -> memref<32x128xf32, #tpu.memory_space<hbm>>
    tpu.enqueue_dma source(%dma_start3A_269 : memref<32x128xf32, #tpu.memory_space<hbm>>) target(%dma_start3A_267 : memref<32x128xf32, #tpu.memory_space<vmem>>) target_semaphore(%arg10 : memref<!tpu.dma_semaphore, #tpu.memory_space<semaphore_mem>>)
    %slice3A_270 = vector.extract_strided_slice %and3A_230 {offsets = [3], sizes = [1], strides = [1]} : vector<16xi32> to vector<1xi32>
    %squeeze3A_271 = vector.extract %slice3A_270[0] : i32 from vector<1xi32>
    %multiple_of3A_272 = tpu.assume_multiple %squeeze3A_271, 128 : i32
    %dma_start3A_273 = arith.constant 0 : i32
    %dma_start3A_274 = arith.constant 2432 : i32
    %dma_start3A_275 = tpu.memref_slice %arg6[%dma_start3A_273, %dma_start3A_274] : memref<32x3072xf32, #tpu.memory_space<vmem>> -> memref<32x128xf32, #tpu.memory_space<vmem>>
    %dma_start3A_276 = arith.constant 0 : i32
    %dma_start3A_277 = tpu.memref_slice %arg3[%dma_start3A_276, %multiple_of3A_272] : memref<32x1000000xf32, #tpu.memory_space<hbm>> -> memref<32x128xf32, #tpu.memory_space<hbm>>
    %dma_start3A_278 = arith.constant 0 : i32
    %dma_start3A_279 = arith.constant 2432 : i32
    %dma_start3A_280 = tpu.memref_slice %arg6[%dma_start3A_278, %dma_start3A_279] : memref<32x3072xf32, #tpu.memory_space<vmem>> -> memref<32x128xf32, #tpu.memory_space<vmem>>
    %dma_start3A_281 = arith.constant 0 : i32
    %dma_start3A_282 = tpu.memref_slice %arg3[%dma_start3A_281, %multiple_of3A_272] : memref<32x1000000xf32, #tpu.memory_space<hbm>> -> memref<32x128xf32, #tpu.memory_space<hbm>>
    tpu.enqueue_dma source(%dma_start3A_282 : memref<32x128xf32, #tpu.memory_space<hbm>>) target(%dma_start3A_280 : memref<32x128xf32, #tpu.memory_space<vmem>>) target_semaphore(%arg10 : memref<!tpu.dma_semaphore, #tpu.memory_space<semaphore_mem>>)
    %slice3A_283 = vector.extract_strided_slice %and3A_230 {offsets = [4], sizes = [1], strides = [1]} : vector<16xi32> to vector<1xi32>
    %squeeze3A_284 = vector.extract %slice3A_283[0] : i32 from vector<1xi32>
    %multiple_of3A_285 = tpu.assume_multiple %squeeze3A_284, 128 : i32
    %dma_start3A_286 = arith.constant 0 : i32
    %dma_start3A_287 = arith.constant 2560 : i32
    %dma_start3A_288 = tpu.memref_slice %arg6[%dma_start3A_286, %dma_start3A_287] : memref<32x3072xf32, #tpu.memory_space<vmem>> -> memref<32x128xf32, #tpu.memory_space<vmem>>
    %dma_start3A_289 = arith.constant 0 : i32
    %dma_start3A_290 = tpu.memref_slice %arg3[%dma_start3A_289, %multiple_of3A_285] : memref<32x1000000xf32, #tpu.memory_space<hbm>> -> memref<32x128xf32, #tpu.memory_space<hbm>>
    %dma_start3A_291 = arith.constant 0 : i32
    %dma_start3A_292 = arith.constant 2560 : i32
    %dma_start3A_293 = tpu.memref_slice %arg6[%dma_start3A_291, %dma_start3A_292] : memref<32x3072xf32, #tpu.memory_space<vmem>> -> memref<32x128xf32, #tpu.memory_space<vmem>>
    %dma_start3A_294 = arith.constant 0 : i32
    %dma_start3A_295 = tpu.memref_slice %arg3[%dma_start3A_294, %multiple_of3A_285] : memref<32x1000000xf32, #tpu.memory_space<hbm>> -> memref<32x128xf32, #tpu.memory_space<hbm>>
    tpu.enqueue_dma source(%dma_start3A_295 : memref<32x128xf32, #tpu.memory_space<hbm>>) target(%dma_start3A_293 : memref<32x128xf32, #tpu.memory_space<vmem>>) target_semaphore(%arg10 : memref<!tpu.dma_semaphore, #tpu.memory_space<semaphore_mem>>)
    %slice3A_296 = vector.extract_strided_slice %and3A_230 {offsets = [5], sizes = [1], strides = [1]} : vector<16xi32> to vector<1xi32>
    %squeeze3A_297 = vector.extract %slice3A_296[0] : i32 from vector<1xi32>
    %multiple_of3A_298 = tpu.assume_multiple %squeeze3A_297, 128 : i32
    %dma_start3A_299 = arith.constant 0 : i32
    %dma_start3A_300 = arith.constant 2688 : i32
    %dma_start3A_301 = tpu.memref_slice %arg6[%dma_start3A_299, %dma_start3A_300] : memref<32x3072xf32, #tpu.memory_space<vmem>> -> memref<32x128xf32, #tpu.memory_space<vmem>>
    %dma_start3A_302 = arith.constant 0 : i32
    %dma_start3A_303 = tpu.memref_slice %arg3[%dma_start3A_302, %multiple_of3A_298] : memref<32x1000000xf32, #tpu.memory_space<hbm>> -> memref<32x128xf32, #tpu.memory_space<hbm>>
    %dma_start3A_304 = arith.constant 0 : i32
    %dma_start3A_305 = arith.constant 2688 : i32
    %dma_start3A_306 = tpu.memref_slice %arg6[%dma_start3A_304, %dma_start3A_305] : memref<32x3072xf32, #tpu.memory_space<vmem>> -> memref<32x128xf32, #tpu.memory_space<vmem>>
    %dma_start3A_307 = arith.constant 0 : i32
    %dma_start3A_308 = tpu.memref_slice %arg3[%dma_start3A_307, %multiple_of3A_298] : memref<32x1000000xf32, #tpu.memory_space<hbm>> -> memref<32x128xf32, #tpu.memory_space<hbm>>
    tpu.enqueue_dma source(%dma_start3A_308 : memref<32x128xf32, #tpu.memory_space<hbm>>) target(%dma_start3A_306 : memref<32x128xf32, #tpu.memory_space<vmem>>) target_semaphore(%arg10 : memref<!tpu.dma_semaphore, #tpu.memory_space<semaphore_mem>>)
    %slice3A_309 = vector.extract_strided_slice %and3A_230 {offsets = [6], sizes = [1], strides = [1]} : vector<16xi32> to vector<1xi32>
    %squeeze3A_310 = vector.extract %slice3A_309[0] : i32 from vector<1xi32>
    %multiple_of3A_311 = tpu.assume_multiple %squeeze3A_310, 128 : i32
    %dma_start3A_312 = arith.constant 0 : i32
    %dma_start3A_313 = arith.constant 2816 : i32
    %dma_start3A_314 = tpu.memref_slice %arg6[%dma_start3A_312, %dma_start3A_313] : memref<32x3072xf32, #tpu.memory_space<vmem>> -> memref<32x128xf32, #tpu.memory_space<vmem>>
    %dma_start3A_315 = arith.constant 0 : i32
    %dma_start3A_316 = tpu.memref_slice %arg3[%dma_start3A_315, %multiple_of3A_311] : memref<32x1000000xf32, #tpu.memory_space<hbm>> -> memref<32x128xf32, #tpu.memory_space<hbm>>
    %dma_start3A_317 = arith.constant 0 : i32
    %dma_start3A_318 = arith.constant 2816 : i32
    %dma_start3A_319 = tpu.memref_slice %arg6[%dma_start3A_317, %dma_start3A_318] : memref<32x3072xf32, #tpu.memory_space<vmem>> -> memref<32x128xf32, #tpu.memory_space<vmem>>
    %dma_start3A_320 = arith.constant 0 : i32
    %dma_start3A_321 = tpu.memref_slice %arg3[%dma_start3A_320, %multiple_of3A_311] : memref<32x1000000xf32, #tpu.memory_space<hbm>> -> memref<32x128xf32, #tpu.memory_space<hbm>>
    tpu.enqueue_dma source(%dma_start3A_321 : memref<32x128xf32, #tpu.memory_space<hbm>>) target(%dma_start3A_319 : memref<32x128xf32, #tpu.memory_space<vmem>>) target_semaphore(%arg10 : memref<!tpu.dma_semaphore, #tpu.memory_space<semaphore_mem>>)
    %slice3A_322 = vector.extract_strided_slice %and3A_230 {offsets = [7], sizes = [1], strides = [1]} : vector<16xi32> to vector<1xi32>
    %squeeze3A_323 = vector.extract %slice3A_322[0] : i32 from vector<1xi32>
    %multiple_of3A_324 = tpu.assume_multiple %squeeze3A_323, 128 : i32
    %dma_start3A_325 = arith.constant 0 : i32
    %dma_start3A_326 = arith.constant 2944 : i32
    %dma_start3A_327 = tpu.memref_slice %arg6[%dma_start3A_325, %dma_start3A_326] : memref<32x3072xf32, #tpu.memory_space<vmem>> -> memref<32x128xf32, #tpu.memory_space<vmem>>
    %dma_start3A_328 = arith.constant 0 : i32
    %dma_start3A_329 = tpu.memref_slice %arg3[%dma_start3A_328, %multiple_of3A_324] : memref<32x1000000xf32, #tpu.memory_space<hbm>> -> memref<32x128xf32, #tpu.memory_space<hbm>>
    %dma_start3A_330 = arith.constant 0 : i32
    %dma_start3A_331 = arith.constant 2944 : i32
    %dma_start3A_332 = tpu.memref_slice %arg6[%dma_start3A_330, %dma_start3A_331] : memref<32x3072xf32, #tpu.memory_space<vmem>> -> memref<32x128xf32, #tpu.memory_space<vmem>>
    %dma_start3A_333 = arith.constant 0 : i32
    %dma_start3A_334 = tpu.memref_slice %arg3[%dma_start3A_333, %multiple_of3A_324] : memref<32x1000000xf32, #tpu.memory_space<hbm>> -> memref<32x128xf32, #tpu.memory_space<hbm>>
    tpu.enqueue_dma source(%dma_start3A_334 : memref<32x128xf32, #tpu.memory_space<hbm>>) target(%dma_start3A_332 : memref<32x128xf32, #tpu.memory_space<vmem>>) target_semaphore(%arg10 : memref<!tpu.dma_semaphore, #tpu.memory_space<semaphore_mem>>)
    %dma_wait3A = arith.constant 0 : i32
    %dma_wait3A_335 = arith.constant 0 : i32
    %dma_wait3A_336 = tpu.memref_slice %arg6[%dma_wait3A, %dma_wait3A_335] : memref<32x3072xf32, #tpu.memory_space<vmem>> -> memref<32x1024xf32, #tpu.memory_space<vmem>>
    %dma_wait3A_337 = arith.constant 0 : i32
    %dma_wait3A_338 = arith.constant 0 : i32
    %dma_wait3A_339 = tpu.memref_slice %arg4[%dma_wait3A_337, %dma_wait3A_338] : memref<32x16384xf32, #tpu.memory_space<hbm>> -> memref<32x1024xf32, #tpu.memory_space<hbm>>
    %dma_wait3A_340 = arith.constant 0 : i32
    %dma_wait3A_341 = arith.constant 0 : i32
    %dma_wait3A_342 = tpu.memref_slice %arg6[%dma_wait3A_340, %dma_wait3A_341] : memref<32x3072xf32, #tpu.memory_space<vmem>> -> memref<32x1024xf32, #tpu.memory_space<vmem>>
    %dma_wait3A_343 = arith.constant 0 : i32
    %dma_wait3A_344 = arith.constant 0 : i32
    %dma_wait3A_345 = tpu.memref_slice %arg4[%dma_wait3A_343, %dma_wait3A_344] : memref<32x16384xf32, #tpu.memory_space<hbm>> -> memref<32x1024xf32, #tpu.memory_space<hbm>>
    tpu.wait_dma2 semaphore(%arg8 : memref<!tpu.dma_semaphore, #tpu.memory_space<semaphore_mem>>) src(%dma_wait3A_345 : memref<32x1024xf32, #tpu.memory_space<hbm>>) dst(%dma_wait3A_342 : memref<32x1024xf32, #tpu.memory_space<vmem>>)
    %add3A_346 = arith.constant 0 : i32
    %add3A_347 = vector.broadcast %add3A_346 : i32 to vector<16xi32>
    %add3A_348 = arith.addi %add3A_347, %and3A_4 : vector<16xi32>
    %gather3A_349 = tpu.vector_load_idx %arg5[%add3A_348] : memref<512xi32, #tpu.memory_space<vmem>>[vector<16xi32>], vector<16xi32>,
    %and3A_350 = arith.constant 127 : i32
    %and3A_351 = vector.broadcast %and3A_350 : i32 to vector<16xi32>
    %and3A_352 = arith.andi %gather3A_349, %and3A_351 : vector<16xi32>
    %mul3A_353 = arith.constant 128 : i32
    %mul3A_354 = vector.broadcast %mul3A_353 : i32 to vector<16xi32>
    %mul3A_355 = arith.muli %and3A_4, %mul3A_354 : vector<16xi32>
    %add3A_356 = arith.constant 0 : i32
    %add3A_357 = vector.broadcast %add3A_356 : i32 to vector<16xi32>
    %add3A_358 = arith.addi %add3A_357, %mul3A_355 : vector<16xi32>
    %add3A_359 = arith.addi %add3A_358, %and3A_352 : vector<16xi32>
    %add3A_360 = arith.constant 0 : i32
    %add3A_361 = vector.broadcast %add3A_360 : i32 to vector<16xi32>
    %add3A_362 = arith.addi %add3A_361, %and3A_4 : vector<16xi32>
    %mul3A_363 = arith.constant 512 : i32
    %mul3A_364 = vector.broadcast %mul3A_363 : i32 to vector<16xi32>
    %mul3A_365 = arith.muli %shift_right_logical3A_6, %mul3A_364 : vector<16xi32>
    %add3A_366 = arith.addi %add3A_362, %mul3A_365 : vector<16xi32>
    %mul3A_367 = arith.constant 16 : i32
    %mul3A_368 = vector.broadcast %mul3A_367 : i32 to vector<16xi32>
    %mul3A_369 = arith.muli %shift_right_logical3A_6, %mul3A_368 : vector<16xi32>
    %add3A_370 = arith.constant 0 : i32
    %add3A_371 = vector.broadcast %add3A_370 : i32 to vector<16xi32>
    %add3A_372 = arith.addi %add3A_371, %mul3A_369 : vector<16xi32>
    %gather3A_373 = tpu.vector_load_idx %arg6[%add3A_372, %add3A_359] : memref<32x3072xf32, #tpu.memory_space<vmem>>[vector<16xi32>, vector<16xi32>], vector<16xf32>,
    %broadcast_in_dim3A = arith.constant 0 : i32
    %broadcast_in_dim3A_374 = vector.broadcast %broadcast_in_dim3A : i32 to vector<16xi32>
    tpu.vector_store_idx %arg7[%broadcast_in_dim3A_374, %add3A_366], %gather3A_373 : memref<16x1024xf32, #tpu.memory_space<vmem>>[vector<16xi32>, vector<16xi32>], vector<16xf32>,
    %mul3A_375 = arith.constant 16 : i32
    %mul3A_376 = vector.broadcast %mul3A_375 : i32 to vector<16xi32>
    %mul3A_377 = arith.muli %shift_right_logical3A_6, %mul3A_376 : vector<16xi32>
    %add3A_378 = arith.constant 1 : i32
    %add3A_379 = vector.broadcast %add3A_378 : i32 to vector<16xi32>
    %add3A_380 = arith.addi %add3A_379, %mul3A_377 : vector<16xi32>
    %gather3A_381 = tpu.vector_load_idx %arg6[%add3A_380, %add3A_359] : memref<32x3072xf32, #tpu.memory_space<vmem>>[vector<16xi32>, vector<16xi32>], vector<16xf32>,
    %broadcast_in_dim3A_382 = arith.constant 1 : i32
    %broadcast_in_dim3A_383 = vector.broadcast %broadcast_in_dim3A_382 : i32 to vector<16xi32>
    tpu.vector_store_idx %arg7[%broadcast_in_dim3A_383, %add3A_366], %gather3A_381 : memref<16x1024xf32, #tpu.memory_space<vmem>>[vector<16xi32>, vector<16xi32>], vector<16xf32>,
    %mul3A_384 = arith.constant 16 : i32
    %mul3A_385 = vector.broadcast %mul3A_384 : i32 to vector<16xi32>
    %mul3A_386 = arith.muli %shift_right_logical3A_6, %mul3A_385 : vector<16xi32>
    %add3A_387 = arith.constant 2 : i32
    %add3A_388 = vector.broadcast %add3A_387 : i32 to vector<16xi32>
    %add3A_389 = arith.addi %add3A_388, %mul3A_386 : vector<16xi32>
    %gather3A_390 = tpu.vector_load_idx %arg6[%add3A_389, %add3A_359] : memref<32x3072xf32, #tpu.memory_space<vmem>>[vector<16xi32>, vector<16xi32>], vector<16xf32>,
    %broadcast_in_dim3A_391 = arith.constant 2 : i32
    %broadcast_in_dim3A_392 = vector.broadcast %broadcast_in_dim3A_391 : i32 to vector<16xi32>
    tpu.vector_store_idx %arg7[%broadcast_in_dim3A_392, %add3A_366], %gather3A_390 : memref<16x1024xf32, #tpu.memory_space<vmem>>[vector<16xi32>, vector<16xi32>], vector<16xf32>,
    %mul3A_393 = arith.constant 16 : i32
    %mul3A_394 = vector.broadcast %mul3A_393 : i32 to vector<16xi32>
    %mul3A_395 = arith.muli %shift_right_logical3A_6, %mul3A_394 : vector<16xi32>
    %add3A_396 = arith.constant 3 : i32
    %add3A_397 = vector.broadcast %add3A_396 : i32 to vector<16xi32>
    %add3A_398 = arith.addi %add3A_397, %mul3A_395 : vector<16xi32>
    %gather3A_399 = tpu.vector_load_idx %arg6[%add3A_398, %add3A_359] : memref<32x3072xf32, #tpu.memory_space<vmem>>[vector<16xi32>, vector<16xi32>], vector<16xf32>,
    %broadcast_in_dim3A_400 = arith.constant 3 : i32
    %broadcast_in_dim3A_401 = vector.broadcast %broadcast_in_dim3A_400 : i32 to vector<16xi32>
    tpu.vector_store_idx %arg7[%broadcast_in_dim3A_401, %add3A_366], %gather3A_399 : memref<16x1024xf32, #tpu.memory_space<vmem>>[vector<16xi32>, vector<16xi32>], vector<16xf32>,
    %mul3A_402 = arith.constant 16 : i32
    %mul3A_403 = vector.broadcast %mul3A_402 : i32 to vector<16xi32>
    %mul3A_404 = arith.muli %shift_right_logical3A_6, %mul3A_403 : vector<16xi32>
    %add3A_405 = arith.constant 4 : i32
    %add3A_406 = vector.broadcast %add3A_405 : i32 to vector<16xi32>
    %add3A_407 = arith.addi %add3A_406, %mul3A_404 : vector<16xi32>
    %gather3A_408 = tpu.vector_load_idx %arg6[%add3A_407, %add3A_359] : memref<32x3072xf32, #tpu.memory_space<vmem>>[vector<16xi32>, vector<16xi32>], vector<16xf32>,
    %broadcast_in_dim3A_409 = arith.constant 4 : i32
    %broadcast_in_dim3A_410 = vector.broadcast %broadcast_in_dim3A_409 : i32 to vector<16xi32>
    tpu.vector_store_idx %arg7[%broadcast_in_dim3A_410, %add3A_366], %gather3A_408 : memref<16x1024xf32, #tpu.memory_space<vmem>>[vector<16xi32>, vector<16xi32>], vector<16xf32>,
    %mul3A_411 = arith.constant 16 : i32
    %mul3A_412 = vector.broadcast %mul3A_411 : i32 to vector<16xi32>
    %mul3A_413 = arith.muli %shift_right_logical3A_6, %mul3A_412 : vector<16xi32>
    %add3A_414 = arith.constant 5 : i32
    %add3A_415 = vector.broadcast %add3A_414 : i32 to vector<16xi32>
    %add3A_416 = arith.addi %add3A_415, %mul3A_413 : vector<16xi32>
    %gather3A_417 = tpu.vector_load_idx %arg6[%add3A_416, %add3A_359] : memref<32x3072xf32, #tpu.memory_space<vmem>>[vector<16xi32>, vector<16xi32>], vector<16xf32>,
    %broadcast_in_dim3A_418 = arith.constant 5 : i32
    %broadcast_in_dim3A_419 = vector.broadcast %broadcast_in_dim3A_418 : i32 to vector<16xi32>
    tpu.vector_store_idx %arg7[%broadcast_in_dim3A_419, %add3A_366], %gather3A_417 : memref<16x1024xf32, #tpu.memory_space<vmem>>[vector<16xi32>, vector<16xi32>], vector<16xf32>,
    %mul3A_420 = arith.constant 16 : i32
    %mul3A_421 = vector.broadcast %mul3A_420 : i32 to vector<16xi32>
    %mul3A_422 = arith.muli %shift_right_logical3A_6, %mul3A_421 : vector<16xi32>
    %add3A_423 = arith.constant 6 : i32
    %add3A_424 = vector.broadcast %add3A_423 : i32 to vector<16xi32>
    %add3A_425 = arith.addi %add3A_424, %mul3A_422 : vector<16xi32>
    %gather3A_426 = tpu.vector_load_idx %arg6[%add3A_425, %add3A_359] : memref<32x3072xf32, #tpu.memory_space<vmem>>[vector<16xi32>, vector<16xi32>], vector<16xf32>,
    %broadcast_in_dim3A_427 = arith.constant 6 : i32
    %broadcast_in_dim3A_428 = vector.broadcast %broadcast_in_dim3A_427 : i32 to vector<16xi32>
    tpu.vector_store_idx %arg7[%broadcast_in_dim3A_428, %add3A_366], %gather3A_426 : memref<16x1024xf32, #tpu.memory_space<vmem>>[vector<16xi32>, vector<16xi32>], vector<16xf32>,
    %mul3A_429 = arith.constant 16 : i32
    %mul3A_430 = vector.broadcast %mul3A_429 : i32 to vector<16xi32>
    %mul3A_431 = arith.muli %shift_right_logical3A_6, %mul3A_430 : vector<16xi32>
    %add3A_432 = arith.constant 7 : i32
    %add3A_433 = vector.broadcast %add3A_432 : i32 to vector<16xi32>
    %add3A_434 = arith.addi %add3A_433, %mul3A_431 : vector<16xi32>
    %gather3A_435 = tpu.vector_load_idx %arg6[%add3A_434, %add3A_359] : memref<32x3072xf32, #tpu.memory_space<vmem>>[vector<16xi32>, vector<16xi32>], vector<16xf32>,
    %broadcast_in_dim3A_436 = arith.constant 7 : i32
    %broadcast_in_dim3A_437 = vector.broadcast %broadcast_in_dim3A_436 : i32 to vector<16xi32>
    tpu.vector_store_idx %arg7[%broadcast_in_dim3A_437, %add3A_366], %gather3A_435 : memref<16x1024xf32, #tpu.memory_space<vmem>>[vector<16xi32>, vector<16xi32>], vector<16xf32>,
    %mul3A_438 = arith.constant 16 : i32
    %mul3A_439 = vector.broadcast %mul3A_438 : i32 to vector<16xi32>
    %mul3A_440 = arith.muli %shift_right_logical3A_6, %mul3A_439 : vector<16xi32>
    %add3A_441 = arith.constant 8 : i32
    %add3A_442 = vector.broadcast %add3A_441 : i32 to vector<16xi32>
    %add3A_443 = arith.addi %add3A_442, %mul3A_440 : vector<16xi32>
    %gather3A_444 = tpu.vector_load_idx %arg6[%add3A_443, %add3A_359] : memref<32x3072xf32, #tpu.memory_space<vmem>>[vector<16xi32>, vector<16xi32>], vector<16xf32>,
    %broadcast_in_dim3A_445 = arith.constant 8 : i32
    %broadcast_in_dim3A_446 = vector.broadcast %broadcast_in_dim3A_445 : i32 to vector<16xi32>
    tpu.vector_store_idx %arg7[%broadcast_in_dim3A_446, %add3A_366], %gather3A_444 : memref<16x1024xf32, #tpu.memory_space<vmem>>[vector<16xi32>, vector<16xi32>], vector<16xf32>,
    %mul3A_447 = arith.constant 16 : i32
    %mul3A_448 = vector.broadcast %mul3A_447 : i32 to vector<16xi32>
    %mul3A_449 = arith.muli %shift_right_logical3A_6, %mul3A_448 : vector<16xi32>
    %add3A_450 = arith.constant 9 : i32
    %add3A_451 = vector.broadcast %add3A_450 : i32 to vector<16xi32>
    %add3A_452 = arith.addi %add3A_451, %mul3A_449 : vector<16xi32>
    %gather3A_453 = tpu.vector_load_idx %arg6[%add3A_452, %add3A_359] : memref<32x3072xf32, #tpu.memory_space<vmem>>[vector<16xi32>, vector<16xi32>], vector<16xf32>,
    %broadcast_in_dim3A_454 = arith.constant 9 : i32
    %broadcast_in_dim3A_455 = vector.broadcast %broadcast_in_dim3A_454 : i32 to vector<16xi32>
    tpu.vector_store_idx %arg7[%broadcast_in_dim3A_455, %add3A_366], %gather3A_453 : memref<16x1024xf32, #tpu.memory_space<vmem>>[vector<16xi32>, vector<16xi32>], vector<16xf32>,
    %mul3A_456 = arith.constant 16 : i32
    %mul3A_457 = vector.broadcast %mul3A_456 : i32 to vector<16xi32>
    %mul3A_458 = arith.muli %shift_right_logical3A_6, %mul3A_457 : vector<16xi32>
    %add3A_459 = arith.constant 10 : i32
    %add3A_460 = vector.broadcast %add3A_459 : i32 to vector<16xi32>
    %add3A_461 = arith.addi %add3A_460, %mul3A_458 : vector<16xi32>
    %gather3A_462 = tpu.vector_load_idx %arg6[%add3A_461, %add3A_359] : memref<32x3072xf32, #tpu.memory_space<vmem>>[vector<16xi32>, vector<16xi32>], vector<16xf32>,
    %broadcast_in_dim3A_463 = arith.constant 10 : i32
    %broadcast_in_dim3A_464 = vector.broadcast %broadcast_in_dim3A_463 : i32 to vector<16xi32>
    tpu.vector_store_idx %arg7[%broadcast_in_dim3A_464, %add3A_366], %gather3A_462 : memref<16x1024xf32, #tpu.memory_space<vmem>>[vector<16xi32>, vector<16xi32>], vector<16xf32>,
    %mul3A_465 = arith.constant 16 : i32
    %mul3A_466 = vector.broadcast %mul3A_465 : i32 to vector<16xi32>
    %mul3A_467 = arith.muli %shift_right_logical3A_6, %mul3A_466 : vector<16xi32>
    %add3A_468 = arith.constant 11 : i32
    %add3A_469 = vector.broadcast %add3A_468 : i32 to vector<16xi32>
    %add3A_470 = arith.addi %add3A_469, %mul3A_467 : vector<16xi32>
    %gather3A_471 = tpu.vector_load_idx %arg6[%add3A_470, %add3A_359] : memref<32x3072xf32, #tpu.memory_space<vmem>>[vector<16xi32>, vector<16xi32>], vector<16xf32>,
    %broadcast_in_dim3A_472 = arith.constant 11 : i32
    %broadcast_in_dim3A_473 = vector.broadcast %broadcast_in_dim3A_472 : i32 to vector<16xi32>
    tpu.vector_store_idx %arg7[%broadcast_in_dim3A_473, %add3A_366], %gather3A_471 : memref<16x1024xf32, #tpu.memory_space<vmem>>[vector<16xi32>, vector<16xi32>], vector<16xf32>,
    %mul3A_474 = arith.constant 16 : i32
    %mul3A_475 = vector.broadcast %mul3A_474 : i32 to vector<16xi32>
    %mul3A_476 = arith.muli %shift_right_logical3A_6, %mul3A_475 : vector<16xi32>
    %add3A_477 = arith.constant 12 : i32
    %add3A_478 = vector.broadcast %add3A_477 : i32 to vector<16xi32>
    %add3A_479 = arith.addi %add3A_478, %mul3A_476 : vector<16xi32>
    %gather3A_480 = tpu.vector_load_idx %arg6[%add3A_479, %add3A_359] : memref<32x3072xf32, #tpu.memory_space<vmem>>[vector<16xi32>, vector<16xi32>], vector<16xf32>,
    %broadcast_in_dim3A_481 = arith.constant 12 : i32
    %broadcast_in_dim3A_482 = vector.broadcast %broadcast_in_dim3A_481 : i32 to vector<16xi32>
    tpu.vector_store_idx %arg7[%broadcast_in_dim3A_482, %add3A_366], %gather3A_480 : memref<16x1024xf32, #tpu.memory_space<vmem>>[vector<16xi32>, vector<16xi32>], vector<16xf32>,
    %mul3A_483 = arith.constant 16 : i32
    %mul3A_484 = vector.broadcast %mul3A_483 : i32 to vector<16xi32>
    %mul3A_485 = arith.muli %shift_right_logical3A_6, %mul3A_484 : vector<16xi32>
    %add3A_486 = arith.constant 13 : i32
    %add3A_487 = vector.broadcast %add3A_486 : i32 to vector<16xi32>
    %add3A_488 = arith.addi %add3A_487, %mul3A_485 : vector<16xi32>
    %gather3A_489 = tpu.vector_load_idx %arg6[%add3A_488, %add3A_359] : memref<32x3072xf32, #tpu.memory_space<vmem>>[vector<16xi32>, vector<16xi32>], vector<16xf32>,
    %broadcast_in_dim3A_490 = arith.constant 13 : i32
    %broadcast_in_dim3A_491 = vector.broadcast %broadcast_in_dim3A_490 : i32 to vector<16xi32>
    tpu.vector_store_idx %arg7[%broadcast_in_dim3A_491, %add3A_366], %gather3A_489 : memref<16x1024xf32, #tpu.memory_space<vmem>>[vector<16xi32>, vector<16xi32>], vector<16xf32>,
    %mul3A_492 = arith.constant 16 : i32
    %mul3A_493 = vector.broadcast %mul3A_492 : i32 to vector<16xi32>
    %mul3A_494 = arith.muli %shift_right_logical3A_6, %mul3A_493 : vector<16xi32>
    %add3A_495 = arith.constant 14 : i32
    %add3A_496 = vector.broadcast %add3A_495 : i32 to vector<16xi32>
    %add3A_497 = arith.addi %add3A_496, %mul3A_494 : vector<16xi32>
    %gather3A_498 = tpu.vector_load_idx %arg6[%add3A_497, %add3A_359] : memref<32x3072xf32, #tpu.memory_space<vmem>>[vector<16xi32>, vector<16xi32>], vector<16xf32>,
    %broadcast_in_dim3A_499 = arith.constant 14 : i32
    %broadcast_in_dim3A_500 = vector.broadcast %broadcast_in_dim3A_499 : i32 to vector<16xi32>
    tpu.vector_store_idx %arg7[%broadcast_in_dim3A_500, %add3A_366], %gather3A_498 : memref<16x1024xf32, #tpu.memory_space<vmem>>[vector<16xi32>, vector<16xi32>], vector<16xf32>,
    %mul3A_501 = arith.constant 16 : i32
    %mul3A_502 = vector.broadcast %mul3A_501 : i32 to vector<16xi32>
    %mul3A_503 = arith.muli %shift_right_logical3A_6, %mul3A_502 : vector<16xi32>
    %add3A_504 = arith.constant 15 : i32
    %add3A_505 = vector.broadcast %add3A_504 : i32 to vector<16xi32>
    %add3A_506 = arith.addi %add3A_505, %mul3A_503 : vector<16xi32>
    %gather3A_507 = tpu.vector_load_idx %arg6[%add3A_506, %add3A_359] : memref<32x3072xf32, #tpu.memory_space<vmem>>[vector<16xi32>, vector<16xi32>], vector<16xf32>,
    %broadcast_in_dim3A_508 = arith.constant 15 : i32
    %broadcast_in_dim3A_509 = vector.broadcast %broadcast_in_dim3A_508 : i32 to vector<16xi32>
    tpu.vector_store_idx %arg7[%broadcast_in_dim3A_509, %add3A_366], %gather3A_507 : memref<16x1024xf32, #tpu.memory_space<vmem>>[vector<16xi32>, vector<16xi32>], vector<16xf32>,
    %add3A_510 = arith.constant 24 : i32
    %add3A_511 = vector.broadcast %add3A_510 : i32 to vector<16xi32>
    %add3A_512 = arith.addi %add3A_511, %and3A_4 : vector<16xi32>
    %gather3A_513 = tpu.vector_load_idx %arg5[%add3A_512] : memref<512xi32, #tpu.memory_space<vmem>>[vector<16xi32>], vector<16xi32>,
    %and3A_514 = arith.constant -128 : i32
    %and3A_515 = vector.broadcast %and3A_514 : i32 to vector<16xi32>
    %and3A_516 = arith.andi %gather3A_513, %and3A_515 : vector<16xi32>
    %slice3A_517 = vector.extract_strided_slice %and3A_516 {offsets = [0], sizes = [1], strides = [1]} : vector<16xi32> to vector<1xi32>
    %squeeze3A_518 = vector.extract %slice3A_517[0] : i32 from vector<1xi32>
    %multiple_of3A_519 = tpu.assume_multiple %squeeze3A_518, 128 : i32
    %dma_start3A_520 = arith.constant 0 : i32
    %dma_start3A_521 = arith.constant 0 : i32
    %dma_start3A_522 = tpu.memref_slice %arg6[%dma_start3A_520, %dma_start3A_521] : memref<32x3072xf32, #tpu.memory_space<vmem>> -> memref<32x128xf32, #tpu.memory_space<vmem>>
    %dma_start3A_523 = arith.constant 0 : i32
    %dma_start3A_524 = tpu.memref_slice %arg3[%dma_start3A_523, %multiple_of3A_519] : memref<32x1000000xf32, #tpu.memory_space<hbm>> -> memref<32x128xf32, #tpu.memory_space<hbm>>
    %dma_start3A_525 = arith.constant 0 : i32
    %dma_start3A_526 = arith.constant 0 : i32
    %dma_start3A_527 = tpu.memref_slice %arg6[%dma_start3A_525, %dma_start3A_526] : memref<32x3072xf32, #tpu.memory_space<vmem>> -> memref<32x128xf32, #tpu.memory_space<vmem>>
    %dma_start3A_528 = arith.constant 0 : i32
    %dma_start3A_529 = tpu.memref_slice %arg3[%dma_start3A_528, %multiple_of3A_519] : memref<32x1000000xf32, #tpu.memory_space<hbm>> -> memref<32x128xf32, #tpu.memory_space<hbm>>
    tpu.enqueue_dma source(%dma_start3A_529 : memref<32x128xf32, #tpu.memory_space<hbm>>) target(%dma_start3A_527 : memref<32x128xf32, #tpu.memory_space<vmem>>) target_semaphore(%arg8 : memref<!tpu.dma_semaphore, #tpu.memory_space<semaphore_mem>>)
    %slice3A_530 = vector.extract_strided_slice %and3A_516 {offsets = [1], sizes = [1], strides = [1]} : vector<16xi32> to vector<1xi32>
    %squeeze3A_531 = vector.extract %slice3A_530[0] : i32 from vector<1xi32>
    %multiple_of3A_532 = tpu.assume_multiple %squeeze3A_531, 128 : i32
    %dma_start3A_533 = arith.constant 0 : i32
    %dma_start3A_534 = arith.constant 128 : i32
    %dma_start3A_535 = tpu.memref_slice %arg6[%dma_start3A_533, %dma_start3A_534] : memref<32x3072xf32, #tpu.memory_space<vmem>> -> memref<32x128xf32, #tpu.memory_space<vmem>>
    %dma_start3A_536 = arith.constant 0 : i32
    %dma_start3A_537 = tpu.memref_slice %arg3[%dma_start3A_536, %multiple_of3A_532] : memref<32x1000000xf32, #tpu.memory_space<hbm>> -> memref<32x128xf32, #tpu.memory_space<hbm>>
    %dma_start3A_538 = arith.constant 0 : i32
    %dma_start3A_539 = arith.constant 128 : i32
    %dma_start3A_540 = tpu.memref_slice %arg6[%dma_start3A_538, %dma_start3A_539] : memref<32x3072xf32, #tpu.memory_space<vmem>> -> memref<32x128xf32, #tpu.memory_space<vmem>>
    %dma_start3A_541 = arith.constant 0 : i32
    %dma_start3A_542 = tpu.memref_slice %arg3[%dma_start3A_541, %multiple_of3A_532] : memref<32x1000000xf32, #tpu.memory_space<hbm>> -> memref<32x128xf32, #tpu.memory_space<hbm>>
    tpu.enqueue_dma source(%dma_start3A_542 : memref<32x128xf32, #tpu.memory_space<hbm>>) target(%dma_start3A_540 : memref<32x128xf32, #tpu.memory_space<vmem>>) target_semaphore(%arg8 : memref<!tpu.dma_semaphore, #tpu.memory_space<semaphore_mem>>)
    %slice3A_543 = vector.extract_strided_slice %and3A_516 {offsets = [2], sizes = [1], strides = [1]} : vector<16xi32> to vector<1xi32>
    %squeeze3A_544 = vector.extract %slice3A_543[0] : i32 from vector<1xi32>
    %multiple_of3A_545 = tpu.assume_multiple %squeeze3A_544, 128 : i32
    %dma_start3A_546 = arith.constant 0 : i32
    %dma_start3A_547 = arith.constant 256 : i32
    %dma_start3A_548 = tpu.memref_slice %arg6[%dma_start3A_546, %dma_start3A_547] : memref<32x3072xf32, #tpu.memory_space<vmem>> -> memref<32x128xf32, #tpu.memory_space<vmem>>
    %dma_start3A_549 = arith.constant 0 : i32
    %dma_start3A_550 = tpu.memref_slice %arg3[%dma_start3A_549, %multiple_of3A_545] : memref<32x1000000xf32, #tpu.memory_space<hbm>> -> memref<32x128xf32, #tpu.memory_space<hbm>>
    %dma_start3A_551 = arith.constant 0 : i32
    %dma_start3A_552 = arith.constant 256 : i32
    %dma_start3A_553 = tpu.memref_slice %arg6[%dma_start3A_551, %dma_start3A_552] : memref<32x3072xf32, #tpu.memory_space<vmem>> -> memref<32x128xf32, #tpu.memory_space<vmem>>
    %dma_start3A_554 = arith.constant 0 : i32
    %dma_start3A_555 = tpu.memref_slice %arg3[%dma_start3A_554, %multiple_of3A_545] : memref<32x1000000xf32, #tpu.memory_space<hbm>> -> memref<32x128xf32, #tpu.memory_space<hbm>>
    tpu.enqueue_dma source(%dma_start3A_555 : memref<32x128xf32, #tpu.memory_space<hbm>>) target(%dma_start3A_553 : memref<32x128xf32, #tpu.memory_space<vmem>>) target_semaphore(%arg8 : memref<!tpu.dma_semaphore, #tpu.memory_space<semaphore_mem>>)
    %slice3A_556 = vector.extract_strided_slice %and3A_516 {offsets = [3], sizes = [1], strides = [1]} : vector<16xi32> to vector<1xi32>
    %squeeze3A_557 = vector.extract %slice3A_556[0] : i32 from vector<1xi32>
    %multiple_of3A_558 = tpu.assume_multiple %squeeze3A_557, 128 : i32
    %dma_start3A_559 = arith.constant 0 : i32
    %dma_start3A_560 = arith.constant 384 : i32
    %dma_start3A_561 = tpu.memref_slice %arg6[%dma_start3A_559, %dma_start3A_560] : memref<32x3072xf32, #tpu.memory_space<vmem>> -> memref<32x128xf32, #tpu.memory_space<vmem>>
    %dma_start3A_562 = arith.constant 0 : i32
    %dma_start3A_563 = tpu.memref_slice %arg3[%dma_start3A_562, %multiple_of3A_558] : memref<32x1000000xf32, #tpu.memory_space<hbm>> -> memref<32x128xf32, #tpu.memory_space<hbm>>
    %dma_start3A_564 = arith.constant 0 : i32
    %dma_start3A_565 = arith.constant 384 : i32
    %dma_start3A_566 = tpu.memref_slice %arg6[%dma_start3A_564, %dma_start3A_565] : memref<32x3072xf32, #tpu.memory_space<vmem>> -> memref<32x128xf32, #tpu.memory_space<vmem>>
    %dma_start3A_567 = arith.constant 0 : i32
    %dma_start3A_568 = tpu.memref_slice %arg3[%dma_start3A_567, %multiple_of3A_558] : memref<32x1000000xf32, #tpu.memory_space<hbm>> -> memref<32x128xf32, #tpu.memory_space<hbm>>
    tpu.enqueue_dma source(%dma_start3A_568 : memref<32x128xf32, #tpu.memory_space<hbm>>) target(%dma_start3A_566 : memref<32x128xf32, #tpu.memory_space<vmem>>) target_semaphore(%arg8 : memref<!tpu.dma_semaphore, #tpu.memory_space<semaphore_mem>>)
    %slice3A_569 = vector.extract_strided_slice %and3A_516 {offsets = [4], sizes = [1], strides = [1]} : vector<16xi32> to vector<1xi32>
    %squeeze3A_570 = vector.extract %slice3A_569[0] : i32 from vector<1xi32>
    %multiple_of3A_571 = tpu.assume_multiple %squeeze3A_570, 128 : i32
    %dma_start3A_572 = arith.constant 0 : i32
    %dma_start3A_573 = arith.constant 512 : i32
    %dma_start3A_574 = tpu.memref_slice %arg6[%dma_start3A_572, %dma_start3A_573] : memref<32x3072xf32, #tpu.memory_space<vmem>> -> memref<32x128xf32, #tpu.memory_space<vmem>>
    %dma_start3A_575 = arith.constant 0 : i32
    %dma_start3A_576 = tpu.memref_slice %arg3[%dma_start3A_575, %multiple_of3A_571] : memref<32x1000000xf32, #tpu.memory_space<hbm>> -> memref<32x128xf32, #tpu.memory_space<hbm>>
    %dma_start3A_577 = arith.constant 0 : i32
    %dma_start3A_578 = arith.constant 512 : i32
    %dma_start3A_579 = tpu.memref_slice %arg6[%dma_start3A_577, %dma_start3A_578] : memref<32x3072xf32, #tpu.memory_space<vmem>> -> memref<32x128xf32, #tpu.memory_space<vmem>>
    %dma_start3A_580 = arith.constant 0 : i32
    %dma_start3A_581 = tpu.memref_slice %arg3[%dma_start3A_580, %multiple_of3A_571] : memref<32x1000000xf32, #tpu.memory_space<hbm>> -> memref<32x128xf32, #tpu.memory_space<hbm>>
    tpu.enqueue_dma source(%dma_start3A_581 : memref<32x128xf32, #tpu.memory_space<hbm>>) target(%dma_start3A_579 : memref<32x128xf32, #tpu.memory_space<vmem>>) target_semaphore(%arg8 : memref<!tpu.dma_semaphore, #tpu.memory_space<semaphore_mem>>)
    %slice3A_582 = vector.extract_strided_slice %and3A_516 {offsets = [5], sizes = [1], strides = [1]} : vector<16xi32> to vector<1xi32>
    %squeeze3A_583 = vector.extract %slice3A_582[0] : i32 from vector<1xi32>
    %multiple_of3A_584 = tpu.assume_multiple %squeeze3A_583, 128 : i32
    %dma_start3A_585 = arith.constant 0 : i32
    %dma_start3A_586 = arith.constant 640 : i32
    %dma_start3A_587 = tpu.memref_slice %arg6[%dma_start3A_585, %dma_start3A_586] : memref<32x3072xf32, #tpu.memory_space<vmem>> -> memref<32x128xf32, #tpu.memory_space<vmem>>
    %dma_start3A_588 = arith.constant 0 : i32
    %dma_start3A_589 = tpu.memref_slice %arg3[%dma_start3A_588, %multiple_of3A_584] : memref<32x1000000xf32, #tpu.memory_space<hbm>> -> memref<32x128xf32, #tpu.memory_space<hbm>>
    %dma_start3A_590 = arith.constant 0 : i32
    %dma_start3A_591 = arith.constant 640 : i32
    %dma_start3A_592 = tpu.memref_slice %arg6[%dma_start3A_590, %dma_start3A_591] : memref<32x3072xf32, #tpu.memory_space<vmem>> -> memref<32x128xf32, #tpu.memory_space<vmem>>
    %dma_start3A_593 = arith.constant 0 : i32
    %dma_start3A_594 = tpu.memref_slice %arg3[%dma_start3A_593, %multiple_of3A_584] : memref<32x1000000xf32, #tpu.memory_space<hbm>> -> memref<32x128xf32, #tpu.memory_space<hbm>>
    tpu.enqueue_dma source(%dma_start3A_594 : memref<32x128xf32, #tpu.memory_space<hbm>>) target(%dma_start3A_592 : memref<32x128xf32, #tpu.memory_space<vmem>>) target_semaphore(%arg8 : memref<!tpu.dma_semaphore, #tpu.memory_space<semaphore_mem>>)
    %slice3A_595 = vector.extract_strided_slice %and3A_516 {offsets = [6], sizes = [1], strides = [1]} : vector<16xi32> to vector<1xi32>
    %squeeze3A_596 = vector.extract %slice3A_595[0] : i32 from vector<1xi32>
    %multiple_of3A_597 = tpu.assume_multiple %squeeze3A_596, 128 : i32
    %dma_start3A_598 = arith.constant 0 : i32
    %dma_start3A_599 = arith.constant 768 : i32
    %dma_start3A_600 = tpu.memref_slice %arg6[%dma_start3A_598, %dma_start3A_599] : memref<32x3072xf32, #tpu.memory_space<vmem>> -> memref<32x128xf32, #tpu.memory_space<vmem>>
    %dma_start3A_601 = arith.constant 0 : i32
    %dma_start3A_602 = tpu.memref_slice %arg3[%dma_start3A_601, %multiple_of3A_597] : memref<32x1000000xf32, #tpu.memory_space<hbm>> -> memref<32x128xf32, #tpu.memory_space<hbm>>
    %dma_start3A_603 = arith.constant 0 : i32
    %dma_start3A_604 = arith.constant 768 : i32
    %dma_start3A_605 = tpu.memref_slice %arg6[%dma_start3A_603, %dma_start3A_604] : memref<32x3072xf32, #tpu.memory_space<vmem>> -> memref<32x128xf32, #tpu.memory_space<vmem>>
    %dma_start3A_606 = arith.constant 0 : i32
    %dma_start3A_607 = tpu.memref_slice %arg3[%dma_start3A_606, %multiple_of3A_597] : memref<32x1000000xf32, #tpu.memory_space<hbm>> -> memref<32x128xf32, #tpu.memory_space<hbm>>
    tpu.enqueue_dma source(%dma_start3A_607 : memref<32x128xf32, #tpu.memory_space<hbm>>) target(%dma_start3A_605 : memref<32x128xf32, #tpu.memory_space<vmem>>) target_semaphore(%arg8 : memref<!tpu.dma_semaphore, #tpu.memory_space<semaphore_mem>>)
    %slice3A_608 = vector.extract_strided_slice %and3A_516 {offsets = [7], sizes = [1], strides = [1]} : vector<16xi32> to vector<1xi32>
    %squeeze3A_609 = vector.extract %slice3A_608[0] : i32 from vector<1xi32>
    %multiple_of3A_610 = tpu.assume_multiple %squeeze3A_609, 128 : i32
    %dma_start3A_611 = arith.constant 0 : i32
    %dma_start3A_612 = arith.constant 896 : i32
    %dma_start3A_613 = tpu.memref_slice %arg6[%dma_start3A_611, %dma_start3A_612] : memref<32x3072xf32, #tpu.memory_space<vmem>> -> memref<32x128xf32, #tpu.memory_space<vmem>>
    %dma_start3A_614 = arith.constant 0 : i32
    %dma_start3A_615 = tpu.memref_slice %arg3[%dma_start3A_614, %multiple_of3A_610] : memref<32x1000000xf32, #tpu.memory_space<hbm>> -> memref<32x128xf32, #tpu.memory_space<hbm>>
    %dma_start3A_616 = arith.constant 0 : i32
    %dma_start3A_617 = arith.constant 896 : i32
    %dma_start3A_618 = tpu.memref_slice %arg6[%dma_start3A_616, %dma_start3A_617] : memref<32x3072xf32, #tpu.memory_space<vmem>> -> memref<32x128xf32, #tpu.memory_space<vmem>>
    %dma_start3A_619 = arith.constant 0 : i32
    %dma_start3A_620 = tpu.memref_slice %arg3[%dma_start3A_619, %multiple_of3A_610] : memref<32x1000000xf32, #tpu.memory_space<hbm>> -> memref<32x128xf32, #tpu.memory_space<hbm>>
    tpu.enqueue_dma source(%dma_start3A_620 : memref<32x128xf32, #tpu.memory_space<hbm>>) target(%dma_start3A_618 : memref<32x128xf32, #tpu.memory_space<vmem>>) target_semaphore(%arg8 : memref<!tpu.dma_semaphore, #tpu.memory_space<semaphore_mem>>)
    %scan3A = arith.constant 0 : i32
    %scan3A_621 = arith.constant 0 : i32
    %scan3A_622 = arith.constant 21 : i32
    %scan3A_623 = arith.addi %scan3A_621, %scan3A_622 : i32
    %scan3A_624 = arith.constant 1 : i32
    scf.for %scan3A_626 = %scan3A_621 to %scan3A_623 step %scan3A_624  : i32 {
      %mul3A_627 = arith.constant 3 : i32
      %mul3A_628 = arith.muli %mul3A_627, %scan3A_626 : i32
      %add3A_629 = arith.constant 1 : i32
      %add3A_630 = arith.addi %add3A_629, %mul3A_628 : i32
      %add3A_631 = arith.constant 0 : i32
      %add3A_632 = arith.addi %add3A_630, %add3A_631 : i32
      %dma_wait3A_633 = arith.constant 0 : i32
      %dma_wait3A_634 = arith.constant 1024 : i32
      %dma_wait3A_635 = tpu.memref_slice %arg6[%dma_wait3A_633, %dma_wait3A_634] : memref<32x3072xf32, #tpu.memory_space<vmem>> -> memref<32x1024xf32, #tpu.memory_space<vmem>>
      %dma_wait3A_636 = arith.constant 0 : i32
      %dma_wait3A_637 = arith.constant 0 : i32
      %dma_wait3A_638 = tpu.memref_slice %arg4[%dma_wait3A_636, %dma_wait3A_637] : memref<32x16384xf32, #tpu.memory_space<hbm>> -> memref<32x1024xf32, #tpu.memory_space<hbm>>
      %dma_wait3A_639 = arith.constant 0 : i32
      %dma_wait3A_640 = arith.constant 1024 : i32
      %dma_wait3A_641 = tpu.memref_slice %arg6[%dma_wait3A_639, %dma_wait3A_640] : memref<32x3072xf32, #tpu.memory_space<vmem>> -> memref<32x1024xf32, #tpu.memory_space<vmem>>
      %dma_wait3A_642 = arith.constant 0 : i32
      %dma_wait3A_643 = arith.constant 0 : i32
      %dma_wait3A_644 = tpu.memref_slice %arg4[%dma_wait3A_642, %dma_wait3A_643] : memref<32x16384xf32, #tpu.memory_space<hbm>> -> memref<32x1024xf32, #tpu.memory_space<hbm>>
      tpu.wait_dma2 semaphore(%arg9 : memref<!tpu.dma_semaphore, #tpu.memory_space<semaphore_mem>>) src(%dma_wait3A_644 : memref<32x1024xf32, #tpu.memory_space<hbm>>) dst(%dma_wait3A_641 : memref<32x1024xf32, #tpu.memory_space<vmem>>)
      %mul3A_645 = arith.constant 8 : i32
      %mul3A_646 = arith.muli %add3A_632, %mul3A_645 : i32
      %add3A_647 = vector.broadcast %mul3A_646 : i32 to vector<16xi32>
      %add3A_648 = arith.addi %add3A_647, %and3A_4 : vector<16xi32>
      %gather3A_649 = tpu.vector_load_idx %arg5[%add3A_648] : memref<512xi32, #tpu.memory_space<vmem>>[vector<16xi32>], vector<16xi32>,
      %and3A_650 = arith.constant 127 : i32
      %and3A_651 = vector.broadcast %and3A_650 : i32 to vector<16xi32>
      %and3A_652 = arith.andi %gather3A_649, %and3A_651 : vector<16xi32>
      %mul3A_653 = arith.constant 128 : i32
      %mul3A_654 = vector.broadcast %mul3A_653 : i32 to vector<16xi32>
      %mul3A_655 = arith.muli %and3A_4, %mul3A_654 : vector<16xi32>
      %add3A_656 = arith.constant 1024 : i32
      %add3A_657 = vector.broadcast %add3A_656 : i32 to vector<16xi32>
      %add3A_658 = arith.addi %add3A_657, %mul3A_655 : vector<16xi32>
      %add3A_659 = arith.addi %add3A_658, %and3A_652 : vector<16xi32>
      %mul3A_660 = arith.constant 8 : i32
      %mul3A_661 = arith.muli %add3A_632, %mul3A_660 : i32
      %add3A_662 = vector.broadcast %mul3A_661 : i32 to vector<16xi32>
      %add3A_663 = arith.addi %add3A_662, %and3A_4 : vector<16xi32>
      %mul3A_664 = arith.constant 512 : i32
      %mul3A_665 = vector.broadcast %mul3A_664 : i32 to vector<16xi32>
      %mul3A_666 = arith.muli %shift_right_logical3A_6, %mul3A_665 : vector<16xi32>
      %add3A_667 = arith.addi %add3A_663, %mul3A_666 : vector<16xi32>
      %mul3A_668 = arith.constant 16 : i32
      %mul3A_669 = vector.broadcast %mul3A_668 : i32 to vector<16xi32>
      %mul3A_670 = arith.muli %shift_right_logical3A_6, %mul3A_669 : vector<16xi32>
      %add3A_671 = arith.constant 0 : i32
      %add3A_672 = vector.broadcast %add3A_671 : i32 to vector<16xi32>
      %add3A_673 = arith.addi %add3A_672, %mul3A_670 : vector<16xi32>
      %gather3A_674 = tpu.vector_load_idx %arg6[%add3A_673, %add3A_659] : memref<32x3072xf32, #tpu.memory_space<vmem>>[vector<16xi32>, vector<16xi32>], vector<16xf32>,
      %broadcast_in_dim3A_675 = arith.constant 0 : i32
      %broadcast_in_dim3A_676 = vector.broadcast %broadcast_in_dim3A_675 : i32 to vector<16xi32>
      tpu.vector_store_idx %arg7[%broadcast_in_dim3A_676, %add3A_667], %gather3A_674 : memref<16x1024xf32, #tpu.memory_space<vmem>>[vector<16xi32>, vector<16xi32>], vector<16xf32>,
      %mul3A_677 = arith.constant 16 : i32
      %mul3A_678 = vector.broadcast %mul3A_677 : i32 to vector<16xi32>
      %mul3A_679 = arith.muli %shift_right_logical3A_6, %mul3A_678 : vector<16xi32>
      %add3A_680 = arith.constant 1 : i32
      %add3A_681 = vector.broadcast %add3A_680 : i32 to vector<16xi32>
      %add3A_682 = arith.addi %add3A_681, %mul3A_679 : vector<16xi32>
      %gather3A_683 = tpu.vector_load_idx %arg6[%add3A_682, %add3A_659] : memref<32x3072xf32, #tpu.memory_space<vmem>>[vector<16xi32>, vector<16xi32>], vector<16xf32>,
      %broadcast_in_dim3A_684 = arith.constant 1 : i32
      %broadcast_in_dim3A_685 = vector.broadcast %broadcast_in_dim3A_684 : i32 to vector<16xi32>
      tpu.vector_store_idx %arg7[%broadcast_in_dim3A_685, %add3A_667], %gather3A_683 : memref<16x1024xf32, #tpu.memory_space<vmem>>[vector<16xi32>, vector<16xi32>], vector<16xf32>,
      %mul3A_686 = arith.constant 16 : i32
      %mul3A_687 = vector.broadcast %mul3A_686 : i32 to vector<16xi32>
      %mul3A_688 = arith.muli %shift_right_logical3A_6, %mul3A_687 : vector<16xi32>
      %add3A_689 = arith.constant 2 : i32
      %add3A_690 = vector.broadcast %add3A_689 : i32 to vector<16xi32>
      %add3A_691 = arith.addi %add3A_690, %mul3A_688 : vector<16xi32>
      %gather3A_692 = tpu.vector_load_idx %arg6[%add3A_691, %add3A_659] : memref<32x3072xf32, #tpu.memory_space<vmem>>[vector<16xi32>, vector<16xi32>], vector<16xf32>,
      %broadcast_in_dim3A_693 = arith.constant 2 : i32
      %broadcast_in_dim3A_694 = vector.broadcast %broadcast_in_dim3A_693 : i32 to vector<16xi32>
      tpu.vector_store_idx %arg7[%broadcast_in_dim3A_694, %add3A_667], %gather3A_692 : memref<16x1024xf32, #tpu.memory_space<vmem>>[vector<16xi32>, vector<16xi32>], vector<16xf32>,
      %mul3A_695 = arith.constant 16 : i32
      %mul3A_696 = vector.broadcast %mul3A_695 : i32 to vector<16xi32>
      %mul3A_697 = arith.muli %shift_right_logical3A_6, %mul3A_696 : vector<16xi32>
      %add3A_698 = arith.constant 3 : i32
      %add3A_699 = vector.broadcast %add3A_698 : i32 to vector<16xi32>
      %add3A_700 = arith.addi %add3A_699, %mul3A_697 : vector<16xi32>
      %gather3A_701 = tpu.vector_load_idx %arg6[%add3A_700, %add3A_659] : memref<32x3072xf32, #tpu.memory_space<vmem>>[vector<16xi32>, vector<16xi32>], vector<16xf32>,
      %broadcast_in_dim3A_702 = arith.constant 3 : i32
      %broadcast_in_dim3A_703 = vector.broadcast %broadcast_in_dim3A_702 : i32 to vector<16xi32>
      tpu.vector_store_idx %arg7[%broadcast_in_dim3A_703, %add3A_667], %gather3A_701 : memref<16x1024xf32, #tpu.memory_space<vmem>>[vector<16xi32>, vector<16xi32>], vector<16xf32>,
      %mul3A_704 = arith.constant 16 : i32
      %mul3A_705 = vector.broadcast %mul3A_704 : i32 to vector<16xi32>
      %mul3A_706 = arith.muli %shift_right_logical3A_6, %mul3A_705 : vector<16xi32>
      %add3A_707 = arith.constant 4 : i32
      %add3A_708 = vector.broadcast %add3A_707 : i32 to vector<16xi32>
      %add3A_709 = arith.addi %add3A_708, %mul3A_706 : vector<16xi32>
      %gather3A_710 = tpu.vector_load_idx %arg6[%add3A_709, %add3A_659] : memref<32x3072xf32, #tpu.memory_space<vmem>>[vector<16xi32>, vector<16xi32>], vector<16xf32>,
      %broadcast_in_dim3A_711 = arith.constant 4 : i32
      %broadcast_in_dim3A_712 = vector.broadcast %broadcast_in_dim3A_711 : i32 to vector<16xi32>
      tpu.vector_store_idx %arg7[%broadcast_in_dim3A_712, %add3A_667], %gather3A_710 : memref<16x1024xf32, #tpu.memory_space<vmem>>[vector<16xi32>, vector<16xi32>], vector<16xf32>,
      %mul3A_713 = arith.constant 16 : i32
      %mul3A_714 = vector.broadcast %mul3A_713 : i32 to vector<16xi32>
      %mul3A_715 = arith.muli %shift_right_logical3A_6, %mul3A_714 : vector<16xi32>
      %add3A_716 = arith.constant 5 : i32
      %add3A_717 = vector.broadcast %add3A_716 : i32 to vector<16xi32>
      %add3A_718 = arith.addi %add3A_717, %mul3A_715 : vector<16xi32>
      %gather3A_719 = tpu.vector_load_idx %arg6[%add3A_718, %add3A_659] : memref<32x3072xf32, #tpu.memory_space<vmem>>[vector<16xi32>, vector<16xi32>], vector<16xf32>,
      %broadcast_in_dim3A_720 = arith.constant 5 : i32
      %broadcast_in_dim3A_721 = vector.broadcast %broadcast_in_dim3A_720 : i32 to vector<16xi32>
      tpu.vector_store_idx %arg7[%broadcast_in_dim3A_721, %add3A_667], %gather3A_719 : memref<16x1024xf32, #tpu.memory_space<vmem>>[vector<16xi32>, vector<16xi32>], vector<16xf32>,
      %mul3A_722 = arith.constant 16 : i32
      %mul3A_723 = vector.broadcast %mul3A_722 : i32 to vector<16xi32>
      %mul3A_724 = arith.muli %shift_right_logical3A_6, %mul3A_723 : vector<16xi32>
      %add3A_725 = arith.constant 6 : i32
      %add3A_726 = vector.broadcast %add3A_725 : i32 to vector<16xi32>
      %add3A_727 = arith.addi %add3A_726, %mul3A_724 : vector<16xi32>
      %gather3A_728 = tpu.vector_load_idx %arg6[%add3A_727, %add3A_659] : memref<32x3072xf32, #tpu.memory_space<vmem>>[vector<16xi32>, vector<16xi32>], vector<16xf32>,
      %broadcast_in_dim3A_729 = arith.constant 6 : i32
      %broadcast_in_dim3A_730 = vector.broadcast %broadcast_in_dim3A_729 : i32 to vector<16xi32>
      tpu.vector_store_idx %arg7[%broadcast_in_dim3A_730, %add3A_667], %gather3A_728 : memref<16x1024xf32, #tpu.memory_space<vmem>>[vector<16xi32>, vector<16xi32>], vector<16xf32>,
      %mul3A_731 = arith.constant 16 : i32
      %mul3A_732 = vector.broadcast %mul3A_731 : i32 to vector<16xi32>
      %mul3A_733 = arith.muli %shift_right_logical3A_6, %mul3A_732 : vector<16xi32>
      %add3A_734 = arith.constant 7 : i32
      %add3A_735 = vector.broadcast %add3A_734 : i32 to vector<16xi32>
      %add3A_736 = arith.addi %add3A_735, %mul3A_733 : vector<16xi32>
      %gather3A_737 = tpu.vector_load_idx %arg6[%add3A_736, %add3A_659] : memref<32x3072xf32, #tpu.memory_space<vmem>>[vector<16xi32>, vector<16xi32>], vector<16xf32>,
      %broadcast_in_dim3A_738 = arith.constant 7 : i32
      %broadcast_in_dim3A_739 = vector.broadcast %broadcast_in_dim3A_738 : i32 to vector<16xi32>
      tpu.vector_store_idx %arg7[%broadcast_in_dim3A_739, %add3A_667], %gather3A_737 : memref<16x1024xf32, #tpu.memory_space<vmem>>[vector<16xi32>, vector<16xi32>], vector<16xf32>,
      %mul3A_740 = arith.constant 16 : i32
      %mul3A_741 = vector.broadcast %mul3A_740 : i32 to vector<16xi32>
      %mul3A_742 = arith.muli %shift_right_logical3A_6, %mul3A_741 : vector<16xi32>
      %add3A_743 = arith.constant 8 : i32
      %add3A_744 = vector.broadcast %add3A_743 : i32 to vector<16xi32>
      %add3A_745 = arith.addi %add3A_744, %mul3A_742 : vector<16xi32>
      %gather3A_746 = tpu.vector_load_idx %arg6[%add3A_745, %add3A_659] : memref<32x3072xf32, #tpu.memory_space<vmem>>[vector<16xi32>, vector<16xi32>], vector<16xf32>,
      %broadcast_in_dim3A_747 = arith.constant 8 : i32
      %broadcast_in_dim3A_748 = vector.broadcast %broadcast_in_dim3A_747 : i32 to vector<16xi32>
      tpu.vector_store_idx %arg7[%broadcast_in_dim3A_748, %add3A_667], %gather3A_746 : memref<16x1024xf32, #tpu.memory_space<vmem>>[vector<16xi32>, vector<16xi32>], vector<16xf32>,
      %mul3A_749 = arith.constant 16 : i32
      %mul3A_750 = vector.broadcast %mul3A_749 : i32 to vector<16xi32>
      %mul3A_751 = arith.muli %shift_right_logical3A_6, %mul3A_750 : vector<16xi32>
      %add3A_752 = arith.constant 9 : i32
      %add3A_753 = vector.broadcast %add3A_752 : i32 to vector<16xi32>
      %add3A_754 = arith.addi %add3A_753, %mul3A_751 : vector<16xi32>
      %gather3A_755 = tpu.vector_load_idx %arg6[%add3A_754, %add3A_659] : memref<32x3072xf32, #tpu.memory_space<vmem>>[vector<16xi32>, vector<16xi32>], vector<16xf32>,
      %broadcast_in_dim3A_756 = arith.constant 9 : i32
      %broadcast_in_dim3A_757 = vector.broadcast %broadcast_in_dim3A_756 : i32 to vector<16xi32>
      tpu.vector_store_idx %arg7[%broadcast_in_dim3A_757, %add3A_667], %gather3A_755 : memref<16x1024xf32, #tpu.memory_space<vmem>>[vector<16xi32>, vector<16xi32>], vector<16xf32>,
      %mul3A_758 = arith.constant 16 : i32
      %mul3A_759 = vector.broadcast %mul3A_758 : i32 to vector<16xi32>
      %mul3A_760 = arith.muli %shift_right_logical3A_6, %mul3A_759 : vector<16xi32>
      %add3A_761 = arith.constant 10 : i32
      %add3A_762 = vector.broadcast %add3A_761 : i32 to vector<16xi32>
      %add3A_763 = arith.addi %add3A_762, %mul3A_760 : vector<16xi32>
      %gather3A_764 = tpu.vector_load_idx %arg6[%add3A_763, %add3A_659] : memref<32x3072xf32, #tpu.memory_space<vmem>>[vector<16xi32>, vector<16xi32>], vector<16xf32>,
      %broadcast_in_dim3A_765 = arith.constant 10 : i32
      %broadcast_in_dim3A_766 = vector.broadcast %broadcast_in_dim3A_765 : i32 to vector<16xi32>
      tpu.vector_store_idx %arg7[%broadcast_in_dim3A_766, %add3A_667], %gather3A_764 : memref<16x1024xf32, #tpu.memory_space<vmem>>[vector<16xi32>, vector<16xi32>], vector<16xf32>,
      %mul3A_767 = arith.constant 16 : i32
      %mul3A_768 = vector.broadcast %mul3A_767 : i32 to vector<16xi32>
      %mul3A_769 = arith.muli %shift_right_logical3A_6, %mul3A_768 : vector<16xi32>
      %add3A_770 = arith.constant 11 : i32
      %add3A_771 = vector.broadcast %add3A_770 : i32 to vector<16xi32>
      %add3A_772 = arith.addi %add3A_771, %mul3A_769 : vector<16xi32>
      %gather3A_773 = tpu.vector_load_idx %arg6[%add3A_772, %add3A_659] : memref<32x3072xf32, #tpu.memory_space<vmem>>[vector<16xi32>, vector<16xi32>], vector<16xf32>,
      %broadcast_in_dim3A_774 = arith.constant 11 : i32
      %broadcast_in_dim3A_775 = vector.broadcast %broadcast_in_dim3A_774 : i32 to vector<16xi32>
      tpu.vector_store_idx %arg7[%broadcast_in_dim3A_775, %add3A_667], %gather3A_773 : memref<16x1024xf32, #tpu.memory_space<vmem>>[vector<16xi32>, vector<16xi32>], vector<16xf32>,
      %mul3A_776 = arith.constant 16 : i32
      %mul3A_777 = vector.broadcast %mul3A_776 : i32 to vector<16xi32>
      %mul3A_778 = arith.muli %shift_right_logical3A_6, %mul3A_777 : vector<16xi32>
      %add3A_779 = arith.constant 12 : i32
      %add3A_780 = vector.broadcast %add3A_779 : i32 to vector<16xi32>
      %add3A_781 = arith.addi %add3A_780, %mul3A_778 : vector<16xi32>
      %gather3A_782 = tpu.vector_load_idx %arg6[%add3A_781, %add3A_659] : memref<32x3072xf32, #tpu.memory_space<vmem>>[vector<16xi32>, vector<16xi32>], vector<16xf32>,
      %broadcast_in_dim3A_783 = arith.constant 12 : i32
      %broadcast_in_dim3A_784 = vector.broadcast %broadcast_in_dim3A_783 : i32 to vector<16xi32>
      tpu.vector_store_idx %arg7[%broadcast_in_dim3A_784, %add3A_667], %gather3A_782 : memref<16x1024xf32, #tpu.memory_space<vmem>>[vector<16xi32>, vector<16xi32>], vector<16xf32>,
      %mul3A_785 = arith.constant 16 : i32
      %mul3A_786 = vector.broadcast %mul3A_785 : i32 to vector<16xi32>
      %mul3A_787 = arith.muli %shift_right_logical3A_6, %mul3A_786 : vector<16xi32>
      %add3A_788 = arith.constant 13 : i32
      %add3A_789 = vector.broadcast %add3A_788 : i32 to vector<16xi32>
      %add3A_790 = arith.addi %add3A_789, %mul3A_787 : vector<16xi32>
      %gather3A_791 = tpu.vector_load_idx %arg6[%add3A_790, %add3A_659] : memref<32x3072xf32, #tpu.memory_space<vmem>>[vector<16xi32>, vector<16xi32>], vector<16xf32>,
      %broadcast_in_dim3A_792 = arith.constant 13 : i32
      %broadcast_in_dim3A_793 = vector.broadcast %broadcast_in_dim3A_792 : i32 to vector<16xi32>
      tpu.vector_store_idx %arg7[%broadcast_in_dim3A_793, %add3A_667], %gather3A_791 : memref<16x1024xf32, #tpu.memory_space<vmem>>[vector<16xi32>, vector<16xi32>], vector<16xf32>,
      %mul3A_794 = arith.constant 16 : i32
      %mul3A_795 = vector.broadcast %mul3A_794 : i32 to vector<16xi32>
      %mul3A_796 = arith.muli %shift_right_logical3A_6, %mul3A_795 : vector<16xi32>
      %add3A_797 = arith.constant 14 : i32
      %add3A_798 = vector.broadcast %add3A_797 : i32 to vector<16xi32>
      %add3A_799 = arith.addi %add3A_798, %mul3A_796 : vector<16xi32>
      %gather3A_800 = tpu.vector_load_idx %arg6[%add3A_799, %add3A_659] : memref<32x3072xf32, #tpu.memory_space<vmem>>[vector<16xi32>, vector<16xi32>], vector<16xf32>,
      %broadcast_in_dim3A_801 = arith.constant 14 : i32
      %broadcast_in_dim3A_802 = vector.broadcast %broadcast_in_dim3A_801 : i32 to vector<16xi32>
      tpu.vector_store_idx %arg7[%broadcast_in_dim3A_802, %add3A_667], %gather3A_800 : memref<16x1024xf32, #tpu.memory_space<vmem>>[vector<16xi32>, vector<16xi32>], vector<16xf32>,
      %mul3A_803 = arith.constant 16 : i32
      %mul3A_804 = vector.broadcast %mul3A_803 : i32 to vector<16xi32>
      %mul3A_805 = arith.muli %shift_right_logical3A_6, %mul3A_804 : vector<16xi32>
      %add3A_806 = arith.constant 15 : i32
      %add3A_807 = vector.broadcast %add3A_806 : i32 to vector<16xi32>
      %add3A_808 = arith.addi %add3A_807, %mul3A_805 : vector<16xi32>
      %gather3A_809 = tpu.vector_load_idx %arg6[%add3A_808, %add3A_659] : memref<32x3072xf32, #tpu.memory_space<vmem>>[vector<16xi32>, vector<16xi32>], vector<16xf32>,
      %broadcast_in_dim3A_810 = arith.constant 15 : i32
      %broadcast_in_dim3A_811 = vector.broadcast %broadcast_in_dim3A_810 : i32 to vector<16xi32>
      tpu.vector_store_idx %arg7[%broadcast_in_dim3A_811, %add3A_667], %gather3A_809 : memref<16x1024xf32, #tpu.memory_space<vmem>>[vector<16xi32>, vector<16xi32>], vector<16xf32>,
      %add3A_812 = arith.constant 3 : i32
      %add3A_813 = arith.addi %add3A_632, %add3A_812 : i32
      %lt3A = arith.constant 64 : i32
      %lt3A_814 = arith.cmpi slt, %add3A_813, %lt3A : i32
      %convert_element_type3A = arith.extui %lt3A_814 : i1 to i32
      %cond3A = arith.constant 0 : i32
      %cond3A_815 = arith.cmpi ne, %convert_element_type3A, %cond3A : i32
      scf.if %cond3A_815 {
        %add3A_1200 = arith.constant 3 : i32
        %add3A_1201 = arith.addi %add3A_632, %add3A_1200 : i32
        %mul3A_1202 = arith.constant 8 : i32
        %mul3A_1203 = arith.muli %add3A_1201, %mul3A_1202 : i32
        %add3A_1204 = vector.broadcast %mul3A_1203 : i32 to vector<16xi32>
        %add3A_1205 = arith.addi %add3A_1204, %and3A_4 : vector<16xi32>
        %gather3A_1206 = tpu.vector_load_idx %arg5[%add3A_1205] : memref<512xi32, #tpu.memory_space<vmem>>[vector<16xi32>], vector<16xi32>,
        %and3A_1207 = arith.constant -128 : i32
        %and3A_1208 = vector.broadcast %and3A_1207 : i32 to vector<16xi32>
        %and3A_1209 = arith.andi %gather3A_1206, %and3A_1208 : vector<16xi32>
        %slice3A_1210 = vector.extract_strided_slice %and3A_1209 {offsets = [0], sizes = [1], strides = [1]} : vector<16xi32> to vector<1xi32>
        %squeeze3A_1211 = vector.extract %slice3A_1210[0] : i32 from vector<1xi32>
        %multiple_of3A_1212 = tpu.assume_multiple %squeeze3A_1211, 128 : i32
        %dma_start3A_1213 = arith.constant 0 : i32
        %dma_start3A_1214 = arith.constant 1024 : i32
        %dma_start3A_1215 = tpu.memref_slice %arg6[%dma_start3A_1213, %dma_start3A_1214] : memref<32x3072xf32, #tpu.memory_space<vmem>> -> memref<32x128xf32, #tpu.memory_space<vmem>>
        %dma_start3A_1216 = arith.constant 0 : i32
        %dma_start3A_1217 = tpu.memref_slice %arg3[%dma_start3A_1216, %multiple_of3A_1212] : memref<32x1000000xf32, #tpu.memory_space<hbm>> -> memref<32x128xf32, #tpu.memory_space<hbm>>
        %dma_start3A_1218 = arith.constant 0 : i32
        %dma_start3A_1219 = arith.constant 1024 : i32
        %dma_start3A_1220 = tpu.memref_slice %arg6[%dma_start3A_1218, %dma_start3A_1219] : memref<32x3072xf32, #tpu.memory_space<vmem>> -> memref<32x128xf32, #tpu.memory_space<vmem>>
        %dma_start3A_1221 = arith.constant 0 : i32
        %dma_start3A_1222 = tpu.memref_slice %arg3[%dma_start3A_1221, %multiple_of3A_1212] : memref<32x1000000xf32, #tpu.memory_space<hbm>> -> memref<32x128xf32, #tpu.memory_space<hbm>>
        tpu.enqueue_dma source(%dma_start3A_1222 : memref<32x128xf32, #tpu.memory_space<hbm>>) target(%dma_start3A_1220 : memref<32x128xf32, #tpu.memory_space<vmem>>) target_semaphore(%arg9 : memref<!tpu.dma_semaphore, #tpu.memory_space<semaphore_mem>>)
        %slice3A_1223 = vector.extract_strided_slice %and3A_1209 {offsets = [1], sizes = [1], strides = [1]} : vector<16xi32> to vector<1xi32>
        %squeeze3A_1224 = vector.extract %slice3A_1223[0] : i32 from vector<1xi32>
        %multiple_of3A_1225 = tpu.assume_multiple %squeeze3A_1224, 128 : i32
        %dma_start3A_1226 = arith.constant 0 : i32
        %dma_start3A_1227 = arith.constant 1152 : i32
        %dma_start3A_1228 = tpu.memref_slice %arg6[%dma_start3A_1226, %dma_start3A_1227] : memref<32x3072xf32, #tpu.memory_space<vmem>> -> memref<32x128xf32, #tpu.memory_space<vmem>>
        %dma_start3A_1229 = arith.constant 0 : i32
        %dma_start3A_1230 = tpu.memref_slice %arg3[%dma_start3A_1229, %multiple_of3A_1225] : memref<32x1000000xf32, #tpu.memory_space<hbm>> -> memref<32x128xf32, #tpu.memory_space<hbm>>
        %dma_start3A_1231 = arith.constant 0 : i32
        %dma_start3A_1232 = arith.constant 1152 : i32
        %dma_start3A_1233 = tpu.memref_slice %arg6[%dma_start3A_1231, %dma_start3A_1232] : memref<32x3072xf32, #tpu.memory_space<vmem>> -> memref<32x128xf32, #tpu.memory_space<vmem>>
        %dma_start3A_1234 = arith.constant 0 : i32
        %dma_start3A_1235 = tpu.memref_slice %arg3[%dma_start3A_1234, %multiple_of3A_1225] : memref<32x1000000xf32, #tpu.memory_space<hbm>> -> memref<32x128xf32, #tpu.memory_space<hbm>>
        tpu.enqueue_dma source(%dma_start3A_1235 : memref<32x128xf32, #tpu.memory_space<hbm>>) target(%dma_start3A_1233 : memref<32x128xf32, #tpu.memory_space<vmem>>) target_semaphore(%arg9 : memref<!tpu.dma_semaphore, #tpu.memory_space<semaphore_mem>>)
        %slice3A_1236 = vector.extract_strided_slice %and3A_1209 {offsets = [2], sizes = [1], strides = [1]} : vector<16xi32> to vector<1xi32>
        %squeeze3A_1237 = vector.extract %slice3A_1236[0] : i32 from vector<1xi32>
        %multiple_of3A_1238 = tpu.assume_multiple %squeeze3A_1237, 128 : i32
        %dma_start3A_1239 = arith.constant 0 : i32
        %dma_start3A_1240 = arith.constant 1280 : i32
        %dma_start3A_1241 = tpu.memref_slice %arg6[%dma_start3A_1239, %dma_start3A_1240] : memref<32x3072xf32, #tpu.memory_space<vmem>> -> memref<32x128xf32, #tpu.memory_space<vmem>>
        %dma_start3A_1242 = arith.constant 0 : i32
        %dma_start3A_1243 = tpu.memref_slice %arg3[%dma_start3A_1242, %multiple_of3A_1238] : memref<32x1000000xf32, #tpu.memory_space<hbm>> -> memref<32x128xf32, #tpu.memory_space<hbm>>
        %dma_start3A_1244 = arith.constant 0 : i32
        %dma_start3A_1245 = arith.constant 1280 : i32
        %dma_start3A_1246 = tpu.memref_slice %arg6[%dma_start3A_1244, %dma_start3A_1245] : memref<32x3072xf32, #tpu.memory_space<vmem>> -> memref<32x128xf32, #tpu.memory_space<vmem>>
        %dma_start3A_1247 = arith.constant 0 : i32
        %dma_start3A_1248 = tpu.memref_slice %arg3[%dma_start3A_1247, %multiple_of3A_1238] : memref<32x1000000xf32, #tpu.memory_space<hbm>> -> memref<32x128xf32, #tpu.memory_space<hbm>>
        tpu.enqueue_dma source(%dma_start3A_1248 : memref<32x128xf32, #tpu.memory_space<hbm>>) target(%dma_start3A_1246 : memref<32x128xf32, #tpu.memory_space<vmem>>) target_semaphore(%arg9 : memref<!tpu.dma_semaphore, #tpu.memory_space<semaphore_mem>>)
        %slice3A_1249 = vector.extract_strided_slice %and3A_1209 {offsets = [3], sizes = [1], strides = [1]} : vector<16xi32> to vector<1xi32>
        %squeeze3A_1250 = vector.extract %slice3A_1249[0] : i32 from vector<1xi32>
        %multiple_of3A_1251 = tpu.assume_multiple %squeeze3A_1250, 128 : i32
        %dma_start3A_1252 = arith.constant 0 : i32
        %dma_start3A_1253 = arith.constant 1408 : i32
        %dma_start3A_1254 = tpu.memref_slice %arg6[%dma_start3A_1252, %dma_start3A_1253] : memref<32x3072xf32, #tpu.memory_space<vmem>> -> memref<32x128xf32, #tpu.memory_space<vmem>>
        %dma_start3A_1255 = arith.constant 0 : i32
        %dma_start3A_1256 = tpu.memref_slice %arg3[%dma_start3A_1255, %multiple_of3A_1251] : memref<32x1000000xf32, #tpu.memory_space<hbm>> -> memref<32x128xf32, #tpu.memory_space<hbm>>
        %dma_start3A_1257 = arith.constant 0 : i32
        %dma_start3A_1258 = arith.constant 1408 : i32
        %dma_start3A_1259 = tpu.memref_slice %arg6[%dma_start3A_1257, %dma_start3A_1258] : memref<32x3072xf32, #tpu.memory_space<vmem>> -> memref<32x128xf32, #tpu.memory_space<vmem>>
        %dma_start3A_1260 = arith.constant 0 : i32
        %dma_start3A_1261 = tpu.memref_slice %arg3[%dma_start3A_1260, %multiple_of3A_1251] : memref<32x1000000xf32, #tpu.memory_space<hbm>> -> memref<32x128xf32, #tpu.memory_space<hbm>>
        tpu.enqueue_dma source(%dma_start3A_1261 : memref<32x128xf32, #tpu.memory_space<hbm>>) target(%dma_start3A_1259 : memref<32x128xf32, #tpu.memory_space<vmem>>) target_semaphore(%arg9 : memref<!tpu.dma_semaphore, #tpu.memory_space<semaphore_mem>>)
        %slice3A_1262 = vector.extract_strided_slice %and3A_1209 {offsets = [4], sizes = [1], strides = [1]} : vector<16xi32> to vector<1xi32>
        %squeeze3A_1263 = vector.extract %slice3A_1262[0] : i32 from vector<1xi32>
        %multiple_of3A_1264 = tpu.assume_multiple %squeeze3A_1263, 128 : i32
        %dma_start3A_1265 = arith.constant 0 : i32
        %dma_start3A_1266 = arith.constant 1536 : i32
        %dma_start3A_1267 = tpu.memref_slice %arg6[%dma_start3A_1265, %dma_start3A_1266] : memref<32x3072xf32, #tpu.memory_space<vmem>> -> memref<32x128xf32, #tpu.memory_space<vmem>>
        %dma_start3A_1268 = arith.constant 0 : i32
        %dma_start3A_1269 = tpu.memref_slice %arg3[%dma_start3A_1268, %multiple_of3A_1264] : memref<32x1000000xf32, #tpu.memory_space<hbm>> -> memref<32x128xf32, #tpu.memory_space<hbm>>
        %dma_start3A_1270 = arith.constant 0 : i32
        %dma_start3A_1271 = arith.constant 1536 : i32
        %dma_start3A_1272 = tpu.memref_slice %arg6[%dma_start3A_1270, %dma_start3A_1271] : memref<32x3072xf32, #tpu.memory_space<vmem>> -> memref<32x128xf32, #tpu.memory_space<vmem>>
        %dma_start3A_1273 = arith.constant 0 : i32
        %dma_start3A_1274 = tpu.memref_slice %arg3[%dma_start3A_1273, %multiple_of3A_1264] : memref<32x1000000xf32, #tpu.memory_space<hbm>> -> memref<32x128xf32, #tpu.memory_space<hbm>>
        tpu.enqueue_dma source(%dma_start3A_1274 : memref<32x128xf32, #tpu.memory_space<hbm>>) target(%dma_start3A_1272 : memref<32x128xf32, #tpu.memory_space<vmem>>) target_semaphore(%arg9 : memref<!tpu.dma_semaphore, #tpu.memory_space<semaphore_mem>>)
        %slice3A_1275 = vector.extract_strided_slice %and3A_1209 {offsets = [5], sizes = [1], strides = [1]} : vector<16xi32> to vector<1xi32>
        %squeeze3A_1276 = vector.extract %slice3A_1275[0] : i32 from vector<1xi32>
        %multiple_of3A_1277 = tpu.assume_multiple %squeeze3A_1276, 128 : i32
        %dma_start3A_1278 = arith.constant 0 : i32
        %dma_start3A_1279 = arith.constant 1664 : i32
        %dma_start3A_1280 = tpu.memref_slice %arg6[%dma_start3A_1278, %dma_start3A_1279] : memref<32x3072xf32, #tpu.memory_space<vmem>> -> memref<32x128xf32, #tpu.memory_space<vmem>>
        %dma_start3A_1281 = arith.constant 0 : i32
        %dma_start3A_1282 = tpu.memref_slice %arg3[%dma_start3A_1281, %multiple_of3A_1277] : memref<32x1000000xf32, #tpu.memory_space<hbm>> -> memref<32x128xf32, #tpu.memory_space<hbm>>
        %dma_start3A_1283 = arith.constant 0 : i32
        %dma_start3A_1284 = arith.constant 1664 : i32
        %dma_start3A_1285 = tpu.memref_slice %arg6[%dma_start3A_1283, %dma_start3A_1284] : memref<32x3072xf32, #tpu.memory_space<vmem>> -> memref<32x128xf32, #tpu.memory_space<vmem>>
        %dma_start3A_1286 = arith.constant 0 : i32
        %dma_start3A_1287 = tpu.memref_slice %arg3[%dma_start3A_1286, %multiple_of3A_1277] : memref<32x1000000xf32, #tpu.memory_space<hbm>> -> memref<32x128xf32, #tpu.memory_space<hbm>>
        tpu.enqueue_dma source(%dma_start3A_1287 : memref<32x128xf32, #tpu.memory_space<hbm>>) target(%dma_start3A_1285 : memref<32x128xf32, #tpu.memory_space<vmem>>) target_semaphore(%arg9 : memref<!tpu.dma_semaphore, #tpu.memory_space<semaphore_mem>>)
        %slice3A_1288 = vector.extract_strided_slice %and3A_1209 {offsets = [6], sizes = [1], strides = [1]} : vector<16xi32> to vector<1xi32>
        %squeeze3A_1289 = vector.extract %slice3A_1288[0] : i32 from vector<1xi32>
        %multiple_of3A_1290 = tpu.assume_multiple %squeeze3A_1289, 128 : i32
        %dma_start3A_1291 = arith.constant 0 : i32
        %dma_start3A_1292 = arith.constant 1792 : i32
        %dma_start3A_1293 = tpu.memref_slice %arg6[%dma_start3A_1291, %dma_start3A_1292] : memref<32x3072xf32, #tpu.memory_space<vmem>> -> memref<32x128xf32, #tpu.memory_space<vmem>>
        %dma_start3A_1294 = arith.constant 0 : i32
        %dma_start3A_1295 = tpu.memref_slice %arg3[%dma_start3A_1294, %multiple_of3A_1290] : memref<32x1000000xf32, #tpu.memory_space<hbm>> -> memref<32x128xf32, #tpu.memory_space<hbm>>
        %dma_start3A_1296 = arith.constant 0 : i32
        %dma_start3A_1297 = arith.constant 1792 : i32
        %dma_start3A_1298 = tpu.memref_slice %arg6[%dma_start3A_1296, %dma_start3A_1297] : memref<32x3072xf32, #tpu.memory_space<vmem>> -> memref<32x128xf32, #tpu.memory_space<vmem>>
        %dma_start3A_1299 = arith.constant 0 : i32
        %dma_start3A_1300 = tpu.memref_slice %arg3[%dma_start3A_1299, %multiple_of3A_1290] : memref<32x1000000xf32, #tpu.memory_space<hbm>> -> memref<32x128xf32, #tpu.memory_space<hbm>>
        tpu.enqueue_dma source(%dma_start3A_1300 : memref<32x128xf32, #tpu.memory_space<hbm>>) target(%dma_start3A_1298 : memref<32x128xf32, #tpu.memory_space<vmem>>) target_semaphore(%arg9 : memref<!tpu.dma_semaphore, #tpu.memory_space<semaphore_mem>>)
        %slice3A_1301 = vector.extract_strided_slice %and3A_1209 {offsets = [7], sizes = [1], strides = [1]} : vector<16xi32> to vector<1xi32>
        %squeeze3A_1302 = vector.extract %slice3A_1301[0] : i32 from vector<1xi32>
        %multiple_of3A_1303 = tpu.assume_multiple %squeeze3A_1302, 128 : i32
        %dma_start3A_1304 = arith.constant 0 : i32
        %dma_start3A_1305 = arith.constant 1920 : i32
        %dma_start3A_1306 = tpu.memref_slice %arg6[%dma_start3A_1304, %dma_start3A_1305] : memref<32x3072xf32, #tpu.memory_space<vmem>> -> memref<32x128xf32, #tpu.memory_space<vmem>>
        %dma_start3A_1307 = arith.constant 0 : i32
        %dma_start3A_1308 = tpu.memref_slice %arg3[%dma_start3A_1307, %multiple_of3A_1303] : memref<32x1000000xf32, #tpu.memory_space<hbm>> -> memref<32x128xf32, #tpu.memory_space<hbm>>
        %dma_start3A_1309 = arith.constant 0 : i32
        %dma_start3A_1310 = arith.constant 1920 : i32
        %dma_start3A_1311 = tpu.memref_slice %arg6[%dma_start3A_1309, %dma_start3A_1310] : memref<32x3072xf32, #tpu.memory_space<vmem>> -> memref<32x128xf32, #tpu.memory_space<vmem>>
        %dma_start3A_1312 = arith.constant 0 : i32
        %dma_start3A_1313 = tpu.memref_slice %arg3[%dma_start3A_1312, %multiple_of3A_1303] : memref<32x1000000xf32, #tpu.memory_space<hbm>> -> memref<32x128xf32, #tpu.memory_space<hbm>>
        tpu.enqueue_dma source(%dma_start3A_1313 : memref<32x128xf32, #tpu.memory_space<hbm>>) target(%dma_start3A_1311 : memref<32x128xf32, #tpu.memory_space<vmem>>) target_semaphore(%arg9 : memref<!tpu.dma_semaphore, #tpu.memory_space<semaphore_mem>>)
      } else {
      }
      %mul3A_816 = arith.constant 3 : i32
      %mul3A_817 = arith.muli %mul3A_816, %scan3A_626 : i32
      %add3A_818 = arith.constant 1 : i32
      %add3A_819 = arith.addi %add3A_818, %mul3A_817 : i32
      %add3A_820 = arith.constant 1 : i32
      %add3A_821 = arith.addi %add3A_819, %add3A_820 : i32
      %dma_wait3A_822 = arith.constant 0 : i32
      %dma_wait3A_823 = arith.constant 2048 : i32
      %dma_wait3A_824 = tpu.memref_slice %arg6[%dma_wait3A_822, %dma_wait3A_823] : memref<32x3072xf32, #tpu.memory_space<vmem>> -> memref<32x1024xf32, #tpu.memory_space<vmem>>
      %dma_wait3A_825 = arith.constant 0 : i32
      %dma_wait3A_826 = arith.constant 0 : i32
      %dma_wait3A_827 = tpu.memref_slice %arg4[%dma_wait3A_825, %dma_wait3A_826] : memref<32x16384xf32, #tpu.memory_space<hbm>> -> memref<32x1024xf32, #tpu.memory_space<hbm>>
      %dma_wait3A_828 = arith.constant 0 : i32
      %dma_wait3A_829 = arith.constant 2048 : i32
      %dma_wait3A_830 = tpu.memref_slice %arg6[%dma_wait3A_828, %dma_wait3A_829] : memref<32x3072xf32, #tpu.memory_space<vmem>> -> memref<32x1024xf32, #tpu.memory_space<vmem>>
      %dma_wait3A_831 = arith.constant 0 : i32
      %dma_wait3A_832 = arith.constant 0 : i32
      %dma_wait3A_833 = tpu.memref_slice %arg4[%dma_wait3A_831, %dma_wait3A_832] : memref<32x16384xf32, #tpu.memory_space<hbm>> -> memref<32x1024xf32, #tpu.memory_space<hbm>>
      tpu.wait_dma2 semaphore(%arg10 : memref<!tpu.dma_semaphore, #tpu.memory_space<semaphore_mem>>) src(%dma_wait3A_833 : memref<32x1024xf32, #tpu.memory_space<hbm>>) dst(%dma_wait3A_830 : memref<32x1024xf32, #tpu.memory_space<vmem>>)
      %mul3A_834 = arith.constant 8 : i32
      %mul3A_835 = arith.muli %add3A_821, %mul3A_834 : i32
      %add3A_836 = vector.broadcast %mul3A_835 : i32 to vector<16xi32>
      %add3A_837 = arith.addi %add3A_836, %and3A_4 : vector<16xi32>
      %gather3A_838 = tpu.vector_load_idx %arg5[%add3A_837] : memref<512xi32, #tpu.memory_space<vmem>>[vector<16xi32>], vector<16xi32>,
      %and3A_839 = arith.constant 127 : i32
      %and3A_840 = vector.broadcast %and3A_839 : i32 to vector<16xi32>
      %and3A_841 = arith.andi %gather3A_838, %and3A_840 : vector<16xi32>
      %mul3A_842 = arith.constant 128 : i32
      %mul3A_843 = vector.broadcast %mul3A_842 : i32 to vector<16xi32>
      %mul3A_844 = arith.muli %and3A_4, %mul3A_843 : vector<16xi32>
      %add3A_845 = arith.constant 2048 : i32
      %add3A_846 = vector.broadcast %add3A_845 : i32 to vector<16xi32>
      %add3A_847 = arith.addi %add3A_846, %mul3A_844 : vector<16xi32>
      %add3A_848 = arith.addi %add3A_847, %and3A_841 : vector<16xi32>
      %mul3A_849 = arith.constant 8 : i32
      %mul3A_850 = arith.muli %add3A_821, %mul3A_849 : i32
      %add3A_851 = vector.broadcast %mul3A_850 : i32 to vector<16xi32>
      %add3A_852 = arith.addi %add3A_851, %and3A_4 : vector<16xi32>
      %mul3A_853 = arith.constant 512 : i32
      %mul3A_854 = vector.broadcast %mul3A_853 : i32 to vector<16xi32>
      %mul3A_855 = arith.muli %shift_right_logical3A_6, %mul3A_854 : vector<16xi32>
      %add3A_856 = arith.addi %add3A_852, %mul3A_855 : vector<16xi32>
      %mul3A_857 = arith.constant 16 : i32
      %mul3A_858 = vector.broadcast %mul3A_857 : i32 to vector<16xi32>
      %mul3A_859 = arith.muli %shift_right_logical3A_6, %mul3A_858 : vector<16xi32>
      %add3A_860 = arith.constant 0 : i32
      %add3A_861 = vector.broadcast %add3A_860 : i32 to vector<16xi32>
      %add3A_862 = arith.addi %add3A_861, %mul3A_859 : vector<16xi32>
      %gather3A_863 = tpu.vector_load_idx %arg6[%add3A_862, %add3A_848] : memref<32x3072xf32, #tpu.memory_space<vmem>>[vector<16xi32>, vector<16xi32>], vector<16xf32>,
      %broadcast_in_dim3A_864 = arith.constant 0 : i32
      %broadcast_in_dim3A_865 = vector.broadcast %broadcast_in_dim3A_864 : i32 to vector<16xi32>
      tpu.vector_store_idx %arg7[%broadcast_in_dim3A_865, %add3A_856], %gather3A_863 : memref<16x1024xf32, #tpu.memory_space<vmem>>[vector<16xi32>, vector<16xi32>], vector<16xf32>,
      %mul3A_866 = arith.constant 16 : i32
      %mul3A_867 = vector.broadcast %mul3A_866 : i32 to vector<16xi32>
      %mul3A_868 = arith.muli %shift_right_logical3A_6, %mul3A_867 : vector<16xi32>
      %add3A_869 = arith.constant 1 : i32
      %add3A_870 = vector.broadcast %add3A_869 : i32 to vector<16xi32>
      %add3A_871 = arith.addi %add3A_870, %mul3A_868 : vector<16xi32>
      %gather3A_872 = tpu.vector_load_idx %arg6[%add3A_871, %add3A_848] : memref<32x3072xf32, #tpu.memory_space<vmem>>[vector<16xi32>, vector<16xi32>], vector<16xf32>,
      %broadcast_in_dim3A_873 = arith.constant 1 : i32
      %broadcast_in_dim3A_874 = vector.broadcast %broadcast_in_dim3A_873 : i32 to vector<16xi32>
      tpu.vector_store_idx %arg7[%broadcast_in_dim3A_874, %add3A_856], %gather3A_872 : memref<16x1024xf32, #tpu.memory_space<vmem>>[vector<16xi32>, vector<16xi32>], vector<16xf32>,
      %mul3A_875 = arith.constant 16 : i32
      %mul3A_876 = vector.broadcast %mul3A_875 : i32 to vector<16xi32>
      %mul3A_877 = arith.muli %shift_right_logical3A_6, %mul3A_876 : vector<16xi32>
      %add3A_878 = arith.constant 2 : i32
      %add3A_879 = vector.broadcast %add3A_878 : i32 to vector<16xi32>
      %add3A_880 = arith.addi %add3A_879, %mul3A_877 : vector<16xi32>
      %gather3A_881 = tpu.vector_load_idx %arg6[%add3A_880, %add3A_848] : memref<32x3072xf32, #tpu.memory_space<vmem>>[vector<16xi32>, vector<16xi32>], vector<16xf32>,
      %broadcast_in_dim3A_882 = arith.constant 2 : i32
      %broadcast_in_dim3A_883 = vector.broadcast %broadcast_in_dim3A_882 : i32 to vector<16xi32>
      tpu.vector_store_idx %arg7[%broadcast_in_dim3A_883, %add3A_856], %gather3A_881 : memref<16x1024xf32, #tpu.memory_space<vmem>>[vector<16xi32>, vector<16xi32>], vector<16xf32>,
      %mul3A_884 = arith.constant 16 : i32
      %mul3A_885 = vector.broadcast %mul3A_884 : i32 to vector<16xi32>
      %mul3A_886 = arith.muli %shift_right_logical3A_6, %mul3A_885 : vector<16xi32>
      %add3A_887 = arith.constant 3 : i32
      %add3A_888 = vector.broadcast %add3A_887 : i32 to vector<16xi32>
      %add3A_889 = arith.addi %add3A_888, %mul3A_886 : vector<16xi32>
      %gather3A_890 = tpu.vector_load_idx %arg6[%add3A_889, %add3A_848] : memref<32x3072xf32, #tpu.memory_space<vmem>>[vector<16xi32>, vector<16xi32>], vector<16xf32>,
      %broadcast_in_dim3A_891 = arith.constant 3 : i32
      %broadcast_in_dim3A_892 = vector.broadcast %broadcast_in_dim3A_891 : i32 to vector<16xi32>
      tpu.vector_store_idx %arg7[%broadcast_in_dim3A_892, %add3A_856], %gather3A_890 : memref<16x1024xf32, #tpu.memory_space<vmem>>[vector<16xi32>, vector<16xi32>], vector<16xf32>,
      %mul3A_893 = arith.constant 16 : i32
      %mul3A_894 = vector.broadcast %mul3A_893 : i32 to vector<16xi32>
      %mul3A_895 = arith.muli %shift_right_logical3A_6, %mul3A_894 : vector<16xi32>
      %add3A_896 = arith.constant 4 : i32
      %add3A_897 = vector.broadcast %add3A_896 : i32 to vector<16xi32>
      %add3A_898 = arith.addi %add3A_897, %mul3A_895 : vector<16xi32>
      %gather3A_899 = tpu.vector_load_idx %arg6[%add3A_898, %add3A_848] : memref<32x3072xf32, #tpu.memory_space<vmem>>[vector<16xi32>, vector<16xi32>], vector<16xf32>,
      %broadcast_in_dim3A_900 = arith.constant 4 : i32
      %broadcast_in_dim3A_901 = vector.broadcast %broadcast_in_dim3A_900 : i32 to vector<16xi32>
      tpu.vector_store_idx %arg7[%broadcast_in_dim3A_901, %add3A_856], %gather3A_899 : memref<16x1024xf32, #tpu.memory_space<vmem>>[vector<16xi32>, vector<16xi32>], vector<16xf32>,
      %mul3A_902 = arith.constant 16 : i32
      %mul3A_903 = vector.broadcast %mul3A_902 : i32 to vector<16xi32>
      %mul3A_904 = arith.muli %shift_right_logical3A_6, %mul3A_903 : vector<16xi32>
      %add3A_905 = arith.constant 5 : i32
      %add3A_906 = vector.broadcast %add3A_905 : i32 to vector<16xi32>
      %add3A_907 = arith.addi %add3A_906, %mul3A_904 : vector<16xi32>
      %gather3A_908 = tpu.vector_load_idx %arg6[%add3A_907, %add3A_848] : memref<32x3072xf32, #tpu.memory_space<vmem>>[vector<16xi32>, vector<16xi32>], vector<16xf32>,
      %broadcast_in_dim3A_909 = arith.constant 5 : i32
      %broadcast_in_dim3A_910 = vector.broadcast %broadcast_in_dim3A_909 : i32 to vector<16xi32>
      tpu.vector_store_idx %arg7[%broadcast_in_dim3A_910, %add3A_856], %gather3A_908 : memref<16x1024xf32, #tpu.memory_space<vmem>>[vector<16xi32>, vector<16xi32>], vector<16xf32>,
      %mul3A_911 = arith.constant 16 : i32
      %mul3A_912 = vector.broadcast %mul3A_911 : i32 to vector<16xi32>
      %mul3A_913 = arith.muli %shift_right_logical3A_6, %mul3A_912 : vector<16xi32>
      %add3A_914 = arith.constant 6 : i32
      %add3A_915 = vector.broadcast %add3A_914 : i32 to vector<16xi32>
      %add3A_916 = arith.addi %add3A_915, %mul3A_913 : vector<16xi32>
      %gather3A_917 = tpu.vector_load_idx %arg6[%add3A_916, %add3A_848] : memref<32x3072xf32, #tpu.memory_space<vmem>>[vector<16xi32>, vector<16xi32>], vector<16xf32>,
      %broadcast_in_dim3A_918 = arith.constant 6 : i32
      %broadcast_in_dim3A_919 = vector.broadcast %broadcast_in_dim3A_918 : i32 to vector<16xi32>
      tpu.vector_store_idx %arg7[%broadcast_in_dim3A_919, %add3A_856], %gather3A_917 : memref<16x1024xf32, #tpu.memory_space<vmem>>[vector<16xi32>, vector<16xi32>], vector<16xf32>,
      %mul3A_920 = arith.constant 16 : i32
      %mul3A_921 = vector.broadcast %mul3A_920 : i32 to vector<16xi32>
      %mul3A_922 = arith.muli %shift_right_logical3A_6, %mul3A_921 : vector<16xi32>
      %add3A_923 = arith.constant 7 : i32
      %add3A_924 = vector.broadcast %add3A_923 : i32 to vector<16xi32>
      %add3A_925 = arith.addi %add3A_924, %mul3A_922 : vector<16xi32>
      %gather3A_926 = tpu.vector_load_idx %arg6[%add3A_925, %add3A_848] : memref<32x3072xf32, #tpu.memory_space<vmem>>[vector<16xi32>, vector<16xi32>], vector<16xf32>,
      %broadcast_in_dim3A_927 = arith.constant 7 : i32
      %broadcast_in_dim3A_928 = vector.broadcast %broadcast_in_dim3A_927 : i32 to vector<16xi32>
      tpu.vector_store_idx %arg7[%broadcast_in_dim3A_928, %add3A_856], %gather3A_926 : memref<16x1024xf32, #tpu.memory_space<vmem>>[vector<16xi32>, vector<16xi32>], vector<16xf32>,
      %mul3A_929 = arith.constant 16 : i32
      %mul3A_930 = vector.broadcast %mul3A_929 : i32 to vector<16xi32>
      %mul3A_931 = arith.muli %shift_right_logical3A_6, %mul3A_930 : vector<16xi32>
      %add3A_932 = arith.constant 8 : i32
      %add3A_933 = vector.broadcast %add3A_932 : i32 to vector<16xi32>
      %add3A_934 = arith.addi %add3A_933, %mul3A_931 : vector<16xi32>
      %gather3A_935 = tpu.vector_load_idx %arg6[%add3A_934, %add3A_848] : memref<32x3072xf32, #tpu.memory_space<vmem>>[vector<16xi32>, vector<16xi32>], vector<16xf32>,
      %broadcast_in_dim3A_936 = arith.constant 8 : i32
      %broadcast_in_dim3A_937 = vector.broadcast %broadcast_in_dim3A_936 : i32 to vector<16xi32>
      tpu.vector_store_idx %arg7[%broadcast_in_dim3A_937, %add3A_856], %gather3A_935 : memref<16x1024xf32, #tpu.memory_space<vmem>>[vector<16xi32>, vector<16xi32>], vector<16xf32>,
      %mul3A_938 = arith.constant 16 : i32
      %mul3A_939 = vector.broadcast %mul3A_938 : i32 to vector<16xi32>
      %mul3A_940 = arith.muli %shift_right_logical3A_6, %mul3A_939 : vector<16xi32>
      %add3A_941 = arith.constant 9 : i32
      %add3A_942 = vector.broadcast %add3A_941 : i32 to vector<16xi32>
      %add3A_943 = arith.addi %add3A_942, %mul3A_940 : vector<16xi32>
      %gather3A_944 = tpu.vector_load_idx %arg6[%add3A_943, %add3A_848] : memref<32x3072xf32, #tpu.memory_space<vmem>>[vector<16xi32>, vector<16xi32>], vector<16xf32>,
      %broadcast_in_dim3A_945 = arith.constant 9 : i32
      %broadcast_in_dim3A_946 = vector.broadcast %broadcast_in_dim3A_945 : i32 to vector<16xi32>
      tpu.vector_store_idx %arg7[%broadcast_in_dim3A_946, %add3A_856], %gather3A_944 : memref<16x1024xf32, #tpu.memory_space<vmem>>[vector<16xi32>, vector<16xi32>], vector<16xf32>,
      %mul3A_947 = arith.constant 16 : i32
      %mul3A_948 = vector.broadcast %mul3A_947 : i32 to vector<16xi32>
      %mul3A_949 = arith.muli %shift_right_logical3A_6, %mul3A_948 : vector<16xi32>
      %add3A_950 = arith.constant 10 : i32
      %add3A_951 = vector.broadcast %add3A_950 : i32 to vector<16xi32>
      %add3A_952 = arith.addi %add3A_951, %mul3A_949 : vector<16xi32>
      %gather3A_953 = tpu.vector_load_idx %arg6[%add3A_952, %add3A_848] : memref<32x3072xf32, #tpu.memory_space<vmem>>[vector<16xi32>, vector<16xi32>], vector<16xf32>,
      %broadcast_in_dim3A_954 = arith.constant 10 : i32
      %broadcast_in_dim3A_955 = vector.broadcast %broadcast_in_dim3A_954 : i32 to vector<16xi32>
      tpu.vector_store_idx %arg7[%broadcast_in_dim3A_955, %add3A_856], %gather3A_953 : memref<16x1024xf32, #tpu.memory_space<vmem>>[vector<16xi32>, vector<16xi32>], vector<16xf32>,
      %mul3A_956 = arith.constant 16 : i32
      %mul3A_957 = vector.broadcast %mul3A_956 : i32 to vector<16xi32>
      %mul3A_958 = arith.muli %shift_right_logical3A_6, %mul3A_957 : vector<16xi32>
      %add3A_959 = arith.constant 11 : i32
      %add3A_960 = vector.broadcast %add3A_959 : i32 to vector<16xi32>
      %add3A_961 = arith.addi %add3A_960, %mul3A_958 : vector<16xi32>
      %gather3A_962 = tpu.vector_load_idx %arg6[%add3A_961, %add3A_848] : memref<32x3072xf32, #tpu.memory_space<vmem>>[vector<16xi32>, vector<16xi32>], vector<16xf32>,
      %broadcast_in_dim3A_963 = arith.constant 11 : i32
      %broadcast_in_dim3A_964 = vector.broadcast %broadcast_in_dim3A_963 : i32 to vector<16xi32>
      tpu.vector_store_idx %arg7[%broadcast_in_dim3A_964, %add3A_856], %gather3A_962 : memref<16x1024xf32, #tpu.memory_space<vmem>>[vector<16xi32>, vector<16xi32>], vector<16xf32>,
      %mul3A_965 = arith.constant 16 : i32
      %mul3A_966 = vector.broadcast %mul3A_965 : i32 to vector<16xi32>
      %mul3A_967 = arith.muli %shift_right_logical3A_6, %mul3A_966 : vector<16xi32>
      %add3A_968 = arith.constant 12 : i32
      %add3A_969 = vector.broadcast %add3A_968 : i32 to vector<16xi32>
      %add3A_970 = arith.addi %add3A_969, %mul3A_967 : vector<16xi32>
      %gather3A_971 = tpu.vector_load_idx %arg6[%add3A_970, %add3A_848] : memref<32x3072xf32, #tpu.memory_space<vmem>>[vector<16xi32>, vector<16xi32>], vector<16xf32>,
      %broadcast_in_dim3A_972 = arith.constant 12 : i32
      %broadcast_in_dim3A_973 = vector.broadcast %broadcast_in_dim3A_972 : i32 to vector<16xi32>
      tpu.vector_store_idx %arg7[%broadcast_in_dim3A_973, %add3A_856], %gather3A_971 : memref<16x1024xf32, #tpu.memory_space<vmem>>[vector<16xi32>, vector<16xi32>], vector<16xf32>,
      %mul3A_974 = arith.constant 16 : i32
      %mul3A_975 = vector.broadcast %mul3A_974 : i32 to vector<16xi32>
      %mul3A_976 = arith.muli %shift_right_logical3A_6, %mul3A_975 : vector<16xi32>
      %add3A_977 = arith.constant 13 : i32
      %add3A_978 = vector.broadcast %add3A_977 : i32 to vector<16xi32>
      %add3A_979 = arith.addi %add3A_978, %mul3A_976 : vector<16xi32>
      %gather3A_980 = tpu.vector_load_idx %arg6[%add3A_979, %add3A_848] : memref<32x3072xf32, #tpu.memory_space<vmem>>[vector<16xi32>, vector<16xi32>], vector<16xf32>,
      %broadcast_in_dim3A_981 = arith.constant 13 : i32
      %broadcast_in_dim3A_982 = vector.broadcast %broadcast_in_dim3A_981 : i32 to vector<16xi32>
      tpu.vector_store_idx %arg7[%broadcast_in_dim3A_982, %add3A_856], %gather3A_980 : memref<16x1024xf32, #tpu.memory_space<vmem>>[vector<16xi32>, vector<16xi32>], vector<16xf32>,
      %mul3A_983 = arith.constant 16 : i32
      %mul3A_984 = vector.broadcast %mul3A_983 : i32 to vector<16xi32>
      %mul3A_985 = arith.muli %shift_right_logical3A_6, %mul3A_984 : vector<16xi32>
      %add3A_986 = arith.constant 14 : i32
      %add3A_987 = vector.broadcast %add3A_986 : i32 to vector<16xi32>
      %add3A_988 = arith.addi %add3A_987, %mul3A_985 : vector<16xi32>
      %gather3A_989 = tpu.vector_load_idx %arg6[%add3A_988, %add3A_848] : memref<32x3072xf32, #tpu.memory_space<vmem>>[vector<16xi32>, vector<16xi32>], vector<16xf32>,
      %broadcast_in_dim3A_990 = arith.constant 14 : i32
      %broadcast_in_dim3A_991 = vector.broadcast %broadcast_in_dim3A_990 : i32 to vector<16xi32>
      tpu.vector_store_idx %arg7[%broadcast_in_dim3A_991, %add3A_856], %gather3A_989 : memref<16x1024xf32, #tpu.memory_space<vmem>>[vector<16xi32>, vector<16xi32>], vector<16xf32>,
      %mul3A_992 = arith.constant 16 : i32
      %mul3A_993 = vector.broadcast %mul3A_992 : i32 to vector<16xi32>
      %mul3A_994 = arith.muli %shift_right_logical3A_6, %mul3A_993 : vector<16xi32>
      %add3A_995 = arith.constant 15 : i32
      %add3A_996 = vector.broadcast %add3A_995 : i32 to vector<16xi32>
      %add3A_997 = arith.addi %add3A_996, %mul3A_994 : vector<16xi32>
      %gather3A_998 = tpu.vector_load_idx %arg6[%add3A_997, %add3A_848] : memref<32x3072xf32, #tpu.memory_space<vmem>>[vector<16xi32>, vector<16xi32>], vector<16xf32>,
      %broadcast_in_dim3A_999 = arith.constant 15 : i32
      %broadcast_in_dim3A_1000 = vector.broadcast %broadcast_in_dim3A_999 : i32 to vector<16xi32>
      tpu.vector_store_idx %arg7[%broadcast_in_dim3A_1000, %add3A_856], %gather3A_998 : memref<16x1024xf32, #tpu.memory_space<vmem>>[vector<16xi32>, vector<16xi32>], vector<16xf32>,
      %add3A_1001 = arith.constant 3 : i32
      %add3A_1002 = arith.addi %add3A_821, %add3A_1001 : i32
      %lt3A_1003 = arith.constant 64 : i32
      %lt3A_1004 = arith.cmpi slt, %add3A_1002, %lt3A_1003 : i32
      %convert_element_type3A_1005 = arith.extui %lt3A_1004 : i1 to i32
      %cond3A_1006 = arith.constant 0 : i32
      %cond3A_1007 = arith.cmpi ne, %convert_element_type3A_1005, %cond3A_1006 : i32
      scf.if %cond3A_1007 {
        %add3A_1200 = arith.constant 3 : i32
        %add3A_1201 = arith.addi %add3A_821, %add3A_1200 : i32
        %mul3A_1202 = arith.constant 8 : i32
        %mul3A_1203 = arith.muli %add3A_1201, %mul3A_1202 : i32
        %add3A_1204 = vector.broadcast %mul3A_1203 : i32 to vector<16xi32>
        %add3A_1205 = arith.addi %add3A_1204, %and3A_4 : vector<16xi32>
        %gather3A_1206 = tpu.vector_load_idx %arg5[%add3A_1205] : memref<512xi32, #tpu.memory_space<vmem>>[vector<16xi32>], vector<16xi32>,
        %and3A_1207 = arith.constant -128 : i32
        %and3A_1208 = vector.broadcast %and3A_1207 : i32 to vector<16xi32>
        %and3A_1209 = arith.andi %gather3A_1206, %and3A_1208 : vector<16xi32>
        %slice3A_1210 = vector.extract_strided_slice %and3A_1209 {offsets = [0], sizes = [1], strides = [1]} : vector<16xi32> to vector<1xi32>
        %squeeze3A_1211 = vector.extract %slice3A_1210[0] : i32 from vector<1xi32>
        %multiple_of3A_1212 = tpu.assume_multiple %squeeze3A_1211, 128 : i32
        %dma_start3A_1213 = arith.constant 0 : i32
        %dma_start3A_1214 = arith.constant 2048 : i32
        %dma_start3A_1215 = tpu.memref_slice %arg6[%dma_start3A_1213, %dma_start3A_1214] : memref<32x3072xf32, #tpu.memory_space<vmem>> -> memref<32x128xf32, #tpu.memory_space<vmem>>
        %dma_start3A_1216 = arith.constant 0 : i32
        %dma_start3A_1217 = tpu.memref_slice %arg3[%dma_start3A_1216, %multiple_of3A_1212] : memref<32x1000000xf32, #tpu.memory_space<hbm>> -> memref<32x128xf32, #tpu.memory_space<hbm>>
        %dma_start3A_1218 = arith.constant 0 : i32
        %dma_start3A_1219 = arith.constant 2048 : i32
        %dma_start3A_1220 = tpu.memref_slice %arg6[%dma_start3A_1218, %dma_start3A_1219] : memref<32x3072xf32, #tpu.memory_space<vmem>> -> memref<32x128xf32, #tpu.memory_space<vmem>>
        %dma_start3A_1221 = arith.constant 0 : i32
        %dma_start3A_1222 = tpu.memref_slice %arg3[%dma_start3A_1221, %multiple_of3A_1212] : memref<32x1000000xf32, #tpu.memory_space<hbm>> -> memref<32x128xf32, #tpu.memory_space<hbm>>
        tpu.enqueue_dma source(%dma_start3A_1222 : memref<32x128xf32, #tpu.memory_space<hbm>>) target(%dma_start3A_1220 : memref<32x128xf32, #tpu.memory_space<vmem>>) target_semaphore(%arg10 : memref<!tpu.dma_semaphore, #tpu.memory_space<semaphore_mem>>)
        %slice3A_1223 = vector.extract_strided_slice %and3A_1209 {offsets = [1], sizes = [1], strides = [1]} : vector<16xi32> to vector<1xi32>
        %squeeze3A_1224 = vector.extract %slice3A_1223[0] : i32 from vector<1xi32>
        %multiple_of3A_1225 = tpu.assume_multiple %squeeze3A_1224, 128 : i32
        %dma_start3A_1226 = arith.constant 0 : i32
        %dma_start3A_1227 = arith.constant 2176 : i32
        %dma_start3A_1228 = tpu.memref_slice %arg6[%dma_start3A_1226, %dma_start3A_1227] : memref<32x3072xf32, #tpu.memory_space<vmem>> -> memref<32x128xf32, #tpu.memory_space<vmem>>
        %dma_start3A_1229 = arith.constant 0 : i32
        %dma_start3A_1230 = tpu.memref_slice %arg3[%dma_start3A_1229, %multiple_of3A_1225] : memref<32x1000000xf32, #tpu.memory_space<hbm>> -> memref<32x128xf32, #tpu.memory_space<hbm>>
        %dma_start3A_1231 = arith.constant 0 : i32
        %dma_start3A_1232 = arith.constant 2176 : i32
        %dma_start3A_1233 = tpu.memref_slice %arg6[%dma_start3A_1231, %dma_start3A_1232] : memref<32x3072xf32, #tpu.memory_space<vmem>> -> memref<32x128xf32, #tpu.memory_space<vmem>>
        %dma_start3A_1234 = arith.constant 0 : i32
        %dma_start3A_1235 = tpu.memref_slice %arg3[%dma_start3A_1234, %multiple_of3A_1225] : memref<32x1000000xf32, #tpu.memory_space<hbm>> -> memref<32x128xf32, #tpu.memory_space<hbm>>
        tpu.enqueue_dma source(%dma_start3A_1235 : memref<32x128xf32, #tpu.memory_space<hbm>>) target(%dma_start3A_1233 : memref<32x128xf32, #tpu.memory_space<vmem>>) target_semaphore(%arg10 : memref<!tpu.dma_semaphore, #tpu.memory_space<semaphore_mem>>)
        %slice3A_1236 = vector.extract_strided_slice %and3A_1209 {offsets = [2], sizes = [1], strides = [1]} : vector<16xi32> to vector<1xi32>
        %squeeze3A_1237 = vector.extract %slice3A_1236[0] : i32 from vector<1xi32>
        %multiple_of3A_1238 = tpu.assume_multiple %squeeze3A_1237, 128 : i32
        %dma_start3A_1239 = arith.constant 0 : i32
        %dma_start3A_1240 = arith.constant 2304 : i32
        %dma_start3A_1241 = tpu.memref_slice %arg6[%dma_start3A_1239, %dma_start3A_1240] : memref<32x3072xf32, #tpu.memory_space<vmem>> -> memref<32x128xf32, #tpu.memory_space<vmem>>
        %dma_start3A_1242 = arith.constant 0 : i32
        %dma_start3A_1243 = tpu.memref_slice %arg3[%dma_start3A_1242, %multiple_of3A_1238] : memref<32x1000000xf32, #tpu.memory_space<hbm>> -> memref<32x128xf32, #tpu.memory_space<hbm>>
        %dma_start3A_1244 = arith.constant 0 : i32
        %dma_start3A_1245 = arith.constant 2304 : i32
        %dma_start3A_1246 = tpu.memref_slice %arg6[%dma_start3A_1244, %dma_start3A_1245] : memref<32x3072xf32, #tpu.memory_space<vmem>> -> memref<32x128xf32, #tpu.memory_space<vmem>>
        %dma_start3A_1247 = arith.constant 0 : i32
        %dma_start3A_1248 = tpu.memref_slice %arg3[%dma_start3A_1247, %multiple_of3A_1238] : memref<32x1000000xf32, #tpu.memory_space<hbm>> -> memref<32x128xf32, #tpu.memory_space<hbm>>
        tpu.enqueue_dma source(%dma_start3A_1248 : memref<32x128xf32, #tpu.memory_space<hbm>>) target(%dma_start3A_1246 : memref<32x128xf32, #tpu.memory_space<vmem>>) target_semaphore(%arg10 : memref<!tpu.dma_semaphore, #tpu.memory_space<semaphore_mem>>)
        %slice3A_1249 = vector.extract_strided_slice %and3A_1209 {offsets = [3], sizes = [1], strides = [1]} : vector<16xi32> to vector<1xi32>
        %squeeze3A_1250 = vector.extract %slice3A_1249[0] : i32 from vector<1xi32>
        %multiple_of3A_1251 = tpu.assume_multiple %squeeze3A_1250, 128 : i32
        %dma_start3A_1252 = arith.constant 0 : i32
        %dma_start3A_1253 = arith.constant 2432 : i32
        %dma_start3A_1254 = tpu.memref_slice %arg6[%dma_start3A_1252, %dma_start3A_1253] : memref<32x3072xf32, #tpu.memory_space<vmem>> -> memref<32x128xf32, #tpu.memory_space<vmem>>
        %dma_start3A_1255 = arith.constant 0 : i32
        %dma_start3A_1256 = tpu.memref_slice %arg3[%dma_start3A_1255, %multiple_of3A_1251] : memref<32x1000000xf32, #tpu.memory_space<hbm>> -> memref<32x128xf32, #tpu.memory_space<hbm>>
        %dma_start3A_1257 = arith.constant 0 : i32
        %dma_start3A_1258 = arith.constant 2432 : i32
        %dma_start3A_1259 = tpu.memref_slice %arg6[%dma_start3A_1257, %dma_start3A_1258] : memref<32x3072xf32, #tpu.memory_space<vmem>> -> memref<32x128xf32, #tpu.memory_space<vmem>>
        %dma_start3A_1260 = arith.constant 0 : i32
        %dma_start3A_1261 = tpu.memref_slice %arg3[%dma_start3A_1260, %multiple_of3A_1251] : memref<32x1000000xf32, #tpu.memory_space<hbm>> -> memref<32x128xf32, #tpu.memory_space<hbm>>
        tpu.enqueue_dma source(%dma_start3A_1261 : memref<32x128xf32, #tpu.memory_space<hbm>>) target(%dma_start3A_1259 : memref<32x128xf32, #tpu.memory_space<vmem>>) target_semaphore(%arg10 : memref<!tpu.dma_semaphore, #tpu.memory_space<semaphore_mem>>)
        %slice3A_1262 = vector.extract_strided_slice %and3A_1209 {offsets = [4], sizes = [1], strides = [1]} : vector<16xi32> to vector<1xi32>
        %squeeze3A_1263 = vector.extract %slice3A_1262[0] : i32 from vector<1xi32>
        %multiple_of3A_1264 = tpu.assume_multiple %squeeze3A_1263, 128 : i32
        %dma_start3A_1265 = arith.constant 0 : i32
        %dma_start3A_1266 = arith.constant 2560 : i32
        %dma_start3A_1267 = tpu.memref_slice %arg6[%dma_start3A_1265, %dma_start3A_1266] : memref<32x3072xf32, #tpu.memory_space<vmem>> -> memref<32x128xf32, #tpu.memory_space<vmem>>
        %dma_start3A_1268 = arith.constant 0 : i32
        %dma_start3A_1269 = tpu.memref_slice %arg3[%dma_start3A_1268, %multiple_of3A_1264] : memref<32x1000000xf32, #tpu.memory_space<hbm>> -> memref<32x128xf32, #tpu.memory_space<hbm>>
        %dma_start3A_1270 = arith.constant 0 : i32
        %dma_start3A_1271 = arith.constant 2560 : i32
        %dma_start3A_1272 = tpu.memref_slice %arg6[%dma_start3A_1270, %dma_start3A_1271] : memref<32x3072xf32, #tpu.memory_space<vmem>> -> memref<32x128xf32, #tpu.memory_space<vmem>>
        %dma_start3A_1273 = arith.constant 0 : i32
        %dma_start3A_1274 = tpu.memref_slice %arg3[%dma_start3A_1273, %multiple_of3A_1264] : memref<32x1000000xf32, #tpu.memory_space<hbm>> -> memref<32x128xf32, #tpu.memory_space<hbm>>
        tpu.enqueue_dma source(%dma_start3A_1274 : memref<32x128xf32, #tpu.memory_space<hbm>>) target(%dma_start3A_1272 : memref<32x128xf32, #tpu.memory_space<vmem>>) target_semaphore(%arg10 : memref<!tpu.dma_semaphore, #tpu.memory_space<semaphore_mem>>)
        %slice3A_1275 = vector.extract_strided_slice %and3A_1209 {offsets = [5], sizes = [1], strides = [1]} : vector<16xi32> to vector<1xi32>
        %squeeze3A_1276 = vector.extract %slice3A_1275[0] : i32 from vector<1xi32>
        %multiple_of3A_1277 = tpu.assume_multiple %squeeze3A_1276, 128 : i32
        %dma_start3A_1278 = arith.constant 0 : i32
        %dma_start3A_1279 = arith.constant 2688 : i32
        %dma_start3A_1280 = tpu.memref_slice %arg6[%dma_start3A_1278, %dma_start3A_1279] : memref<32x3072xf32, #tpu.memory_space<vmem>> -> memref<32x128xf32, #tpu.memory_space<vmem>>
        %dma_start3A_1281 = arith.constant 0 : i32
        %dma_start3A_1282 = tpu.memref_slice %arg3[%dma_start3A_1281, %multiple_of3A_1277] : memref<32x1000000xf32, #tpu.memory_space<hbm>> -> memref<32x128xf32, #tpu.memory_space<hbm>>
        %dma_start3A_1283 = arith.constant 0 : i32
        %dma_start3A_1284 = arith.constant 2688 : i32
        %dma_start3A_1285 = tpu.memref_slice %arg6[%dma_start3A_1283, %dma_start3A_1284] : memref<32x3072xf32, #tpu.memory_space<vmem>> -> memref<32x128xf32, #tpu.memory_space<vmem>>
        %dma_start3A_1286 = arith.constant 0 : i32
        %dma_start3A_1287 = tpu.memref_slice %arg3[%dma_start3A_1286, %multiple_of3A_1277] : memref<32x1000000xf32, #tpu.memory_space<hbm>> -> memref<32x128xf32, #tpu.memory_space<hbm>>
        tpu.enqueue_dma source(%dma_start3A_1287 : memref<32x128xf32, #tpu.memory_space<hbm>>) target(%dma_start3A_1285 : memref<32x128xf32, #tpu.memory_space<vmem>>) target_semaphore(%arg10 : memref<!tpu.dma_semaphore, #tpu.memory_space<semaphore_mem>>)
        %slice3A_1288 = vector.extract_strided_slice %and3A_1209 {offsets = [6], sizes = [1], strides = [1]} : vector<16xi32> to vector<1xi32>
        %squeeze3A_1289 = vector.extract %slice3A_1288[0] : i32 from vector<1xi32>
        %multiple_of3A_1290 = tpu.assume_multiple %squeeze3A_1289, 128 : i32
        %dma_start3A_1291 = arith.constant 0 : i32
        %dma_start3A_1292 = arith.constant 2816 : i32
        %dma_start3A_1293 = tpu.memref_slice %arg6[%dma_start3A_1291, %dma_start3A_1292] : memref<32x3072xf32, #tpu.memory_space<vmem>> -> memref<32x128xf32, #tpu.memory_space<vmem>>
        %dma_start3A_1294 = arith.constant 0 : i32
        %dma_start3A_1295 = tpu.memref_slice %arg3[%dma_start3A_1294, %multiple_of3A_1290] : memref<32x1000000xf32, #tpu.memory_space<hbm>> -> memref<32x128xf32, #tpu.memory_space<hbm>>
        %dma_start3A_1296 = arith.constant 0 : i32
        %dma_start3A_1297 = arith.constant 2816 : i32
        %dma_start3A_1298 = tpu.memref_slice %arg6[%dma_start3A_1296, %dma_start3A_1297] : memref<32x3072xf32, #tpu.memory_space<vmem>> -> memref<32x128xf32, #tpu.memory_space<vmem>>
        %dma_start3A_1299 = arith.constant 0 : i32
        %dma_start3A_1300 = tpu.memref_slice %arg3[%dma_start3A_1299, %multiple_of3A_1290] : memref<32x1000000xf32, #tpu.memory_space<hbm>> -> memref<32x128xf32, #tpu.memory_space<hbm>>
        tpu.enqueue_dma source(%dma_start3A_1300 : memref<32x128xf32, #tpu.memory_space<hbm>>) target(%dma_start3A_1298 : memref<32x128xf32, #tpu.memory_space<vmem>>) target_semaphore(%arg10 : memref<!tpu.dma_semaphore, #tpu.memory_space<semaphore_mem>>)
        %slice3A_1301 = vector.extract_strided_slice %and3A_1209 {offsets = [7], sizes = [1], strides = [1]} : vector<16xi32> to vector<1xi32>
        %squeeze3A_1302 = vector.extract %slice3A_1301[0] : i32 from vector<1xi32>
        %multiple_of3A_1303 = tpu.assume_multiple %squeeze3A_1302, 128 : i32
        %dma_start3A_1304 = arith.constant 0 : i32
        %dma_start3A_1305 = arith.constant 2944 : i32
        %dma_start3A_1306 = tpu.memref_slice %arg6[%dma_start3A_1304, %dma_start3A_1305] : memref<32x3072xf32, #tpu.memory_space<vmem>> -> memref<32x128xf32, #tpu.memory_space<vmem>>
        %dma_start3A_1307 = arith.constant 0 : i32
        %dma_start3A_1308 = tpu.memref_slice %arg3[%dma_start3A_1307, %multiple_of3A_1303] : memref<32x1000000xf32, #tpu.memory_space<hbm>> -> memref<32x128xf32, #tpu.memory_space<hbm>>
        %dma_start3A_1309 = arith.constant 0 : i32
        %dma_start3A_1310 = arith.constant 2944 : i32
        %dma_start3A_1311 = tpu.memref_slice %arg6[%dma_start3A_1309, %dma_start3A_1310] : memref<32x3072xf32, #tpu.memory_space<vmem>> -> memref<32x128xf32, #tpu.memory_space<vmem>>
        %dma_start3A_1312 = arith.constant 0 : i32
        %dma_start3A_1313 = tpu.memref_slice %arg3[%dma_start3A_1312, %multiple_of3A_1303] : memref<32x1000000xf32, #tpu.memory_space<hbm>> -> memref<32x128xf32, #tpu.memory_space<hbm>>
        tpu.enqueue_dma source(%dma_start3A_1313 : memref<32x128xf32, #tpu.memory_space<hbm>>) target(%dma_start3A_1311 : memref<32x128xf32, #tpu.memory_space<vmem>>) target_semaphore(%arg10 : memref<!tpu.dma_semaphore, #tpu.memory_space<semaphore_mem>>)
      } else {
      }
      %mul3A_1008 = arith.constant 3 : i32
      %mul3A_1009 = arith.muli %mul3A_1008, %scan3A_626 : i32
      %add3A_1010 = arith.constant 1 : i32
      %add3A_1011 = arith.addi %add3A_1010, %mul3A_1009 : i32
      %add3A_1012 = arith.constant 2 : i32
      %add3A_1013 = arith.addi %add3A_1011, %add3A_1012 : i32
      %dma_wait3A_1014 = arith.constant 0 : i32
      %dma_wait3A_1015 = arith.constant 0 : i32
      %dma_wait3A_1016 = tpu.memref_slice %arg6[%dma_wait3A_1014, %dma_wait3A_1015] : memref<32x3072xf32, #tpu.memory_space<vmem>> -> memref<32x1024xf32, #tpu.memory_space<vmem>>
      %dma_wait3A_1017 = arith.constant 0 : i32
      %dma_wait3A_1018 = arith.constant 0 : i32
      %dma_wait3A_1019 = tpu.memref_slice %arg4[%dma_wait3A_1017, %dma_wait3A_1018] : memref<32x16384xf32, #tpu.memory_space<hbm>> -> memref<32x1024xf32, #tpu.memory_space<hbm>>
      %dma_wait3A_1020 = arith.constant 0 : i32
      %dma_wait3A_1021 = arith.constant 0 : i32
      %dma_wait3A_1022 = tpu.memref_slice %arg6[%dma_wait3A_1020, %dma_wait3A_1021] : memref<32x3072xf32, #tpu.memory_space<vmem>> -> memref<32x1024xf32, #tpu.memory_space<vmem>>
      %dma_wait3A_1023 = arith.constant 0 : i32
      %dma_wait3A_1024 = arith.constant 0 : i32
      %dma_wait3A_1025 = tpu.memref_slice %arg4[%dma_wait3A_1023, %dma_wait3A_1024] : memref<32x16384xf32, #tpu.memory_space<hbm>> -> memref<32x1024xf32, #tpu.memory_space<hbm>>
      tpu.wait_dma2 semaphore(%arg8 : memref<!tpu.dma_semaphore, #tpu.memory_space<semaphore_mem>>) src(%dma_wait3A_1025 : memref<32x1024xf32, #tpu.memory_space<hbm>>) dst(%dma_wait3A_1022 : memref<32x1024xf32, #tpu.memory_space<vmem>>)
      %mul3A_1026 = arith.constant 8 : i32
      %mul3A_1027 = arith.muli %add3A_1013, %mul3A_1026 : i32
      %add3A_1028 = vector.broadcast %mul3A_1027 : i32 to vector<16xi32>
      %add3A_1029 = arith.addi %add3A_1028, %and3A_4 : vector<16xi32>
      %gather3A_1030 = tpu.vector_load_idx %arg5[%add3A_1029] : memref<512xi32, #tpu.memory_space<vmem>>[vector<16xi32>], vector<16xi32>,
      %and3A_1031 = arith.constant 127 : i32
      %and3A_1032 = vector.broadcast %and3A_1031 : i32 to vector<16xi32>
      %and3A_1033 = arith.andi %gather3A_1030, %and3A_1032 : vector<16xi32>
      %mul3A_1034 = arith.constant 128 : i32
      %mul3A_1035 = vector.broadcast %mul3A_1034 : i32 to vector<16xi32>
      %mul3A_1036 = arith.muli %and3A_4, %mul3A_1035 : vector<16xi32>
      %add3A_1037 = arith.constant 0 : i32
      %add3A_1038 = vector.broadcast %add3A_1037 : i32 to vector<16xi32>
      %add3A_1039 = arith.addi %add3A_1038, %mul3A_1036 : vector<16xi32>
      %add3A_1040 = arith.addi %add3A_1039, %and3A_1033 : vector<16xi32>
      %mul3A_1041 = arith.constant 8 : i32
      %mul3A_1042 = arith.muli %add3A_1013, %mul3A_1041 : i32
      %add3A_1043 = vector.broadcast %mul3A_1042 : i32 to vector<16xi32>
      %add3A_1044 = arith.addi %add3A_1043, %and3A_4 : vector<16xi32>
      %mul3A_1045 = arith.constant 512 : i32
      %mul3A_1046 = vector.broadcast %mul3A_1045 : i32 to vector<16xi32>
      %mul3A_1047 = arith.muli %shift_right_logical3A_6, %mul3A_1046 : vector<16xi32>
      %add3A_1048 = arith.addi %add3A_1044, %mul3A_1047 : vector<16xi32>
      %mul3A_1049 = arith.constant 16 : i32
      %mul3A_1050 = vector.broadcast %mul3A_1049 : i32 to vector<16xi32>
      %mul3A_1051 = arith.muli %shift_right_logical3A_6, %mul3A_1050 : vector<16xi32>
      %add3A_1052 = arith.constant 0 : i32
      %add3A_1053 = vector.broadcast %add3A_1052 : i32 to vector<16xi32>
      %add3A_1054 = arith.addi %add3A_1053, %mul3A_1051 : vector<16xi32>
      %gather3A_1055 = tpu.vector_load_idx %arg6[%add3A_1054, %add3A_1040] : memref<32x3072xf32, #tpu.memory_space<vmem>>[vector<16xi32>, vector<16xi32>], vector<16xf32>,
      %broadcast_in_dim3A_1056 = arith.constant 0 : i32
      %broadcast_in_dim3A_1057 = vector.broadcast %broadcast_in_dim3A_1056 : i32 to vector<16xi32>
      tpu.vector_store_idx %arg7[%broadcast_in_dim3A_1057, %add3A_1048], %gather3A_1055 : memref<16x1024xf32, #tpu.memory_space<vmem>>[vector<16xi32>, vector<16xi32>], vector<16xf32>,
      %mul3A_1058 = arith.constant 16 : i32
      %mul3A_1059 = vector.broadcast %mul3A_1058 : i32 to vector<16xi32>
      %mul3A_1060 = arith.muli %shift_right_logical3A_6, %mul3A_1059 : vector<16xi32>
      %add3A_1061 = arith.constant 1 : i32
      %add3A_1062 = vector.broadcast %add3A_1061 : i32 to vector<16xi32>
      %add3A_1063 = arith.addi %add3A_1062, %mul3A_1060 : vector<16xi32>
      %gather3A_1064 = tpu.vector_load_idx %arg6[%add3A_1063, %add3A_1040] : memref<32x3072xf32, #tpu.memory_space<vmem>>[vector<16xi32>, vector<16xi32>], vector<16xf32>,
      %broadcast_in_dim3A_1065 = arith.constant 1 : i32
      %broadcast_in_dim3A_1066 = vector.broadcast %broadcast_in_dim3A_1065 : i32 to vector<16xi32>
      tpu.vector_store_idx %arg7[%broadcast_in_dim3A_1066, %add3A_1048], %gather3A_1064 : memref<16x1024xf32, #tpu.memory_space<vmem>>[vector<16xi32>, vector<16xi32>], vector<16xf32>,
      %mul3A_1067 = arith.constant 16 : i32
      %mul3A_1068 = vector.broadcast %mul3A_1067 : i32 to vector<16xi32>
      %mul3A_1069 = arith.muli %shift_right_logical3A_6, %mul3A_1068 : vector<16xi32>
      %add3A_1070 = arith.constant 2 : i32
      %add3A_1071 = vector.broadcast %add3A_1070 : i32 to vector<16xi32>
      %add3A_1072 = arith.addi %add3A_1071, %mul3A_1069 : vector<16xi32>
      %gather3A_1073 = tpu.vector_load_idx %arg6[%add3A_1072, %add3A_1040] : memref<32x3072xf32, #tpu.memory_space<vmem>>[vector<16xi32>, vector<16xi32>], vector<16xf32>,
      %broadcast_in_dim3A_1074 = arith.constant 2 : i32
      %broadcast_in_dim3A_1075 = vector.broadcast %broadcast_in_dim3A_1074 : i32 to vector<16xi32>
      tpu.vector_store_idx %arg7[%broadcast_in_dim3A_1075, %add3A_1048], %gather3A_1073 : memref<16x1024xf32, #tpu.memory_space<vmem>>[vector<16xi32>, vector<16xi32>], vector<16xf32>,
      %mul3A_1076 = arith.constant 16 : i32
      %mul3A_1077 = vector.broadcast %mul3A_1076 : i32 to vector<16xi32>
      %mul3A_1078 = arith.muli %shift_right_logical3A_6, %mul3A_1077 : vector<16xi32>
      %add3A_1079 = arith.constant 3 : i32
      %add3A_1080 = vector.broadcast %add3A_1079 : i32 to vector<16xi32>
      %add3A_1081 = arith.addi %add3A_1080, %mul3A_1078 : vector<16xi32>
      %gather3A_1082 = tpu.vector_load_idx %arg6[%add3A_1081, %add3A_1040] : memref<32x3072xf32, #tpu.memory_space<vmem>>[vector<16xi32>, vector<16xi32>], vector<16xf32>,
      %broadcast_in_dim3A_1083 = arith.constant 3 : i32
      %broadcast_in_dim3A_1084 = vector.broadcast %broadcast_in_dim3A_1083 : i32 to vector<16xi32>
      tpu.vector_store_idx %arg7[%broadcast_in_dim3A_1084, %add3A_1048], %gather3A_1082 : memref<16x1024xf32, #tpu.memory_space<vmem>>[vector<16xi32>, vector<16xi32>], vector<16xf32>,
      %mul3A_1085 = arith.constant 16 : i32
      %mul3A_1086 = vector.broadcast %mul3A_1085 : i32 to vector<16xi32>
      %mul3A_1087 = arith.muli %shift_right_logical3A_6, %mul3A_1086 : vector<16xi32>
      %add3A_1088 = arith.constant 4 : i32
      %add3A_1089 = vector.broadcast %add3A_1088 : i32 to vector<16xi32>
      %add3A_1090 = arith.addi %add3A_1089, %mul3A_1087 : vector<16xi32>
      %gather3A_1091 = tpu.vector_load_idx %arg6[%add3A_1090, %add3A_1040] : memref<32x3072xf32, #tpu.memory_space<vmem>>[vector<16xi32>, vector<16xi32>], vector<16xf32>,
      %broadcast_in_dim3A_1092 = arith.constant 4 : i32
      %broadcast_in_dim3A_1093 = vector.broadcast %broadcast_in_dim3A_1092 : i32 to vector<16xi32>
      tpu.vector_store_idx %arg7[%broadcast_in_dim3A_1093, %add3A_1048], %gather3A_1091 : memref<16x1024xf32, #tpu.memory_space<vmem>>[vector<16xi32>, vector<16xi32>], vector<16xf32>,
      %mul3A_1094 = arith.constant 16 : i32
      %mul3A_1095 = vector.broadcast %mul3A_1094 : i32 to vector<16xi32>
      %mul3A_1096 = arith.muli %shift_right_logical3A_6, %mul3A_1095 : vector<16xi32>
      %add3A_1097 = arith.constant 5 : i32
      %add3A_1098 = vector.broadcast %add3A_1097 : i32 to vector<16xi32>
      %add3A_1099 = arith.addi %add3A_1098, %mul3A_1096 : vector<16xi32>
      %gather3A_1100 = tpu.vector_load_idx %arg6[%add3A_1099, %add3A_1040] : memref<32x3072xf32, #tpu.memory_space<vmem>>[vector<16xi32>, vector<16xi32>], vector<16xf32>,
      %broadcast_in_dim3A_1101 = arith.constant 5 : i32
      %broadcast_in_dim3A_1102 = vector.broadcast %broadcast_in_dim3A_1101 : i32 to vector<16xi32>
      tpu.vector_store_idx %arg7[%broadcast_in_dim3A_1102, %add3A_1048], %gather3A_1100 : memref<16x1024xf32, #tpu.memory_space<vmem>>[vector<16xi32>, vector<16xi32>], vector<16xf32>,
      %mul3A_1103 = arith.constant 16 : i32
      %mul3A_1104 = vector.broadcast %mul3A_1103 : i32 to vector<16xi32>
      %mul3A_1105 = arith.muli %shift_right_logical3A_6, %mul3A_1104 : vector<16xi32>
      %add3A_1106 = arith.constant 6 : i32
      %add3A_1107 = vector.broadcast %add3A_1106 : i32 to vector<16xi32>
      %add3A_1108 = arith.addi %add3A_1107, %mul3A_1105 : vector<16xi32>
      %gather3A_1109 = tpu.vector_load_idx %arg6[%add3A_1108, %add3A_1040] : memref<32x3072xf32, #tpu.memory_space<vmem>>[vector<16xi32>, vector<16xi32>], vector<16xf32>,
      %broadcast_in_dim3A_1110 = arith.constant 6 : i32
      %broadcast_in_dim3A_1111 = vector.broadcast %broadcast_in_dim3A_1110 : i32 to vector<16xi32>
      tpu.vector_store_idx %arg7[%broadcast_in_dim3A_1111, %add3A_1048], %gather3A_1109 : memref<16x1024xf32, #tpu.memory_space<vmem>>[vector<16xi32>, vector<16xi32>], vector<16xf32>,
      %mul3A_1112 = arith.constant 16 : i32
      %mul3A_1113 = vector.broadcast %mul3A_1112 : i32 to vector<16xi32>
      %mul3A_1114 = arith.muli %shift_right_logical3A_6, %mul3A_1113 : vector<16xi32>
      %add3A_1115 = arith.constant 7 : i32
      %add3A_1116 = vector.broadcast %add3A_1115 : i32 to vector<16xi32>
      %add3A_1117 = arith.addi %add3A_1116, %mul3A_1114 : vector<16xi32>
      %gather3A_1118 = tpu.vector_load_idx %arg6[%add3A_1117, %add3A_1040] : memref<32x3072xf32, #tpu.memory_space<vmem>>[vector<16xi32>, vector<16xi32>], vector<16xf32>,
      %broadcast_in_dim3A_1119 = arith.constant 7 : i32
      %broadcast_in_dim3A_1120 = vector.broadcast %broadcast_in_dim3A_1119 : i32 to vector<16xi32>
      tpu.vector_store_idx %arg7[%broadcast_in_dim3A_1120, %add3A_1048], %gather3A_1118 : memref<16x1024xf32, #tpu.memory_space<vmem>>[vector<16xi32>, vector<16xi32>], vector<16xf32>,
      %mul3A_1121 = arith.constant 16 : i32
      %mul3A_1122 = vector.broadcast %mul3A_1121 : i32 to vector<16xi32>
      %mul3A_1123 = arith.muli %shift_right_logical3A_6, %mul3A_1122 : vector<16xi32>
      %add3A_1124 = arith.constant 8 : i32
      %add3A_1125 = vector.broadcast %add3A_1124 : i32 to vector<16xi32>
      %add3A_1126 = arith.addi %add3A_1125, %mul3A_1123 : vector<16xi32>
      %gather3A_1127 = tpu.vector_load_idx %arg6[%add3A_1126, %add3A_1040] : memref<32x3072xf32, #tpu.memory_space<vmem>>[vector<16xi32>, vector<16xi32>], vector<16xf32>,
      %broadcast_in_dim3A_1128 = arith.constant 8 : i32
      %broadcast_in_dim3A_1129 = vector.broadcast %broadcast_in_dim3A_1128 : i32 to vector<16xi32>
      tpu.vector_store_idx %arg7[%broadcast_in_dim3A_1129, %add3A_1048], %gather3A_1127 : memref<16x1024xf32, #tpu.memory_space<vmem>>[vector<16xi32>, vector<16xi32>], vector<16xf32>,
      %mul3A_1130 = arith.constant 16 : i32
      %mul3A_1131 = vector.broadcast %mul3A_1130 : i32 to vector<16xi32>
      %mul3A_1132 = arith.muli %shift_right_logical3A_6, %mul3A_1131 : vector<16xi32>
      %add3A_1133 = arith.constant 9 : i32
      %add3A_1134 = vector.broadcast %add3A_1133 : i32 to vector<16xi32>
      %add3A_1135 = arith.addi %add3A_1134, %mul3A_1132 : vector<16xi32>
      %gather3A_1136 = tpu.vector_load_idx %arg6[%add3A_1135, %add3A_1040] : memref<32x3072xf32, #tpu.memory_space<vmem>>[vector<16xi32>, vector<16xi32>], vector<16xf32>,
      %broadcast_in_dim3A_1137 = arith.constant 9 : i32
      %broadcast_in_dim3A_1138 = vector.broadcast %broadcast_in_dim3A_1137 : i32 to vector<16xi32>
      tpu.vector_store_idx %arg7[%broadcast_in_dim3A_1138, %add3A_1048], %gather3A_1136 : memref<16x1024xf32, #tpu.memory_space<vmem>>[vector<16xi32>, vector<16xi32>], vector<16xf32>,
      %mul3A_1139 = arith.constant 16 : i32
      %mul3A_1140 = vector.broadcast %mul3A_1139 : i32 to vector<16xi32>
      %mul3A_1141 = arith.muli %shift_right_logical3A_6, %mul3A_1140 : vector<16xi32>
      %add3A_1142 = arith.constant 10 : i32
      %add3A_1143 = vector.broadcast %add3A_1142 : i32 to vector<16xi32>
      %add3A_1144 = arith.addi %add3A_1143, %mul3A_1141 : vector<16xi32>
      %gather3A_1145 = tpu.vector_load_idx %arg6[%add3A_1144, %add3A_1040] : memref<32x3072xf32, #tpu.memory_space<vmem>>[vector<16xi32>, vector<16xi32>], vector<16xf32>,
      %broadcast_in_dim3A_1146 = arith.constant 10 : i32
      %broadcast_in_dim3A_1147 = vector.broadcast %broadcast_in_dim3A_1146 : i32 to vector<16xi32>
      tpu.vector_store_idx %arg7[%broadcast_in_dim3A_1147, %add3A_1048], %gather3A_1145 : memref<16x1024xf32, #tpu.memory_space<vmem>>[vector<16xi32>, vector<16xi32>], vector<16xf32>,
      %mul3A_1148 = arith.constant 16 : i32
      %mul3A_1149 = vector.broadcast %mul3A_1148 : i32 to vector<16xi32>
      %mul3A_1150 = arith.muli %shift_right_logical3A_6, %mul3A_1149 : vector<16xi32>
      %add3A_1151 = arith.constant 11 : i32
      %add3A_1152 = vector.broadcast %add3A_1151 : i32 to vector<16xi32>
      %add3A_1153 = arith.addi %add3A_1152, %mul3A_1150 : vector<16xi32>
      %gather3A_1154 = tpu.vector_load_idx %arg6[%add3A_1153, %add3A_1040] : memref<32x3072xf32, #tpu.memory_space<vmem>>[vector<16xi32>, vector<16xi32>], vector<16xf32>,
      %broadcast_in_dim3A_1155 = arith.constant 11 : i32
      %broadcast_in_dim3A_1156 = vector.broadcast %broadcast_in_dim3A_1155 : i32 to vector<16xi32>
      tpu.vector_store_idx %arg7[%broadcast_in_dim3A_1156, %add3A_1048], %gather3A_1154 : memref<16x1024xf32, #tpu.memory_space<vmem>>[vector<16xi32>, vector<16xi32>], vector<16xf32>,
      %mul3A_1157 = arith.constant 16 : i32
      %mul3A_1158 = vector.broadcast %mul3A_1157 : i32 to vector<16xi32>
      %mul3A_1159 = arith.muli %shift_right_logical3A_6, %mul3A_1158 : vector<16xi32>
      %add3A_1160 = arith.constant 12 : i32
      %add3A_1161 = vector.broadcast %add3A_1160 : i32 to vector<16xi32>
      %add3A_1162 = arith.addi %add3A_1161, %mul3A_1159 : vector<16xi32>
      %gather3A_1163 = tpu.vector_load_idx %arg6[%add3A_1162, %add3A_1040] : memref<32x3072xf32, #tpu.memory_space<vmem>>[vector<16xi32>, vector<16xi32>], vector<16xf32>,
      %broadcast_in_dim3A_1164 = arith.constant 12 : i32
      %broadcast_in_dim3A_1165 = vector.broadcast %broadcast_in_dim3A_1164 : i32 to vector<16xi32>
      tpu.vector_store_idx %arg7[%broadcast_in_dim3A_1165, %add3A_1048], %gather3A_1163 : memref<16x1024xf32, #tpu.memory_space<vmem>>[vector<16xi32>, vector<16xi32>], vector<16xf32>,
      %mul3A_1166 = arith.constant 16 : i32
      %mul3A_1167 = vector.broadcast %mul3A_1166 : i32 to vector<16xi32>
      %mul3A_1168 = arith.muli %shift_right_logical3A_6, %mul3A_1167 : vector<16xi32>
      %add3A_1169 = arith.constant 13 : i32
      %add3A_1170 = vector.broadcast %add3A_1169 : i32 to vector<16xi32>
      %add3A_1171 = arith.addi %add3A_1170, %mul3A_1168 : vector<16xi32>
      %gather3A_1172 = tpu.vector_load_idx %arg6[%add3A_1171, %add3A_1040] : memref<32x3072xf32, #tpu.memory_space<vmem>>[vector<16xi32>, vector<16xi32>], vector<16xf32>,
      %broadcast_in_dim3A_1173 = arith.constant 13 : i32
      %broadcast_in_dim3A_1174 = vector.broadcast %broadcast_in_dim3A_1173 : i32 to vector<16xi32>
      tpu.vector_store_idx %arg7[%broadcast_in_dim3A_1174, %add3A_1048], %gather3A_1172 : memref<16x1024xf32, #tpu.memory_space<vmem>>[vector<16xi32>, vector<16xi32>], vector<16xf32>,
      %mul3A_1175 = arith.constant 16 : i32
      %mul3A_1176 = vector.broadcast %mul3A_1175 : i32 to vector<16xi32>
      %mul3A_1177 = arith.muli %shift_right_logical3A_6, %mul3A_1176 : vector<16xi32>
      %add3A_1178 = arith.constant 14 : i32
      %add3A_1179 = vector.broadcast %add3A_1178 : i32 to vector<16xi32>
      %add3A_1180 = arith.addi %add3A_1179, %mul3A_1177 : vector<16xi32>
      %gather3A_1181 = tpu.vector_load_idx %arg6[%add3A_1180, %add3A_1040] : memref<32x3072xf32, #tpu.memory_space<vmem>>[vector<16xi32>, vector<16xi32>], vector<16xf32>,
      %broadcast_in_dim3A_1182 = arith.constant 14 : i32
      %broadcast_in_dim3A_1183 = vector.broadcast %broadcast_in_dim3A_1182 : i32 to vector<16xi32>
      tpu.vector_store_idx %arg7[%broadcast_in_dim3A_1183, %add3A_1048], %gather3A_1181 : memref<16x1024xf32, #tpu.memory_space<vmem>>[vector<16xi32>, vector<16xi32>], vector<16xf32>,
      %mul3A_1184 = arith.constant 16 : i32
      %mul3A_1185 = vector.broadcast %mul3A_1184 : i32 to vector<16xi32>
      %mul3A_1186 = arith.muli %shift_right_logical3A_6, %mul3A_1185 : vector<16xi32>
      %add3A_1187 = arith.constant 15 : i32
      %add3A_1188 = vector.broadcast %add3A_1187 : i32 to vector<16xi32>
      %add3A_1189 = arith.addi %add3A_1188, %mul3A_1186 : vector<16xi32>
      %gather3A_1190 = tpu.vector_load_idx %arg6[%add3A_1189, %add3A_1040] : memref<32x3072xf32, #tpu.memory_space<vmem>>[vector<16xi32>, vector<16xi32>], vector<16xf32>,
      %broadcast_in_dim3A_1191 = arith.constant 15 : i32
      %broadcast_in_dim3A_1192 = vector.broadcast %broadcast_in_dim3A_1191 : i32 to vector<16xi32>
      tpu.vector_store_idx %arg7[%broadcast_in_dim3A_1192, %add3A_1048], %gather3A_1190 : memref<16x1024xf32, #tpu.memory_space<vmem>>[vector<16xi32>, vector<16xi32>], vector<16xf32>,
      %add3A_1193 = arith.constant 3 : i32
      %add3A_1194 = arith.addi %add3A_1013, %add3A_1193 : i32
      %lt3A_1195 = arith.constant 64 : i32
      %lt3A_1196 = arith.cmpi slt, %add3A_1194, %lt3A_1195 : i32
      %convert_element_type3A_1197 = arith.extui %lt3A_1196 : i1 to i32
      %cond3A_1198 = arith.constant 0 : i32
      %cond3A_1199 = arith.cmpi ne, %convert_element_type3A_1197, %cond3A_1198 : i32
      scf.if %cond3A_1199 {
        %add3A_1200 = arith.constant 3 : i32
        %add3A_1201 = arith.addi %add3A_1013, %add3A_1200 : i32
        %mul3A_1202 = arith.constant 8 : i32
        %mul3A_1203 = arith.muli %add3A_1201, %mul3A_1202 : i32
        %add3A_1204 = vector.broadcast %mul3A_1203 : i32 to vector<16xi32>
        %add3A_1205 = arith.addi %add3A_1204, %and3A_4 : vector<16xi32>
        %gather3A_1206 = tpu.vector_load_idx %arg5[%add3A_1205] : memref<512xi32, #tpu.memory_space<vmem>>[vector<16xi32>], vector<16xi32>,
        %and3A_1207 = arith.constant -128 : i32
        %and3A_1208 = vector.broadcast %and3A_1207 : i32 to vector<16xi32>
        %and3A_1209 = arith.andi %gather3A_1206, %and3A_1208 : vector<16xi32>
        %slice3A_1210 = vector.extract_strided_slice %and3A_1209 {offsets = [0], sizes = [1], strides = [1]} : vector<16xi32> to vector<1xi32>
        %squeeze3A_1211 = vector.extract %slice3A_1210[0] : i32 from vector<1xi32>
        %multiple_of3A_1212 = tpu.assume_multiple %squeeze3A_1211, 128 : i32
        %dma_start3A_1213 = arith.constant 0 : i32
        %dma_start3A_1214 = arith.constant 0 : i32
        %dma_start3A_1215 = tpu.memref_slice %arg6[%dma_start3A_1213, %dma_start3A_1214] : memref<32x3072xf32, #tpu.memory_space<vmem>> -> memref<32x128xf32, #tpu.memory_space<vmem>>
        %dma_start3A_1216 = arith.constant 0 : i32
        %dma_start3A_1217 = tpu.memref_slice %arg3[%dma_start3A_1216, %multiple_of3A_1212] : memref<32x1000000xf32, #tpu.memory_space<hbm>> -> memref<32x128xf32, #tpu.memory_space<hbm>>
        %dma_start3A_1218 = arith.constant 0 : i32
        %dma_start3A_1219 = arith.constant 0 : i32
        %dma_start3A_1220 = tpu.memref_slice %arg6[%dma_start3A_1218, %dma_start3A_1219] : memref<32x3072xf32, #tpu.memory_space<vmem>> -> memref<32x128xf32, #tpu.memory_space<vmem>>
        %dma_start3A_1221 = arith.constant 0 : i32
        %dma_start3A_1222 = tpu.memref_slice %arg3[%dma_start3A_1221, %multiple_of3A_1212] : memref<32x1000000xf32, #tpu.memory_space<hbm>> -> memref<32x128xf32, #tpu.memory_space<hbm>>
        tpu.enqueue_dma source(%dma_start3A_1222 : memref<32x128xf32, #tpu.memory_space<hbm>>) target(%dma_start3A_1220 : memref<32x128xf32, #tpu.memory_space<vmem>>) target_semaphore(%arg8 : memref<!tpu.dma_semaphore, #tpu.memory_space<semaphore_mem>>)
        %slice3A_1223 = vector.extract_strided_slice %and3A_1209 {offsets = [1], sizes = [1], strides = [1]} : vector<16xi32> to vector<1xi32>
        %squeeze3A_1224 = vector.extract %slice3A_1223[0] : i32 from vector<1xi32>
        %multiple_of3A_1225 = tpu.assume_multiple %squeeze3A_1224, 128 : i32
        %dma_start3A_1226 = arith.constant 0 : i32
        %dma_start3A_1227 = arith.constant 128 : i32
        %dma_start3A_1228 = tpu.memref_slice %arg6[%dma_start3A_1226, %dma_start3A_1227] : memref<32x3072xf32, #tpu.memory_space<vmem>> -> memref<32x128xf32, #tpu.memory_space<vmem>>
        %dma_start3A_1229 = arith.constant 0 : i32
        %dma_start3A_1230 = tpu.memref_slice %arg3[%dma_start3A_1229, %multiple_of3A_1225] : memref<32x1000000xf32, #tpu.memory_space<hbm>> -> memref<32x128xf32, #tpu.memory_space<hbm>>
        %dma_start3A_1231 = arith.constant 0 : i32
        %dma_start3A_1232 = arith.constant 128 : i32
        %dma_start3A_1233 = tpu.memref_slice %arg6[%dma_start3A_1231, %dma_start3A_1232] : memref<32x3072xf32, #tpu.memory_space<vmem>> -> memref<32x128xf32, #tpu.memory_space<vmem>>
        %dma_start3A_1234 = arith.constant 0 : i32
        %dma_start3A_1235 = tpu.memref_slice %arg3[%dma_start3A_1234, %multiple_of3A_1225] : memref<32x1000000xf32, #tpu.memory_space<hbm>> -> memref<32x128xf32, #tpu.memory_space<hbm>>
        tpu.enqueue_dma source(%dma_start3A_1235 : memref<32x128xf32, #tpu.memory_space<hbm>>) target(%dma_start3A_1233 : memref<32x128xf32, #tpu.memory_space<vmem>>) target_semaphore(%arg8 : memref<!tpu.dma_semaphore, #tpu.memory_space<semaphore_mem>>)
        %slice3A_1236 = vector.extract_strided_slice %and3A_1209 {offsets = [2], sizes = [1], strides = [1]} : vector<16xi32> to vector<1xi32>
        %squeeze3A_1237 = vector.extract %slice3A_1236[0] : i32 from vector<1xi32>
        %multiple_of3A_1238 = tpu.assume_multiple %squeeze3A_1237, 128 : i32
        %dma_start3A_1239 = arith.constant 0 : i32
        %dma_start3A_1240 = arith.constant 256 : i32
        %dma_start3A_1241 = tpu.memref_slice %arg6[%dma_start3A_1239, %dma_start3A_1240] : memref<32x3072xf32, #tpu.memory_space<vmem>> -> memref<32x128xf32, #tpu.memory_space<vmem>>
        %dma_start3A_1242 = arith.constant 0 : i32
        %dma_start3A_1243 = tpu.memref_slice %arg3[%dma_start3A_1242, %multiple_of3A_1238] : memref<32x1000000xf32, #tpu.memory_space<hbm>> -> memref<32x128xf32, #tpu.memory_space<hbm>>
        %dma_start3A_1244 = arith.constant 0 : i32
        %dma_start3A_1245 = arith.constant 256 : i32
        %dma_start3A_1246 = tpu.memref_slice %arg6[%dma_start3A_1244, %dma_start3A_1245] : memref<32x3072xf32, #tpu.memory_space<vmem>> -> memref<32x128xf32, #tpu.memory_space<vmem>>
        %dma_start3A_1247 = arith.constant 0 : i32
        %dma_start3A_1248 = tpu.memref_slice %arg3[%dma_start3A_1247, %multiple_of3A_1238] : memref<32x1000000xf32, #tpu.memory_space<hbm>> -> memref<32x128xf32, #tpu.memory_space<hbm>>
        tpu.enqueue_dma source(%dma_start3A_1248 : memref<32x128xf32, #tpu.memory_space<hbm>>) target(%dma_start3A_1246 : memref<32x128xf32, #tpu.memory_space<vmem>>) target_semaphore(%arg8 : memref<!tpu.dma_semaphore, #tpu.memory_space<semaphore_mem>>)
        %slice3A_1249 = vector.extract_strided_slice %and3A_1209 {offsets = [3], sizes = [1], strides = [1]} : vector<16xi32> to vector<1xi32>
        %squeeze3A_1250 = vector.extract %slice3A_1249[0] : i32 from vector<1xi32>
        %multiple_of3A_1251 = tpu.assume_multiple %squeeze3A_1250, 128 : i32
        %dma_start3A_1252 = arith.constant 0 : i32
        %dma_start3A_1253 = arith.constant 384 : i32
        %dma_start3A_1254 = tpu.memref_slice %arg6[%dma_start3A_1252, %dma_start3A_1253] : memref<32x3072xf32, #tpu.memory_space<vmem>> -> memref<32x128xf32, #tpu.memory_space<vmem>>
        %dma_start3A_1255 = arith.constant 0 : i32
        %dma_start3A_1256 = tpu.memref_slice %arg3[%dma_start3A_1255, %multiple_of3A_1251] : memref<32x1000000xf32, #tpu.memory_space<hbm>> -> memref<32x128xf32, #tpu.memory_space<hbm>>
        %dma_start3A_1257 = arith.constant 0 : i32
        %dma_start3A_1258 = arith.constant 384 : i32
        %dma_start3A_1259 = tpu.memref_slice %arg6[%dma_start3A_1257, %dma_start3A_1258] : memref<32x3072xf32, #tpu.memory_space<vmem>> -> memref<32x128xf32, #tpu.memory_space<vmem>>
        %dma_start3A_1260 = arith.constant 0 : i32
        %dma_start3A_1261 = tpu.memref_slice %arg3[%dma_start3A_1260, %multiple_of3A_1251] : memref<32x1000000xf32, #tpu.memory_space<hbm>> -> memref<32x128xf32, #tpu.memory_space<hbm>>
        tpu.enqueue_dma source(%dma_start3A_1261 : memref<32x128xf32, #tpu.memory_space<hbm>>) target(%dma_start3A_1259 : memref<32x128xf32, #tpu.memory_space<vmem>>) target_semaphore(%arg8 : memref<!tpu.dma_semaphore, #tpu.memory_space<semaphore_mem>>)
        %slice3A_1262 = vector.extract_strided_slice %and3A_1209 {offsets = [4], sizes = [1], strides = [1]} : vector<16xi32> to vector<1xi32>
        %squeeze3A_1263 = vector.extract %slice3A_1262[0] : i32 from vector<1xi32>
        %multiple_of3A_1264 = tpu.assume_multiple %squeeze3A_1263, 128 : i32
        %dma_start3A_1265 = arith.constant 0 : i32
        %dma_start3A_1266 = arith.constant 512 : i32
        %dma_start3A_1267 = tpu.memref_slice %arg6[%dma_start3A_1265, %dma_start3A_1266] : memref<32x3072xf32, #tpu.memory_space<vmem>> -> memref<32x128xf32, #tpu.memory_space<vmem>>
        %dma_start3A_1268 = arith.constant 0 : i32
        %dma_start3A_1269 = tpu.memref_slice %arg3[%dma_start3A_1268, %multiple_of3A_1264] : memref<32x1000000xf32, #tpu.memory_space<hbm>> -> memref<32x128xf32, #tpu.memory_space<hbm>>
        %dma_start3A_1270 = arith.constant 0 : i32
        %dma_start3A_1271 = arith.constant 512 : i32
        %dma_start3A_1272 = tpu.memref_slice %arg6[%dma_start3A_1270, %dma_start3A_1271] : memref<32x3072xf32, #tpu.memory_space<vmem>> -> memref<32x128xf32, #tpu.memory_space<vmem>>
        %dma_start3A_1273 = arith.constant 0 : i32
        %dma_start3A_1274 = tpu.memref_slice %arg3[%dma_start3A_1273, %multiple_of3A_1264] : memref<32x1000000xf32, #tpu.memory_space<hbm>> -> memref<32x128xf32, #tpu.memory_space<hbm>>
        tpu.enqueue_dma source(%dma_start3A_1274 : memref<32x128xf32, #tpu.memory_space<hbm>>) target(%dma_start3A_1272 : memref<32x128xf32, #tpu.memory_space<vmem>>) target_semaphore(%arg8 : memref<!tpu.dma_semaphore, #tpu.memory_space<semaphore_mem>>)
        %slice3A_1275 = vector.extract_strided_slice %and3A_1209 {offsets = [5], sizes = [1], strides = [1]} : vector<16xi32> to vector<1xi32>
        %squeeze3A_1276 = vector.extract %slice3A_1275[0] : i32 from vector<1xi32>
        %multiple_of3A_1277 = tpu.assume_multiple %squeeze3A_1276, 128 : i32
        %dma_start3A_1278 = arith.constant 0 : i32
        %dma_start3A_1279 = arith.constant 640 : i32
        %dma_start3A_1280 = tpu.memref_slice %arg6[%dma_start3A_1278, %dma_start3A_1279] : memref<32x3072xf32, #tpu.memory_space<vmem>> -> memref<32x128xf32, #tpu.memory_space<vmem>>
        %dma_start3A_1281 = arith.constant 0 : i32
        %dma_start3A_1282 = tpu.memref_slice %arg3[%dma_start3A_1281, %multiple_of3A_1277] : memref<32x1000000xf32, #tpu.memory_space<hbm>> -> memref<32x128xf32, #tpu.memory_space<hbm>>
        %dma_start3A_1283 = arith.constant 0 : i32
        %dma_start3A_1284 = arith.constant 640 : i32
        %dma_start3A_1285 = tpu.memref_slice %arg6[%dma_start3A_1283, %dma_start3A_1284] : memref<32x3072xf32, #tpu.memory_space<vmem>> -> memref<32x128xf32, #tpu.memory_space<vmem>>
        %dma_start3A_1286 = arith.constant 0 : i32
        %dma_start3A_1287 = tpu.memref_slice %arg3[%dma_start3A_1286, %multiple_of3A_1277] : memref<32x1000000xf32, #tpu.memory_space<hbm>> -> memref<32x128xf32, #tpu.memory_space<hbm>>
        tpu.enqueue_dma source(%dma_start3A_1287 : memref<32x128xf32, #tpu.memory_space<hbm>>) target(%dma_start3A_1285 : memref<32x128xf32, #tpu.memory_space<vmem>>) target_semaphore(%arg8 : memref<!tpu.dma_semaphore, #tpu.memory_space<semaphore_mem>>)
        %slice3A_1288 = vector.extract_strided_slice %and3A_1209 {offsets = [6], sizes = [1], strides = [1]} : vector<16xi32> to vector<1xi32>
        %squeeze3A_1289 = vector.extract %slice3A_1288[0] : i32 from vector<1xi32>
        %multiple_of3A_1290 = tpu.assume_multiple %squeeze3A_1289, 128 : i32
        %dma_start3A_1291 = arith.constant 0 : i32
        %dma_start3A_1292 = arith.constant 768 : i32
        %dma_start3A_1293 = tpu.memref_slice %arg6[%dma_start3A_1291, %dma_start3A_1292] : memref<32x3072xf32, #tpu.memory_space<vmem>> -> memref<32x128xf32, #tpu.memory_space<vmem>>
        %dma_start3A_1294 = arith.constant 0 : i32
        %dma_start3A_1295 = tpu.memref_slice %arg3[%dma_start3A_1294, %multiple_of3A_1290] : memref<32x1000000xf32, #tpu.memory_space<hbm>> -> memref<32x128xf32, #tpu.memory_space<hbm>>
        %dma_start3A_1296 = arith.constant 0 : i32
        %dma_start3A_1297 = arith.constant 768 : i32
        %dma_start3A_1298 = tpu.memref_slice %arg6[%dma_start3A_1296, %dma_start3A_1297] : memref<32x3072xf32, #tpu.memory_space<vmem>> -> memref<32x128xf32, #tpu.memory_space<vmem>>
        %dma_start3A_1299 = arith.constant 0 : i32
        %dma_start3A_1300 = tpu.memref_slice %arg3[%dma_start3A_1299, %multiple_of3A_1290] : memref<32x1000000xf32, #tpu.memory_space<hbm>> -> memref<32x128xf32, #tpu.memory_space<hbm>>
        tpu.enqueue_dma source(%dma_start3A_1300 : memref<32x128xf32, #tpu.memory_space<hbm>>) target(%dma_start3A_1298 : memref<32x128xf32, #tpu.memory_space<vmem>>) target_semaphore(%arg8 : memref<!tpu.dma_semaphore, #tpu.memory_space<semaphore_mem>>)
        %slice3A_1301 = vector.extract_strided_slice %and3A_1209 {offsets = [7], sizes = [1], strides = [1]} : vector<16xi32> to vector<1xi32>
        %squeeze3A_1302 = vector.extract %slice3A_1301[0] : i32 from vector<1xi32>
        %multiple_of3A_1303 = tpu.assume_multiple %squeeze3A_1302, 128 : i32
        %dma_start3A_1304 = arith.constant 0 : i32
        %dma_start3A_1305 = arith.constant 896 : i32
        %dma_start3A_1306 = tpu.memref_slice %arg6[%dma_start3A_1304, %dma_start3A_1305] : memref<32x3072xf32, #tpu.memory_space<vmem>> -> memref<32x128xf32, #tpu.memory_space<vmem>>
        %dma_start3A_1307 = arith.constant 0 : i32
        %dma_start3A_1308 = tpu.memref_slice %arg3[%dma_start3A_1307, %multiple_of3A_1303] : memref<32x1000000xf32, #tpu.memory_space<hbm>> -> memref<32x128xf32, #tpu.memory_space<hbm>>
        %dma_start3A_1309 = arith.constant 0 : i32
        %dma_start3A_1310 = arith.constant 896 : i32
        %dma_start3A_1311 = tpu.memref_slice %arg6[%dma_start3A_1309, %dma_start3A_1310] : memref<32x3072xf32, #tpu.memory_space<vmem>> -> memref<32x128xf32, #tpu.memory_space<vmem>>
        %dma_start3A_1312 = arith.constant 0 : i32
        %dma_start3A_1313 = tpu.memref_slice %arg3[%dma_start3A_1312, %multiple_of3A_1303] : memref<32x1000000xf32, #tpu.memory_space<hbm>> -> memref<32x128xf32, #tpu.memory_space<hbm>>
        tpu.enqueue_dma source(%dma_start3A_1313 : memref<32x128xf32, #tpu.memory_space<hbm>>) target(%dma_start3A_1311 : memref<32x128xf32, #tpu.memory_space<vmem>>) target_semaphore(%arg8 : memref<!tpu.dma_semaphore, #tpu.memory_space<semaphore_mem>>)
      } else {
      }
    }
    %scan3A_625 = arith.constant 21 : i32
    "tpu.region"() ({
      %run_scoped3A = tpu.sem_alloc : memref<!tpu.dma_semaphore, #tpu.memory_space<semaphore_mem>>
      %dma_start3A_626 = arith.constant 0 : i32
      %dma_start3A_627 = arith.constant 0 : i32
      %dma_start3A_628 = tpu.memref_slice %arg7[%dma_start3A_626, %dma_start3A_627] : memref<16x1024xf32, #tpu.memory_space<vmem>> -> memref<16x512xf32, #tpu.memory_space<vmem>>
      %dma_start3A_629 = arith.constant 0 : i32
      %dma_start3A_630 = tpu.memref_slice %arg4[%dma_start3A_629, %mul3A_2] : memref<32x16384xf32, #tpu.memory_space<hbm>> -> memref<16x512xf32, #tpu.memory_space<hbm>>
      %dma_start3A_631 = arith.constant 0 : i32
      %dma_start3A_632 = tpu.memref_slice %arg4[%dma_start3A_631, %mul3A_2] : memref<32x16384xf32, #tpu.memory_space<hbm>> -> memref<16x512xf32, #tpu.memory_space<hbm>>
      %dma_start3A_633 = arith.constant 0 : i32
      %dma_start3A_634 = arith.constant 0 : i32
      %dma_start3A_635 = tpu.memref_slice %arg7[%dma_start3A_633, %dma_start3A_634] : memref<16x1024xf32, #tpu.memory_space<vmem>> -> memref<16x512xf32, #tpu.memory_space<vmem>>
      tpu.enqueue_dma source(%dma_start3A_635 : memref<16x512xf32, #tpu.memory_space<vmem>>) target(%dma_start3A_632 : memref<16x512xf32, #tpu.memory_space<hbm>>) target_semaphore(%run_scoped3A : memref<!tpu.dma_semaphore, #tpu.memory_space<semaphore_mem>>)
      %dma_wait3A_636 = arith.constant 0 : i32
      %dma_wait3A_637 = arith.constant 0 : i32
      %dma_wait3A_638 = tpu.memref_slice %arg7[%dma_wait3A_636, %dma_wait3A_637] : memref<16x1024xf32, #tpu.memory_space<vmem>> -> memref<16x512xf32, #tpu.memory_space<vmem>>
      %dma_wait3A_639 = arith.constant 0 : i32
      %dma_wait3A_640 = tpu.memref_slice %arg4[%dma_wait3A_639, %mul3A_2] : memref<32x16384xf32, #tpu.memory_space<hbm>> -> memref<16x512xf32, #tpu.memory_space<hbm>>
      %dma_wait3A_641 = arith.constant 0 : i32
      %dma_wait3A_642 = tpu.memref_slice %arg4[%dma_wait3A_641, %mul3A_2] : memref<32x16384xf32, #tpu.memory_space<hbm>> -> memref<16x512xf32, #tpu.memory_space<hbm>>
      %dma_wait3A_643 = arith.constant 0 : i32
      %dma_wait3A_644 = arith.constant 0 : i32
      %dma_wait3A_645 = tpu.memref_slice %arg7[%dma_wait3A_643, %dma_wait3A_644] : memref<16x1024xf32, #tpu.memory_space<vmem>> -> memref<16x512xf32, #tpu.memory_space<vmem>>
      tpu.wait_dma2 semaphore(%run_scoped3A : memref<!tpu.dma_semaphore, #tpu.memory_space<semaphore_mem>>) src(%dma_wait3A_645 : memref<16x512xf32, #tpu.memory_space<vmem>>) dst(%dma_wait3A_642 : memref<16x512xf32, #tpu.memory_space<hbm>>)
      tpu.yield
    }) : () -> ()
    "tpu.region"() ({
      %run_scoped3A = tpu.sem_alloc : memref<!tpu.dma_semaphore, #tpu.memory_space<semaphore_mem>>
      %dma_start3A_626 = arith.constant 0 : i32
      %dma_start3A_627 = arith.constant 512 : i32
      %dma_start3A_628 = tpu.memref_slice %arg7[%dma_start3A_626, %dma_start3A_627] : memref<16x1024xf32, #tpu.memory_space<vmem>> -> memref<16x512xf32, #tpu.memory_space<vmem>>
      %dma_start3A_629 = arith.constant 16 : i32
      %dma_start3A_630 = tpu.memref_slice %arg4[%dma_start3A_629, %mul3A_2] : memref<32x16384xf32, #tpu.memory_space<hbm>> -> memref<16x512xf32, #tpu.memory_space<hbm>>
      %dma_start3A_631 = arith.constant 16 : i32
      %dma_start3A_632 = tpu.memref_slice %arg4[%dma_start3A_631, %mul3A_2] : memref<32x16384xf32, #tpu.memory_space<hbm>> -> memref<16x512xf32, #tpu.memory_space<hbm>>
      %dma_start3A_633 = arith.constant 0 : i32
      %dma_start3A_634 = arith.constant 512 : i32
      %dma_start3A_635 = tpu.memref_slice %arg7[%dma_start3A_633, %dma_start3A_634] : memref<16x1024xf32, #tpu.memory_space<vmem>> -> memref<16x512xf32, #tpu.memory_space<vmem>>
      tpu.enqueue_dma source(%dma_start3A_635 : memref<16x512xf32, #tpu.memory_space<vmem>>) target(%dma_start3A_632 : memref<16x512xf32, #tpu.memory_space<hbm>>) target_semaphore(%run_scoped3A : memref<!tpu.dma_semaphore, #tpu.memory_space<semaphore_mem>>)
      %dma_wait3A_636 = arith.constant 0 : i32
      %dma_wait3A_637 = arith.constant 512 : i32
      %dma_wait3A_638 = tpu.memref_slice %arg7[%dma_wait3A_636, %dma_wait3A_637] : memref<16x1024xf32, #tpu.memory_space<vmem>> -> memref<16x512xf32, #tpu.memory_space<vmem>>
      %dma_wait3A_639 = arith.constant 16 : i32
      %dma_wait3A_640 = tpu.memref_slice %arg4[%dma_wait3A_639, %mul3A_2] : memref<32x16384xf32, #tpu.memory_space<hbm>> -> memref<16x512xf32, #tpu.memory_space<hbm>>
      %dma_wait3A_641 = arith.constant 16 : i32
      %dma_wait3A_642 = tpu.memref_slice %arg4[%dma_wait3A_641, %mul3A_2] : memref<32x16384xf32, #tpu.memory_space<hbm>> -> memref<16x512xf32, #tpu.memory_space<hbm>>
      %dma_wait3A_643 = arith.constant 0 : i32
      %dma_wait3A_644 = arith.constant 512 : i32
      %dma_wait3A_645 = tpu.memref_slice %arg7[%dma_wait3A_643, %dma_wait3A_644] : memref<16x1024xf32, #tpu.memory_space<vmem>> -> memref<16x512xf32, #tpu.memory_space<vmem>>
      tpu.wait_dma2 semaphore(%run_scoped3A : memref<!tpu.dma_semaphore, #tpu.memory_space<semaphore_mem>>) src(%dma_wait3A_645 : memref<16x512xf32, #tpu.memory_space<vmem>>) dst(%dma_wait3A_642 : memref<16x512xf32, #tpu.memory_space<hbm>>)
      tpu.yield
    }) : () -> ()
    return
  }
}

</mosaic_0001>

<sc_bundles>
// kernel: kernel.3.cloned.1.call-start
scs
__scs_entry_jumppad:
0x0: {  	(pc) =	sbr.rel $0x88, $3  }
0x1: {  	(tag) =	ssettag $0x0;
	lr =	simm.s32 $0x1  }
0x2: {  	[smem:$0x3F9F] =	sst lr;
	_ =	strace $0xD0000000  }
0x3: {  	_ = 	snop  }
0x4: {  	_ = 	snop  }
0x5: {  	_ = 	snop  }
0x6: {  	_ = 	snop  }
0x7: {  	_ = 	snop  }
__scs_overlays_trampoline_lowered:
0x8: {  	[smem:$0x3FAE] =	sst s0  }
0x9: {  	[smem:$0x3FAF] =	sst s1  }
0xa: {  	[smem:$0x3FB0] =	sst s2  }
0xb: {  	[smem:$0x3FB1] =	sst s3  }
0xc: {  	[smem:$0x3FB2] =	sst s4  }
0xd: {  	[smem:$0x3FB3] =	sst s5  }
0xe: {  	[smem:$0x3FB4] =	sst s6  }
0xf: {  	[smem:$0x3FB5] =	sst s7  }
0x10: {  	[smem:$0x3FB6] =	sst s8  }
0x11: {  	[smem:$0x3FB7] =	sst s9;
	s0 =	simm.s32 @!p0 $0x0  }
0x12: {  	s1 =	sld [smem:$0x3F9D];
	s0 =	simm.s32 @p0 $0x1  }
0x13: {  	[smem:$0x3FB8] =	sst s0;
	s0 =	simm.s32 @!p1 $0x0  }
0x14: {  	s2 =	sld [smem:$0x3F9C];
	s0 =	simm.s32 @p1 $0x1  }
0x15: {  	[smem:$0x3FB9] =	sst s0;
	s0 =	simm.s32 @!p2 $0x0  }
0x16: {  	s3 =	sld [smem:$0x3FDB];
	s0 =	simm.s32 @p2 $0x1  }
0x17: {  	s4 =	simm.s32 $0x1BF5;
	[smem:$0x3FBB] =	sst s0  }
0x18: {  	s0 =	sld [smem:$0x3F9E];
	_ =	swait.ge [sflag:s4], $0x0  }
0x19: {  	s7 =	sld [smem:$0x3F9F]  }
0x1a: {  	s8 =	sadd.s32 $0xFFFFE003, lr  }
0x1b: {  	s9 =	sadd.s32 $0xFFFFFEF7, lr;
	s5 =	simm.s32 $0xFFFFFFFF;
	p2 =	slt.u32 s8, $0xFFFFF086  }
0x1c: {  	p1 =	slt.u32 s9, $0xF7A;
	s5 =	simm.s32 @!p2 $0x0  }
0x1d: {  	s5 =	simm.s32 @p1 $0x1;
	p0 =	seq.s32 s7, s2  }
0x1e: {  	s7 =	smul.u32 @!p0 $0xF7A, s2;
	p2 =	seq.s32 @!p0 s5, $0x0  }
0x1f: {  	s9 =	smul.u32 $0xF7A, s1;
	s8 =	simm.s32 @!p0 $0x1BF5;
	p2 =	por !p2, p0  }
0x20: {  	[sflag:s8] =	ssyncset.s32 @!p0 $0xFFFFF086;
	s6 =	sadd.s32 @!p0 s3, s7;
	s7 =	simm.s32 @!p0 $0x108  }
0x21: {  	s3 =	sadd.s32 s3, s9;
	s6 =	sadd.s32 @!p0 $0x88, s6;
	s7 =	simm.s32 @p2 $0x1082  }
0x22: {  	[simem:s7], [sflag:s8] =	dma.local @!p0 [hbm:s6], $0xF7A  }
0x23: {  	s9 =	sor.u32 $0xD0000000, s2;
	s6 =	simm.s32 $0x108;
	_ =	swait.ge @!p0 [sflag:s8], $0x0  }
0x24: {  	s3 =	sadd.s32 $0x88, s3;
	s6 =	simm.s32 @!p1 $0x1082;
	[sflag:s4] =	ssyncset.s32 $0xFFFFF086  }
0x25: {  	[simem:s6], [sflag:s4] =	dma.local [hbm:s3], $0xF7A  }
0x26: {  	[smem:$0x3F9F] =	sst s1;
	(tag) =	ssettag s2;
	_ =	strace s9  }
0x27: {  	s1 =	sld [smem:$0x3FAF]  }
0x28: {  	s2 =	sld [smem:$0x3FB0]  }
0x29: {  	s4 =	sld [smem:$0x3FB2]  }
0x2a: {  	p0 =	seq.s32 s5, $0x0;
	s5 =	sld [smem:$0x3FB3]  }
0x2b: {  	s6 =	sld [smem:$0x3FB4]  }
0x2c: {  	s7 =	sld [smem:$0x3FB5]  }
0x2d: {  	s3 =	simm.s32 $0x108;
	s8 =	sld [smem:$0x3FB6]  }
0x2e: {  	s3 =	simm.s32 @!p0 $0x1082;
	s9 =	sld [smem:$0x3FB7]  }
0x2f: {  	lr =	sadd.s32 s0, s3;
	s0 =	sld [smem:$0x3FAE]  }
0x30: {  	s3 =	sld [smem:$0x3FB1]  }
0x31: {  	[smem:$0x3FBA] =	sst s10  }
0x32: {  	s10 =	sld [smem:$0x3FB8];
	_ =	sdelay $0x3  }
0x33: {  	p0 =	seq.s32 s10, $0x1;
	s10 =	sld [smem:$0x3FBA];
	_ =	sdelay $0x3  }
0x34: {  	[smem:$0x3FBA] =	sst s10  }
0x35: {  	s10 =	sld [smem:$0x3FB9];
	_ =	sdelay $0x3  }
0x36: {  	p1 =	seq.s32 s10, $0x1;
	s10 =	sld [smem:$0x3FBA];
	_ =	sdelay $0x3  }
0x37: {  	[smem:$0x3FBA] =	sst s10  }
0x38: {  	s10 =	sld [smem:$0x3FBB]  }
0x39: {  	_ = 	snop;
	(pc) =	sbr.ind lr, $3  }
0x3a: {  	_ = 	snop  }
0x3b: {  	_ = 	snop  }
0x3c: {  	p2 =	seq.s32 s10, $0x1;
	s10 =	sld [smem:$0x3FBA]  }
0x3d: {  	_ =	shalt  }
0x3e: {  	_ =	shalt  }
0x3f: {  	_ =	shalt  }
0x40: {  	_ =	shalt  }
0x41: {  	_ =	shalt  }
0x42: {  	_ =	shalt  }
0x43: {  	_ =	shalt  }
0x44: {  	_ =	shalt  }
0x45: {  	_ =	shalt  }
0x46: {  	_ =	shalt  }
0x47: {  	_ =	shalt  }
0x48: {  	_ =	shalt  }
0x49: {  	_ =	shalt  }
0x4a: {  	_ =	shalt  }
0x4b: {  	_ =	shalt  }
0x4c: {  	_ =	shalt  }
0x4d: {  	_ =	shalt  }
0x4e: {  	_ =	shalt  }
0x4f: {  	_ =	shalt  }
0x50: {  	_ =	shalt  }
0x51: {  	_ =	shalt  }
0x52: {  	_ =	shalt  }
0x53: {  	_ =	shalt  }
0x54: {  	_ =	shalt  }
0x55: {  	_ =	shalt  }
0x56: {  	_ =	shalt  }
0x57: {  	_ =	shalt  }
0x58: {  	_ =	shalt  }
0x59: {  	_ =	shalt  }
0x5a: {  	_ =	shalt  }
0x5b: {  	_ =	shalt  }
0x5c: {  	_ =	shalt  }
0x5d: {  	_ =	shalt  }
0x5e: {  	_ =	shalt  }
0x5f: {  	_ =	shalt  }
0x60: {  	_ =	shalt  }
0x61: {  	_ =	shalt  }
0x62: {  	_ =	shalt  }
0x63: {  	_ =	shalt  }
0x64: {  	_ =	shalt  }
0x65: {  	_ =	shalt  }
0x66: {  	_ =	shalt  }
0x67: {  	_ =	shalt  }
0x68: {  	_ =	shalt  }
0x69: {  	_ =	shalt  }
0x6a: {  	_ =	shalt  }
0x6b: {  	_ =	shalt  }
0x6c: {  	_ =	shalt  }
0x6d: {  	_ =	shalt  }
0x6e: {  	_ =	shalt  }
0x6f: {  	_ =	shalt  }
0x70: {  	_ =	shalt  }
0x71: {  	_ =	shalt  }
0x72: {  	_ =	shalt  }
0x73: {  	_ =	shalt  }
0x74: {  	_ =	shalt  }
0x75: {  	_ =	shalt  }
0x76: {  	_ =	shalt  }
0x77: {  	_ =	shalt  }
0x78: {  	_ =	shalt  }
0x79: {  	_ =	shalt  }
0x7a: {  	_ =	shalt  }
0x7b: {  	_ =	shalt  }
0x7c: {  	_ =	shalt  }
0x7d: {  	_ =	shalt  }
0x7e: {  	_ =	shalt  }
0x7f: {  	_ =	shalt  }
0x80: {  	_ =	shalt  }
0x81: {  	_ =	shalt  }
0x82: {  	_ =	shalt  }
0x83: {  	_ =	shalt  }
0x84: {  	_ =	shalt  }
0x85: {  	_ =	shalt  }
0x86: {  	_ =	shalt  }
0x87: {  	_ =	shalt  }
.Lfunc_end0:
.L_simem_size_0:
called_computation_lowered:
.L_overlay_start_0:
0x88: {  	s2 =	sld [smem:$0x3FD9]  }
0x89: {  	s3 =	sld [smem:$0x3FFE];
	_ =	sdelay $0x1  }
0x8a: {  	s1 =	srdreg.scid  }
0x8b: {  	s0 =	sand.u32 $0x1, s1  }
0x8c: {  	s18 =	sshll.u32 s0, $0xA;
	s2 =	sadd.s32 s3, s2  }
0x8d: {  	s2 =	sadd.s32 s2, s18  }
0x8e: {  	[smem:$0x3FC6] =	sst s2  }
0x8f: {  	_ = 	snop  }
0x90: {  	s2 =	sld [smem:$0x3FC9]  }
0x91: {  	s19 =	sld [smem:$0x3FC8]  }
0x92: {  	s4 =	sld [smem:$0x3FD0];
	(tm) =	ssettm $0x1  }
0x93: {  	s5 =	sld [smem:$0x3FFB];
	_ =	sdelay $0x3  }
0x94: {  	_ =	strace s5  }
0x95: {  	s5 =	sld [smem:$0x3FFC];
	_ =	sdelay $0x3  }
0x96: {  	_ =	strace s5  }
0x97: {  	s5 =	sld [smem:$0x3FFD];
	_ =	sdelay $0x3  }
0x98: {  	_ =	strace s5  }
0x99: {  	_ =	strace $0x8FFFFFFF  }
0x9a: {  	s20 =	sld [smem:$0x3FDB];
	_ =	sdelay $0x1  }
0x9b: {  	s6 =	simm.s32 $_scs_section_size  }
0x9c: {  	s7 =	simm.s32 $_size__tile_overlayer_lowered;
	s8 =	simm.s32 $_tile_overlayer_lowered  }
0x9d: {  	s23 =	simm.s32 $0x1BFF;
	s22 =	sshll.u32 s8, $0x1;
	s5 =	sadd.s32 s6, s20  }
0x9e: {  	s9 =	simm.s32 $0x0;
	s21 =	sshll.u32 s7, $0x1;
	s7 =	sadd.s32 s22, s5  }
0x9f: {  	[timem:s9], [sflag:s23] =	dma.local [hbm:s7], s21  }
0xa0: {  	_ =	swait.ge [sflag:s23], s21  }
0xa1: {  	s6 =	ssub.s32 $0x0, s21;
	[sflag:s23] =	ssyncset.done $0x0  }
0xa2: {  	[sflag:s23] =	ssyncadd.s32 s6;
	_ =	sdelay $0x1  }
0xa3: {  	s24 =	simm.s32 $0x1B8B  }
0xa4: {  	_ =	swait.ge [sflag:s24], $0x1  }
0xa5: {  	[sflag:s24] =	ssyncset.done $0x0  }
0xa6: {  	s25 =	simm.s32 $0x1B8E;
	[sflag:s24] =	ssyncadd.s32 $0xFFFFFFFF  }
0xa7: {  	s26 =	simm.s32 $execute0_lowered;
	[smem:$0x3FD2] =	sst s25  }
0xa8: {  	s6 =	sshll.u32 s26, $0x1;
	_ =	strace $0x80000046;
	[dreg:$0x1] =	wrdreg $0xFFFFFFFF  }
0xa9: {  	s28 =	simm.s32 $_size_execute0_lowered;
	s5 =	sadd.s32 s5, s6;
	[dreg:$0x0] =	wrdreg $0x0  }
0xaa: {  	s6 =	sshll.u32 s28, $0x1;
	[dreg:$0x2] =	wrdreg s5  }
0xab: {  	[dreg:$0x3] =	wrdreg s6  }
0xac: {  	[dreg:$0x4] =	wrdreg $0xC0  }
0xad: {  	_ =	task [dreg:s9], $0x5FFFF  }
0xae: {  	[dreg:$0x1] =	wrdreg $0xFFFFFFFF  }
0xaf: {  	[dreg:$0x0] =	wrdreg $0x60  }
0xb0: {  	[dreg:$0x2] =	wrdreg s2  }
0xb1: {  	[dreg:$0x3] =	wrdreg s19  }
0xb2: {  	[dreg:$0x4] =	wrdreg s4  }
0xb3: {  	[dreg:$0x5] =	wrdreg $0x9  }
0xb4: {  	_ =	task.clear_ibuf [dreg:s9], $0x6FFFF;
	_ =	strace $0x90000046  }
0xb5: {  	s29 =	simm.s32 $0x9;
	_ =	strace $0x80000048  }
0xb6: {  	_ =	swait.ge [sflag:s29], $0x1  }
0xb7: {  	[sflag:s29] =	ssyncadd.s32 $0xFFFFFFFF  }
0xb8: {  	_ =	strace $0x90000048  }
0xb9: {  	_ =	sfence  }
0xba: {  	s30 =	sld [smem:$0x0];
	_ =	sdelay $0x2  }
0xbb: {  	s31 =	sshll.u32 s1, $0xD;
	s1 =	sshrl.u32 s1, $0x2  }
0xbc: {  	s3 =	sand.u32 $0x4000, s31;
	s1 =	sadd.s32 s1, s30  }
0xbd: {  	s0 =	sor.u32 s3, s0;
	s1 =	sshll.u32 s1, $0x11  }
0xbe: {  	s0 =	sor.u32 s1, s0  }
0xbf: {  	s0 =	sadd.s32 $0x8F2B, s0  }
0xc0: {  	[sflag:s0] =	ssyncadd.remote.s32 $0x1  }
0xc1: {  	_ =	sfence.sel $0xFFFF  }
0xc2: {  	[dreg:$0x0] =	wrdreg $0xFFFFFFFF;
	(pc) =	sbr.abs _section_cstart, $3  }
0xc3: {  	[dreg:$0x1] =	wrdreg $0xFFFFFFFF  }
0xc4: {  	_ =	task.clear_ibuf [dreg:s9], $0x2FFFF;
	_ =	strace $0x9FFFFFFF  }
0xc5: {  	(tm) =	ssettm $0x7FFFFFFF  }
tec
execute0_lowered:
.L_overlay_start_1:
0x0: {  	(tag) =	ssettag $0x1  }
0x1: {  	v0 =	vimm.s32 $0xDC00;
	vm14 =	vcmask $0x300  }
0x2: {  	vm13 =	vcmask $0x704;
	v0 =	vsel vm14, $0x0, v0  }
0x3: {  	vm12 =	vcmask $0xB08;
	vm11 =	vcmask $0xF0C;
	v0 =	vsel vm13, $0x400, v0  }
0x4: {  	vm10 =	vcmask $0x1310;
	vm9 =	vcmask $0x1714;
	v0 =	vsel vm12, $0x800, v0  }
0x5: {  	vm8 =	vcmask $0x1B18;
	vm7 =	vcmask $0x1F1C;
	v0 =	vsel vm11, $0xC00, v0  }
0x6: {  	vm6 =	vcmask $0x2320;
	vm5 =	vcmask $0x2724;
	v0 =	vsel vm10, $0x1000, v0  }
0x7: {  	vm4 =	vcmask $0x2B28;
	vm3 =	vcmask $0x2F2C;
	v0 =	vsel vm9, $0x1400, v0  }
0x8: {  	v1 =	vimm.s32 $0x76543210;
	vm1 =	vcmask $0x3330;
	v0 =	vsel vm8, $0x1800, v0  }
0x9: {  	v4 =	vimm.s32 $0xDC80;
	vm0 =	vcmask $0x3734;
	v0 =	vsel vm7, $0x1C00, v0  }
0xa: {  	vm15 =	vcmask $0x1F00;
	vm2 =	vcmask $0x3B38;
	v0 =	vsel vm6, $0xC000, v0  }
0xb: {  	v1 =	vunpack.c.l.s4.s8 v1;
	v4 =	vsel vm14, $0x80, v4;
	v0 =	vsel vm5, $0xC400, v0  }
0xc: {  	v6 =	vimm.s32 $0x87868584;
	v4 =	vsel vm13, $0x480, v4;
	v0 =	vsel vm4, $0xC800, v0  }
0xd: {  	v1 =	vunpack.c.0.s8.s32 v1;
	v4 =	vsel vm12, $0x880, v4;
	v3 =	vsel vm3, $0xCC00, v0  }
0xe: {  	v6 =	vunpack.c.0.s8.s32 v6;
	v4 =	vsel vm11, $0xC80, v4;
	v3 =	vsel vm1, $0xD000, v3  }
0xf: {  	v5 =	vnsel vm15, $0x1007, v1;
	v4 =	vsel vm10, $0x1080, v4;
	v3 =	vsel vm0, $0xD400, v3  }
0x10: {  	v1 =	vsel vm2, $0xD800, v3;
	v3 =	vsel vm6, $0x1000, v5;
	v5 =	vimm.s32 $0x83828180  }
0x11: {  	v6 =	vand.u32 $0xFF, v6;
	v4 =	vsel vm9, $0x1480, v4;
	v5 =	vunpack.c.0.s8.s32 v5  }
0x12: {  	vm15 =	vcmask $0xF00;
	v4 =	vsel vm8, $0x1880, v4;
	v3 =	vsel vm5, $0x1001, v3  }
0x13: {  	v4 =	vsel vm7, $0x1C80, v4;
	v3 =	vsel vm4, $0x1002, v3;
	v5 =	vand.u32 $0xFF, v5  }
0x14: {  	v3 =	vsel vm3, $0x1003, v3;
	v5 =	vnsel vm15, $0x1087, v5;
	vm15 =	vcmask $0x1F10  }
0x15: {  	v4 =	vsel vm6, $0xC080, v4;
	v3 =	vsel vm1, $0x1004, v3;
	v5 =	vsel vm15, v6, v5  }
0x16: {  	v4 =	vsel vm5, $0xC480, v4;
	v3 =	vsel vm0, $0x1005, v3;
	v5 =	vsel vm6, $0x1080, v5  }
0x17: {  	v4 =	vsel vm4, $0xC880, v4;
	v3 =	vsel vm2, $0x1006, v3;
	v5 =	vsel vm5, $0x1081, v5  }
0x18: {  	[tilespmem:$0x1FF60] =	vst v3;
	v3 =	vsel vm3, $0xCC80, v4;
	v4 =	vsel vm4, $0x1082, v5  }
0x19: {  	v4 =	vsel vm3, $0x1083, v4  }
0x1a: {  	v5 =	vimm.s32 $0xDD00;
	v4 =	vsel vm1, $0x1084, v4  }
0x1b: {  	v5 =	vsel vm14, $0x100, v5;
	v4 =	vsel vm0, $0x1085, v4  }
0x1c: {  	v5 =	vsel vm13, $0x500, v5;
	v4 =	vsel vm2, $0x1086, v4  }
0x1d: {  	[tilespmem:$0x1FF70] =	vst v4;
	v4 =	vsel vm12, $0x900, v5;
	v5 =	vimm.s32 $0x1107  }
0x1e: {  	v4 =	vsel vm11, $0xD00, v4;
	v5 =	vsel vm14, $0x100, v5  }
0x1f: {  	v6 =	vimm.s32 $0xDD80;
	v4 =	vsel vm10, $0x1100, v4;
	v5 =	vsel vm13, $0x101, v5  }
0x20: {  	v6 =	vsel vm14, $0x180, v6;
	v4 =	vsel vm9, $0x1500, v4;
	v5 =	vsel vm12, $0x102, v5  }
0x21: {  	v6 =	vsel vm13, $0x580, v6;
	v4 =	vsel vm8, $0x1900, v4;
	v5 =	vsel vm11, $0x103, v5  }
0x22: {  	v6 =	vsel vm12, $0x980, v6;
	v4 =	vsel vm7, $0x1D00, v4;
	v5 =	vsel vm10, $0x104, v5  }
0x23: {  	v6 =	vsel vm11, $0xD80, v6;
	v4 =	vsel vm6, $0xC100, v4;
	v5 =	vsel vm9, $0x105, v5  }
0x24: {  	v6 =	vsel vm10, $0x1180, v6;
	v4 =	vsel vm5, $0xC500, v4;
	v5 =	vsel vm8, $0x106, v5  }
0x25: {  	v6 =	vsel vm9, $0x1580, v6;
	v4 =	vsel vm4, $0xC900, v4;
	v5 =	vsel vm7, $0x107, v5  }
0x26: {  	v6 =	vsel vm8, $0x1980, v6;
	v4 =	vsel vm3, $0xCD00, v4;
	v5 =	vsel vm6, $0x1100, v5  }
0x27: {  	v6 =	vsel vm7, $0x1D80, v6;
	v4 =	vsel vm1, $0xD100, v4;
	v5 =	vsel vm5, $0x1101, v5  }
0x28: {  	v6 =	vsel vm6, $0xC180, v6;
	v4 =	vsel vm0, $0xD500, v4;
	v7 =	vsel vm4, $0x1102, v5  }
0x29: {  	v6 =	vsel vm5, $0xC580, v6;
	v5 =	vsel vm2, $0xD900, v4;
	v4 =	vsel vm3, $0x1103, v7  }
0x2a: {  	v6 =	vsel vm4, $0xC980, v6;
	v4 =	vsel vm1, $0x1104, v4  }
0x2b: {  	v6 =	vsel vm3, $0xCD80, v6;
	v7 =	vimm.s32 $0x1187;
	v4 =	vsel vm0, $0x1105, v4  }
0x2c: {  	v6 =	vsel vm1, $0xD180, v6;
	v7 =	vsel vm14, $0x180, v7;
	v4 =	vsel vm2, $0x1106, v4  }
0x2d: {  	[tilespmem:$0x1FF80] =	vst v4;
	v4 =	vsel vm0, $0xD580, v6;
	v6 =	vsel vm13, $0x181, v7  }
0x2e: {  	v7 =	vsel vm2, $0xD980, v4;
	v4 =	vsel vm12, $0x182, v6  }
0x2f: {  	v6 =	vimm.s32 $0xDE00;
	v4 =	vsel vm11, $0x183, v4  }
0x30: {  	v8 =	vimm.s32 $0x1207;
	v6 =	vsel vm14, $0x200, v6;
	v4 =	vsel vm10, $0x184, v4  }
0x31: {  	v8 =	vsel vm14, $0x200, v8;
	v6 =	vsel vm13, $0x600, v6;
	v4 =	vsel vm9, $0x185, v4  }
0x32: {  	v8 =	vsel vm13, $0x201, v8;
	v6 =	vsel vm12, $0xA00, v6;
	v4 =	vsel vm8, $0x186, v4  }
0x33: {  	v8 =	vsel vm12, $0x202, v8;
	v6 =	vsel vm11, $0xE00, v6;
	v4 =	vsel vm7, $0x187, v4  }
0x34: {  	v8 =	vsel vm11, $0x203, v8;
	v6 =	vsel vm10, $0x1200, v6;
	v4 =	vsel vm6, $0x1180, v4  }
0x35: {  	v8 =	vsel vm10, $0x204, v8;
	v6 =	vsel vm9, $0x1600, v6;
	v4 =	vsel vm5, $0x1181, v4  }
0x36: {  	v8 =	vsel vm9, $0x205, v8;
	v6 =	vsel vm8, $0x1A00, v6;
	v4 =	vsel vm4, $0x1182, v4  }
0x37: {  	v8 =	vsel vm8, $0x206, v8;
	v6 =	vsel vm7, $0x1E00, v6;
	v4 =	vsel vm3, $0x1183, v4  }
0x38: {  	v8 =	vsel vm7, $0x207, v8;
	v6 =	vsel vm6, $0xC200, v6;
	v4 =	vsel vm1, $0x1184, v4  }
0x39: {  	v8 =	vsel vm6, $0x1200, v8;
	v6 =	vsel vm5, $0xC600, v6;
	v4 =	vsel vm0, $0x1185, v4  }
0x3a: {  	v8 =	vsel vm5, $0x1201, v8;
	v6 =	vsel vm4, $0xCA00, v6;
	v4 =	vsel vm2, $0x1186, v4  }
0x3b: {  	[tilespmem:$0x1FF90] =	vst v4;
	v4 =	vsel vm3, $0xCE00, v6;
	v6 =	vsel vm4, $0x1202, v8  }
0x3c: {  	v4 =	vsel vm1, $0xD200, v4;
	v6 =	vsel vm3, $0x1203, v6  }
0x3d: {  	v8 =	vimm.s32 $0xDE80;
	v4 =	vsel vm0, $0xD600, v4;
	v6 =	vsel vm1, $0x1204, v6  }
0x3e: {  	v8 =	vsel vm14, $0x280, v8;
	v9 =	vsel vm2, $0xDA00, v4;
	v4 =	vsel vm0, $0x1205, v6  }
0x3f: {  	v6 =	vsel vm13, $0x680, v8;
	v4 =	vsel vm2, $0x1206, v4  }
0x40: {  	[tilespmem:$0x1FFA0] =	vst v4;
	v4 =	vsel vm12, $0xA80, v6;
	v6 =	vimm.s32 $0x1287  }
0x41: {  	v4 =	vsel vm11, $0xE80, v4;
	v6 =	vsel vm14, $0x280, v6  }
0x42: {  	v8 =	vimm.s32 $0xDF00;
	v4 =	vsel vm10, $0x1280, v4;
	v6 =	vsel vm13, $0x281, v6  }
0x43: {  	v8 =	vsel vm14, $0x300, v8;
	v4 =	vsel vm9, $0x1680, v4;
	v6 =	vsel vm12, $0x282, v6  }
0x44: {  	v8 =	vsel vm13, $0x700, v8;
	v4 =	vsel vm8, $0x1A80, v4;
	v6 =	vsel vm11, $0x283, v6  }
0x45: {  	v8 =	vsel vm12, $0xB00, v8;
	v4 =	vsel vm7, $0x1E80, v4;
	v6 =	vsel vm10, $0x284, v6  }
0x46: {  	v8 =	vsel vm11, $0xF00, v8;
	v4 =	vsel vm6, $0xC280, v4;
	v6 =	vsel vm9, $0x285, v6  }
0x47: {  	v8 =	vsel vm10, $0x1300, v8;
	v4 =	vsel vm5, $0xC680, v4;
	v6 =	vsel vm8, $0x286, v6  }
0x48: {  	v8 =	vsel vm9, $0x1700, v8;
	v4 =	vsel vm4, $0xCA80, v4;
	v6 =	vsel vm7, $0x287, v6  }
0x49: {  	v8 =	vsel vm8, $0x1B00, v8;
	v4 =	vsel vm3, $0xCE80, v4;
	v6 =	vsel vm6, $0x1280, v6  }
0x4a: {  	v8 =	vsel vm7, $0x1F00, v8;
	v4 =	vsel vm1, $0xD280, v4;
	v6 =	vsel vm5, $0x1281, v6  }
0x4b: {  	v8 =	vsel vm6, $0xC300, v8;
	v4 =	vsel vm0, $0xD680, v4;
	v6 =	vsel vm4, $0x1282, v6  }
0x4c: {  	v8 =	vsel vm5, $0xC700, v8;
	v11 =	vsel vm2, $0xDA80, v4;
	v4 =	vsel vm3, $0x1283, v6  }
0x4d: {  	v6 =	vsel vm4, $0xCB00, v8;
	v4 =	vsel vm1, $0x1284, v4  }
0x4e: {  	v8 =	vimm.s32 $0x1307;
	v6 =	vsel vm3, $0xCF00, v6;
	v4 =	vsel vm0, $0x1285, v4  }
0x4f: {  	v8 =	vsel vm14, $0x300, v8;
	v6 =	vsel vm1, $0xD300, v6;
	v4 =	vsel vm2, $0x1286, v4  }
0x50: {  	[tilespmem:$0x1FFB0] =	vst v4;
	v4 =	vsel vm0, $0xD700, v6;
	v6 =	vsel vm13, $0x301, v8  }
0x51: {  	v13 =	vsel vm2, $0xDB00, v4;
	v4 =	vsel vm12, $0x302, v6  }
0x52: {  	v6 =	vimm.s32 $0xDF80;
	v4 =	vsel vm11, $0x303, v4  }
0x53: {  	v8 =	vimm.s32 $0x1387;
	v6 =	vsel vm14, $0x380, v6;
	v4 =	vsel vm10, $0x304, v4  }
0x54: {  	v8 =	vsel vm14, $0x380, v8;
	v6 =	vsel vm13, $0x780, v6;
	v4 =	vsel vm9, $0x305, v4  }
0x55: {  	v8 =	vsel vm13, $0x381, v8;
	v6 =	vsel vm12, $0xB80, v6;
	v4 =	vsel vm8, $0x306, v4  }
0x56: {  	v8 =	vsel vm12, $0x382, v8;
	v6 =	vsel vm11, $0xF80, v6;
	v4 =	vsel vm7, $0x307, v4  }
0x57: {  	v8 =	vsel vm11, $0x383, v8;
	v6 =	vsel vm10, $0x1380, v6;
	v4 =	vsel vm6, $0x1300, v4  }
0x58: {  	v8 =	vsel vm10, $0x384, v8;
	v6 =	vsel vm9, $0x1780, v6;
	v4 =	vsel vm5, $0x1301, v4  }
0x59: {  	v8 =	vsel vm9, $0x385, v8;
	v6 =	vsel vm8, $0x1B80, v6;
	v4 =	vsel vm4, $0x1302, v4  }
0x5a: {  	v8 =	vsel vm8, $0x386, v8;
	v6 =	vsel vm7, $0x1F80, v6;
	v4 =	vsel vm3, $0x1303, v4  }
0x5b: {  	v8 =	vsel vm7, $0x387, v8;
	v6 =	vsel vm6, $0xC380, v6;
	v4 =	vsel vm1, $0x1304, v4  }
0x5c: {  	v8 =	vsel vm6, $0x1380, v8;
	v6 =	vsel vm5, $0xC780, v6;
	v4 =	vsel vm0, $0x1305, v4  }
0x5d: {  	v8 =	vsel vm5, $0x1381, v8;
	v6 =	vsel vm4, $0xCB80, v6;
	v4 =	vsel vm2, $0x1306, v4  }
0x5e: {  	[tilespmem:$0x1FFC0] =	vst v4;
	v4 =	vsel vm3, $0xCF80, v6;
	v6 =	vsel vm4, $0x1382, v8  }
0x5f: {  	v4 =	vsel vm1, $0xD380, v4;
	v6 =	vsel vm3, $0x1383, v6  }
0x60: {  	v8 =	vimm.s32 $0x13C00;
	v4 =	vsel vm0, $0xD780, v4;
	v6 =	vsel vm1, $0x1384, v6  }
0x61: {  	v8 =	vsel vm14, $0x6000, v8;
	v15 =	vsel vm2, $0xDB80, v4;
	v4 =	vsel vm0, $0x1385, v6  }
0x62: {  	v2 =	vlaneseq.u32;
	v6 =	vsel vm13, $0x6400, v8;
	v4 =	vsel vm2, $0x1386, v4  }
0x63: {  	v33 =	vor.u32 $0x18, v2;
	[tilespmem:$0x1FFD0] =	vst v4;
	v4 =	vsel vm12, $0x6800, v6;
	v6 =	vimm.s32 $0x3007  }
0x64: {  	v0 =	vand.u32 $0x7, v2;
	v4 =	vsel vm11, $0x6C00, v4;
	v6 =	vsel vm14, $0x2000, v6  }
0x65: {  	v8 =	vimm.s32 $0x13C80;
	v4 =	vsel vm10, $0x7000, v4;
	v6 =	vsel vm13, $0x2001, v6  }
0x66: {  	v8 =	vsel vm14, $0x6080, v8;
	v4 =	vsel vm9, $0x7400, v4;
	v6 =	vsel vm12, $0x2002, v6  }
0x67: {  	v8 =	vsel vm13, $0x6480, v8;
	v4 =	vsel vm8, $0x7800, v4;
	v6 =	vsel vm11, $0x2003, v6  }
0x68: {  	v8 =	vsel vm12, $0x6880, v8;
	v4 =	vsel vm7, $0x7C00, v4;
	v6 =	vsel vm10, $0x2004, v6  }
0x69: {  	v8 =	vsel vm11, $0x6C80, v8;
	v4 =	vsel vm6, $0x12000, v4;
	v6 =	vsel vm9, $0x2005, v6  }
0x6a: {  	v8 =	vsel vm10, $0x7080, v8;
	v4 =	vsel vm5, $0x12400, v4;
	v6 =	vsel vm8, $0x2006, v6  }
0x6b: {  	v8 =	vsel vm9, $0x7480, v8;
	v4 =	vsel vm4, $0x12800, v4;
	v6 =	vsel vm7, $0x2007, v6  }
0x6c: {  	v8 =	vsel vm8, $0x7880, v8;
	v4 =	vsel vm3, $0x12C00, v4;
	v6 =	vsel vm6, $0x3000, v6  }
0x6d: {  	v8 =	vsel vm7, $0x7C80, v8;
	v4 =	vsel vm1, $0x13000, v4;
	v6 =	vsel vm5, $0x3001, v6  }
0x6e: {  	v8 =	vsel vm6, $0x12080, v8;
	v4 =	vsel vm0, $0x13400, v4;
	v6 =	vsel vm4, $0x3002, v6  }
0x6f: {  	v8 =	vsel vm5, $0x12480, v8;
	v17 =	vsel vm2, $0x13800, v4;
	v4 =	vsel vm3, $0x3003, v6  }
0x70: {  	v2 =	vshrl.u32 v2, $0x3;
	v6 =	vsel vm4, $0x12880, v8;
	v4 =	vsel vm1, $0x3004, v4  }
0x71: {  	v8 =	vimm.s32 $0x3087;
	v6 =	vsel vm3, $0x12C80, v6;
	v4 =	vsel vm0, $0x3005, v4  }
0x72: {  	v8 =	vsel vm14, $0x2080, v8;
	v6 =	vsel vm1, $0x13080, v6;
	v4 =	vsel vm2, $0x3006, v4  }
0x73: {  	v35 =	vmul.u32 $0x1000, v2;
	[tilespmem:$0x1FFE0] =	vst v4;
	v4 =	vsel vm0, $0x13480, v6;
	v6 =	vsel vm13, $0x2081, v8  }
0x74: {  	v10 =	vor.u32 $0x10, v0;
	v19 =	vsel vm2, $0x13880, v4;
	v4 =	vsel vm12, $0x2082, v6  }
0x75: {  	v3 =	vsel vm1, $0xD080, v3;
	v6 =	vimm.s32 $0x13D00;
	v4 =	vsel vm11, $0x2083, v4  }
0x76: {  	v8 =	vimm.s32 $0x3107;
	v6 =	vsel vm14, $0x6100, v6;
	v4 =	vsel vm10, $0x2084, v4  }
0x77: {  	v8 =	vsel vm14, $0x2100, v8;
	v6 =	vsel vm13, $0x6500, v6;
	v4 =	vsel vm9, $0x2085, v4  }
0x78: {  	v8 =	vsel vm13, $0x2101, v8;
	v6 =	vsel vm12, $0x6900, v6;
	v4 =	vsel vm8, $0x2086, v4  }
0x79: {  	v8 =	vsel vm12, $0x2102, v8;
	v6 =	vsel vm11, $0x6D00, v6;
	v4 =	vsel vm7, $0x2087, v4  }
0x7a: {  	v8 =	vsel vm11, $0x2103, v8;
	v6 =	vsel vm10, $0x7100, v6;
	v4 =	vsel vm6, $0x3080, v4  }
0x7b: {  	v8 =	vsel vm10, $0x2104, v8;
	v6 =	vsel vm9, $0x7500, v6;
	v4 =	vsel vm5, $0x3081, v4  }
0x7c: {  	v8 =	vsel vm9, $0x2105, v8;
	v6 =	vsel vm8, $0x7900, v6;
	v4 =	vsel vm4, $0x3082, v4  }
0x7d: {  	v8 =	vsel vm8, $0x2106, v8;
	v6 =	vsel vm7, $0x7D00, v6;
	v4 =	vsel vm3, $0x3083, v4  }
0x7e: {  	v8 =	vsel vm7, $0x2107, v8;
	v6 =	vsel vm6, $0x12100, v6;
	v4 =	vsel vm1, $0x3084, v4  }
0x7f: {  	v8 =	vsel vm6, $0x3100, v8;
	v6 =	vsel vm5, $0x12500, v6;
	v4 =	vsel vm0, $0x3085, v4  }
0x80: {  	v8 =	vsel vm5, $0x3101, v8;
	v6 =	vsel vm4, $0x12900, v6;
	v4 =	vsel vm2, $0x3086, v4  }
0x81: {  	v3 =	vsel vm0, $0xD480, v3;
	[tilespmem:$0x1FFF0] =	vst v4;
	v4 =	vsel vm3, $0x12D00, v6;
	v6 =	vsel vm4, $0x3102, v8  }
0x82: {  	v8 =	vimm.s32 $0x13D80;
	v4 =	vsel vm1, $0x13100, v4;
	v6 =	vsel vm3, $0x3103, v6  }
0x83: {  	v8 =	vsel vm14, $0x6180, v8;
	v4 =	vsel vm0, $0x13500, v4;
	v6 =	vsel vm1, $0x3104, v6  }
0x84: {  	v21 =	vsel vm2, $0x13900, v4;
	v4 =	vsel vm0, $0x3105, v6;
	v6 =	vsel vm13, $0x6580, v8  }
0x85: {  	v22 =	vsel vm2, $0x3106, v4;
	v4 =	vsel vm12, $0x6980, v6;
	v6 =	vimm.s32 $0x3187  }
0x86: {  	v8 =	vimm.s32 $0x13E00;
	v4 =	vsel vm11, $0x6D80, v4;
	v6 =	vsel vm14, $0x2180, v6  }
0x87: {  	v8 =	vsel vm14, $0x6200, v8;
	v4 =	vsel vm10, $0x7180, v4;
	v6 =	vsel vm13, $0x2181, v6  }
0x88: {  	v8 =	vsel vm13, $0x6600, v8;
	v4 =	vsel vm9, $0x7580, v4;
	v6 =	vsel vm12, $0x2182, v6  }
0x89: {  	v8 =	vsel vm12, $0x6A00, v8;
	v4 =	vsel vm8, $0x7980, v4;
	v6 =	vsel vm11, $0x2183, v6  }
0x8a: {  	v8 =	vsel vm11, $0x6E00, v8;
	v4 =	vsel vm7, $0x7D80, v4;
	v6 =	vsel vm10, $0x2184, v6  }
0x8b: {  	v8 =	vsel vm10, $0x7200, v8;
	v4 =	vsel vm6, $0x12180, v4;
	v6 =	vsel vm9, $0x2185, v6  }
0x8c: {  	v8 =	vsel vm9, $0x7600, v8;
	v4 =	vsel vm5, $0x12580, v4;
	v6 =	vsel vm8, $0x2186, v6  }
0x8d: {  	v8 =	vsel vm8, $0x7A00, v8;
	v4 =	vsel vm4, $0x12980, v4;
	v6 =	vsel vm7, $0x2187, v6  }
0x8e: {  	v8 =	vsel vm7, $0x7E00, v8;
	v4 =	vsel vm3, $0x12D80, v4;
	v6 =	vsel vm6, $0x3180, v6  }
0x8f: {  	v8 =	vsel vm6, $0x12200, v8;
	v4 =	vsel vm1, $0x13180, v4;
	v6 =	vsel vm5, $0x3181, v6  }
0x90: {  	v8 =	vsel vm5, $0x12600, v8;
	v4 =	vsel vm0, $0x13580, v4;
	v6 =	vsel vm4, $0x3182, v6  }
0x91: {  	v23 =	vsel vm2, $0x13980, v4;
	v4 =	vsel vm3, $0x3183, v6;
	v6 =	vsel vm4, $0x12A00, v8  }
0x92: {  	v8 =	vimm.s32 $0x3207;
	v4 =	vsel vm1, $0x3184, v4;
	v6 =	vsel vm3, $0x12E00, v6  }
0x93: {  	v8 =	vsel vm14, $0x2200, v8;
	v4 =	vsel vm0, $0x3185, v4;
	v6 =	vsel vm1, $0x13200, v6  }
0x94: {  	v24 =	vsel vm2, $0x3186, v4;
	v4 =	vsel vm0, $0x13600, v6;
	v6 =	vsel vm13, $0x2201, v8  }
0x95: {  	v25 =	vsel vm2, $0x13A00, v4;
	v4 =	vsel vm12, $0x2202, v6;
	v6 =	vimm.s32 $0x13E80  }
0x96: {  	v8 =	vimm.s32 $0x3287;
	v4 =	vsel vm11, $0x2203, v4;
	v6 =	vsel vm14, $0x6280, v6  }
0x97: {  	v8 =	vsel vm14, $0x2280, v8;
	v4 =	vsel vm10, $0x2204, v4;
	v6 =	vsel vm13, $0x6680, v6  }
0x98: {  	v8 =	vsel vm13, $0x2281, v8;
	v4 =	vsel vm9, $0x2205, v4;
	v6 =	vsel vm12, $0x6A80, v6  }
0x99: {  	v8 =	vsel vm12, $0x2282, v8;
	v4 =	vsel vm8, $0x2206, v4;
	v6 =	vsel vm11, $0x6E80, v6  }
0x9a: {  	v8 =	vsel vm11, $0x2283, v8;
	v4 =	vsel vm7, $0x2207, v4;
	v6 =	vsel vm10, $0x7280, v6  }
0x9b: {  	v8 =	vsel vm10, $0x2284, v8;
	v4 =	vsel vm6, $0x3200, v4;
	v6 =	vsel vm9, $0x7680, v6  }
0x9c: {  	v8 =	vsel vm9, $0x2285, v8;
	v4 =	vsel vm5, $0x3201, v4;
	v6 =	vsel vm8, $0x7A80, v6  }
0x9d: {  	v8 =	vsel vm8, $0x2286, v8;
	v4 =	vsel vm4, $0x3202, v4;
	v6 =	vsel vm7, $0x7E80, v6  }
0x9e: {  	v8 =	vsel vm7, $0x2287, v8;
	v4 =	vsel vm3, $0x3203, v4;
	v6 =	vsel vm6, $0x12280, v6  }
0x9f: {  	v8 =	vsel vm6, $0x3280, v8;
	v4 =	vsel vm1, $0x3204, v4;
	v6 =	vsel vm5, $0x12680, v6  }
0xa0: {  	v8 =	vsel vm5, $0x3281, v8;
	v4 =	vsel vm0, $0x3205, v4;
	v6 =	vsel vm4, $0x12A80, v6  }
0xa1: {  	v26 =	vsel vm2, $0x3206, v4;
	v4 =	vsel vm3, $0x12E80, v6;
	v6 =	vsel vm4, $0x3282, v8  }
0xa2: {  	v8 =	vimm.s32 $0x13F00;
	v4 =	vsel vm1, $0x13280, v4;
	v6 =	vsel vm3, $0x3283, v6  }
0xa3: {  	v8 =	vsel vm14, $0x6300, v8;
	v4 =	vsel vm0, $0x13680, v4;
	v6 =	vsel vm1, $0x3284, v6  }
0xa4: {  	v27 =	vsel vm2, $0x13A80, v4;
	v4 =	vsel vm0, $0x3285, v6;
	v6 =	vsel vm13, $0x6700, v8  }
0xa5: {  	v28 =	vsel vm2, $0x3286, v4;
	v4 =	vsel vm12, $0x6B00, v6;
	v6 =	vimm.s32 $0x3307  }
0xa6: {  	v8 =	vimm.s32 $0x13F80;
	v4 =	vsel vm11, $0x6F00, v4;
	v6 =	vsel vm14, $0x2300, v6  }
0xa7: {  	v8 =	vsel vm14, $0x6380, v8;
	v4 =	vsel vm10, $0x7300, v4;
	v6 =	vsel vm13, $0x2301, v6  }
0xa8: {  	v8 =	vsel vm13, $0x6780, v8;
	v4 =	vsel vm9, $0x7700, v4;
	v6 =	vsel vm12, $0x2302, v6  }
0xa9: {  	v8 =	vsel vm12, $0x6B80, v8;
	v4 =	vsel vm8, $0x7B00, v4;
	v6 =	vsel vm11, $0x2303, v6  }
0xaa: {  	v8 =	vsel vm11, $0x6F80, v8;
	v4 =	vsel vm7, $0x7F00, v4;
	v6 =	vsel vm10, $0x2304, v6  }
0xab: {  	v8 =	vsel vm10, $0x7380, v8;
	v4 =	vsel vm6, $0x12300, v4;
	v6 =	vsel vm9, $0x2305, v6  }
0xac: {  	v8 =	vsel vm9, $0x7780, v8;
	v4 =	vsel vm5, $0x12700, v4;
	v6 =	vsel vm8, $0x2306, v6  }
0xad: {  	v8 =	vsel vm8, $0x7B80, v8;
	v4 =	vsel vm4, $0x12B00, v4;
	v6 =	vsel vm7, $0x2307, v6  }
0xae: {  	v8 =	vsel vm7, $0x7F80, v8;
	v4 =	vsel vm3, $0x12F00, v4;
	v6 =	vsel vm6, $0x3300, v6  }
0xaf: {  	v8 =	vsel vm6, $0x12380, v8;
	v4 =	vsel vm1, $0x13300, v4;
	v6 =	vsel vm5, $0x3301, v6  }
0xb0: {  	v8 =	vsel vm5, $0x12780, v8;
	v4 =	vsel vm0, $0x13700, v4;
	v6 =	vsel vm4, $0x3302, v6  }
0xb1: {  	v29 =	vsel vm2, $0x13B00, v4;
	v4 =	vsel vm3, $0x3303, v6;
	v6 =	vsel vm4, $0x12B80, v8  }
0xb2: {  	v8 =	vimm.s32 $0x3387;
	v4 =	vsel vm1, $0x3304, v4;
	v6 =	vsel vm3, $0x12F80, v6  }
0xb3: {  	v8 =	vsel vm14, $0x2380, v8;
	v4 =	vsel vm0, $0x3305, v4;
	v6 =	vsel vm1, $0x13380, v6  }
0xb4: {  	v30 =	vsel vm2, $0x3306, v4;
	v4 =	vsel vm0, $0x13780, v6;
	v6 =	vsel vm13, $0x2381, v8  }
0xb5: {  	v31 =	vsel vm2, $0x13B80, v4;
	v4 =	vsel vm12, $0x2382, v6;
	v6 =	vimm.s32 $0xFC00  }
0xb6: {  	v8 =	vimm.s32 $0xFC80;
	v4 =	vsel vm11, $0x2383, v4;
	v6 =	vsel vm14, $0x2000, v6  }
0xb7: {  	v8 =	vsel vm14, $0x2080, v8;
	v4 =	vsel vm10, $0x2384, v4;
	v6 =	vsel vm13, $0x2400, v6  }
0xb8: {  	v8 =	vsel vm13, $0x2480, v8;
	v4 =	vsel vm9, $0x2385, v4;
	v6 =	vsel vm12, $0x2800, v6  }
0xb9: {  	v8 =	vsel vm12, $0x2880, v8;
	v4 =	vsel vm8, $0x2386, v4;
	v6 =	vsel vm11, $0x2C00, v6  }
0xba: {  	v8 =	vsel vm11, $0x2C80, v8;
	v4 =	vsel vm7, $0x2387, v4;
	v6 =	vsel vm10, $0x3000, v6  }
0xbb: {  	v8 =	vsel vm10, $0x3080, v8;
	v4 =	vsel vm6, $0x3380, v4;
	v6 =	vsel vm9, $0x3400, v6  }
0xbc: {  	v8 =	vsel vm9, $0x3480, v8;
	v4 =	vsel vm5, $0x3381, v4;
	v6 =	vsel vm8, $0x3800, v6  }
0xbd: {  	v8 =	vsel vm8, $0x3880, v8;
	v4 =	vsel vm4, $0x3382, v4;
	v6 =	vsel vm7, $0x3C00, v6  }
0xbe: {  	v8 =	vsel vm7, $0x3C80, v8;
	v4 =	vsel vm3, $0x3383, v4;
	v6 =	vsel vm6, $0xE000, v6  }
0xbf: {  	v8 =	vsel vm6, $0xE080, v8;
	v4 =	vsel vm1, $0x3384, v4;
	v6 =	vsel vm5, $0xE400, v6  }
0xc0: {  	v8 =	vsel vm5, $0xE480, v8;
	v4 =	vsel vm0, $0x3385, v4;
	v6 =	vsel vm4, $0xE800, v6  }
0xc1: {  	v32 =	vsel vm2, $0x3386, v4;
	v4 =	vsel vm3, $0xEC00, v6;
	v6 =	vsel vm4, $0xE880, v8  }
0xc2: {  	v3 =	vsel vm2, $0xD880, v3;
	v4 =	vsel vm1, $0xF000, v4;
	v6 =	vsel vm3, $0xEC80, v6  }
0xc3: {  	v8 =	vor.u32 $0x8, v0;
	v4 =	vsel vm0, $0xF400, v4;
	v6 =	vsel vm1, $0xF080, v6  }
0xc4: {  	v34 =	vsel vm2, $0xF800, v4;
	v2 =	vsel vm0, $0xF480, v6;
	v4 =	vimm.s32 $0xFD80  }
0xc5: {  	v36 =	vsel vm2, $0xF880, v2;
	v2 =	vimm.s32 $0xFD00;
	v4 =	vsel vm14, $0x2180, v4  }
0xc6: {  	v6 =	vimm.s32 $0xFE00;
	v2 =	vsel vm14, $0x2100, v2;
	v4 =	vsel vm13, $0x2580, v4  }
0xc7: {  	v6 =	vsel vm14, $0x2200, v6;
	v2 =	vsel vm13, $0x2500, v2;
	v4 =	vsel vm12, $0x2980, v4  }
0xc8: {  	v6 =	vsel vm13, $0x2600, v6;
	v2 =	vsel vm12, $0x2900, v2;
	v4 =	vsel vm11, $0x2D80, v4  }
0xc9: {  	v6 =	vsel vm12, $0x2A00, v6;
	v2 =	vsel vm11, $0x2D00, v2;
	v4 =	vsel vm10, $0x3180, v4  }
0xca: {  	v6 =	vsel vm11, $0x2E00, v6;
	v2 =	vsel vm10, $0x3100, v2;
	v4 =	vsel vm9, $0x3580, v4  }
0xcb: {  	v6 =	vsel vm10, $0x3200, v6;
	v2 =	vsel vm9, $0x3500, v2;
	v4 =	vsel vm8, $0x3980, v4  }
0xcc: {  	v6 =	vsel vm9, $0x3600, v6;
	v2 =	vsel vm8, $0x3900, v2;
	v4 =	vsel vm7, $0x3D80, v4  }
0xcd: {  	v6 =	vsel vm8, $0x3A00, v6;
	v2 =	vsel vm7, $0x3D00, v2;
	v4 =	vsel vm6, $0xE180, v4  }
0xce: {  	v6 =	vsel vm7, $0x3E00, v6;
	v2 =	vsel vm6, $0xE100, v2;
	v4 =	vsel vm5, $0xE580, v4  }
0xcf: {  	v6 =	vsel vm6, $0xE200, v6;
	v2 =	vsel vm5, $0xE500, v2;
	v4 =	vsel vm4, $0xE980, v4  }
0xd0: {  	v6 =	vsel vm5, $0xE600, v6;
	v2 =	vsel vm4, $0xE900, v2;
	v4 =	vsel vm3, $0xED80, v4  }
0xd1: {  	v6 =	vsel vm4, $0xEA00, v6;
	v2 =	vsel vm3, $0xED00, v2;
	v4 =	vsel vm1, $0xF180, v4  }
0xd2: {  	v6 =	vsel vm3, $0xEE00, v6;
	v2 =	vsel vm1, $0xF100, v2;
	v4 =	vsel vm0, $0xF580, v4  }
0xd3: {  	v6 =	vsel vm1, $0xF200, v6;
	v2 =	vsel vm0, $0xF500, v2;
	v38 =	vsel vm2, $0xF980, v4  }
0xd4: {  	v4 =	vimm.s32 $0xFF00;
	v37 =	vsel vm2, $0xF900, v2;
	v2 =	vsel vm0, $0xF600, v6  }
0xd5: {  	v4 =	vsel vm14, $0x2300, v4;
	v39 =	vsel vm2, $0xFA00, v2;
	v2 =	vimm.s32 $0xFE80  }
0xd6: {  	v6 =	vimm.s32 $0xFF80;
	v4 =	vsel vm13, $0x2700, v4;
	v2 =	vsel vm14, $0x2280, v2  }
0xd7: {  	v6 =	vsel vm14, $0x2380, v6;
	v4 =	vsel vm12, $0x2B00, v4;
	v2 =	vsel vm13, $0x2680, v2  }
0xd8: {  	v6 =	vsel vm13, $0x2780, v6;
	v4 =	vsel vm11, $0x2F00, v4;
	v2 =	vsel vm12, $0x2A80, v2  }
0xd9: {  	v6 =	vsel vm12, $0x2B80, v6;
	v4 =	vsel vm10, $0x3300, v4;
	v2 =	vsel vm11, $0x2E80, v2  }
0xda: {  	v6 =	vsel vm11, $0x2F80, v6;
	v4 =	vsel vm9, $0x3700, v4;
	v2 =	vsel vm10, $0x3280, v2  }
0xdb: {  	v6 =	vsel vm10, $0x3380, v6;
	v4 =	vsel vm8, $0x3B00, v4;
	v2 =	vsel vm9, $0x3680, v2  }
0xdc: {  	v6 =	vsel vm9, $0x3780, v6;
	v4 =	vsel vm7, $0x3F00, v4;
	v2 =	vsel vm8, $0x3A80, v2  }
0xdd: {  	v6 =	vsel vm8, $0x3B80, v6;
	v4 =	vsel vm6, $0xE300, v4;
	v2 =	vsel vm7, $0x3E80, v2  }
0xde: {  	v6 =	vsel vm7, $0x3F80, v6;
	v4 =	vsel vm5, $0xE700, v4;
	v2 =	vsel vm6, $0xE280, v2  }
0xdf: {  	v6 =	vsel vm6, $0xE380, v6;
	v4 =	vsel vm4, $0xEB00, v4;
	v2 =	vsel vm5, $0xE680, v2  }
0xe0: {  	v6 =	vsel vm5, $0xE780, v6;
	v4 =	vsel vm3, $0xEF00, v4;
	v2 =	vsel vm4, $0xEA80, v2  }
0xe1: {  	v6 =	vsel vm4, $0xEB80, v6;
	v4 =	vsel vm1, $0xF300, v4;
	v2 =	vsel vm3, $0xEE80, v2  }
0xe2: {  	v6 =	vsel vm3, $0xEF80, v6;
	v4 =	vsel vm0, $0xF700, v4;
	v2 =	vsel vm1, $0xF280, v2  }
0xe3: {  	v6 =	vsel vm1, $0xF380, v6;
	v41 =	vsel vm2, $0xFB00, v4;
	v2 =	vsel vm0, $0xF680, v2  }
0xe4: {  	v4 =	vimm.s32 $0x15C80;
	v40 =	vsel vm2, $0xFA80, v2;
	v2 =	vsel vm0, $0xF780, v6  }
0xe5: {  	v4 =	vsel vm14, $0x8080, v4;
	v42 =	vsel vm2, $0xFB80, v2;
	v2 =	vimm.s32 $0x15C00  }
0xe6: {  	v6 =	vimm.s32 $0x15D00;
	v4 =	vsel vm13, $0x8480, v4;
	v2 =	vsel vm14, $0x8000, v2  }
0xe7: {  	v6 =	vsel vm14, $0x8100, v6;
	v4 =	vsel vm12, $0x8880, v4;
	v2 =	vsel vm13, $0x8400, v2  }
0xe8: {  	v6 =	vsel vm13, $0x8500, v6;
	v4 =	vsel vm11, $0x8C80, v4;
	v2 =	vsel vm12, $0x8800, v2  }
0xe9: {  	v6 =	vsel vm12, $0x8900, v6;
	v4 =	vsel vm10, $0x9080, v4;
	v2 =	vsel vm11, $0x8C00, v2  }
0xea: {  	v6 =	vsel vm11, $0x8D00, v6;
	v4 =	vsel vm9, $0x9480, v4;
	v2 =	vsel vm10, $0x9000, v2  }
0xeb: {  	v6 =	vsel vm10, $0x9100, v6;
	v4 =	vsel vm8, $0x9880, v4;
	v2 =	vsel vm9, $0x9400, v2  }
0xec: {  	v6 =	vsel vm9, $0x9500, v6;
	v4 =	vsel vm7, $0x9C80, v4;
	v2 =	vsel vm8, $0x9800, v2  }
0xed: {  	v6 =	vsel vm8, $0x9900, v6;
	v4 =	vsel vm6, $0x14080, v4;
	v2 =	vsel vm7, $0x9C00, v2  }
0xee: {  	v6 =	vsel vm7, $0x9D00, v6;
	v4 =	vsel vm5, $0x14480, v4;
	v2 =	vsel vm6, $0x14000, v2  }
0xef: {  	v6 =	vsel vm6, $0x14100, v6;
	v4 =	vsel vm4, $0x14880, v4;
	v2 =	vsel vm5, $0x14400, v2  }
0xf0: {  	v6 =	vsel vm5, $0x14500, v6;
	v4 =	vsel vm3, $0x14C80, v4;
	v2 =	vsel vm4, $0x14800, v2  }
0xf1: {  	v6 =	vsel vm4, $0x14900, v6;
	v4 =	vsel vm1, $0x15080, v4;
	v2 =	vsel vm3, $0x14C00, v2  }
0xf2: {  	v6 =	vsel vm3, $0x14D00, v6;
	v4 =	vsel vm0, $0x15480, v4;
	v2 =	vsel vm1, $0x15000, v2  }
0xf3: {  	v6 =	vsel vm1, $0x15100, v6;
	v44 =	vsel vm2, $0x15880, v4;
	v2 =	vsel vm0, $0x15400, v2  }
0xf4: {  	v4 =	vimm.s32 $0x15E00;
	v43 =	vsel vm2, $0x15800, v2;
	v2 =	vsel vm0, $0x15500, v6  }
0xf5: {  	v4 =	vsel vm14, $0x8200, v4;
	v45 =	vsel vm2, $0x15900, v2;
	v2 =	vimm.s32 $0x15D80  }
0xf6: {  	v4 =	vsel vm13, $0x8600, v4;
	v6 =	vimm.s32 $0x15E80;
	v2 =	vsel vm14, $0x8180, v2  }
0xf7: {  	v4 =	vsel vm12, $0x8A00, v4;
	v6 =	vsel vm14, $0x8280, v6;
	v2 =	vsel vm13, $0x8580, v2  }
0xf8: {  	v4 =	vsel vm11, $0x8E00, v4;
	v6 =	vsel vm13, $0x8680, v6;
	v2 =	vsel vm12, $0x8980, v2  }
0xf9: {  	v4 =	vsel vm10, $0x9200, v4;
	v6 =	vsel vm12, $0x8A80, v6;
	v2 =	vsel vm11, $0x8D80, v2  }
0xfa: {  	v4 =	vsel vm9, $0x9600, v4;
	v6 =	vsel vm11, $0x8E80, v6;
	v2 =	vsel vm10, $0x9180, v2  }
0xfb: {  	v4 =	vsel vm8, $0x9A00, v4;
	v6 =	vsel vm10, $0x9280, v6;
	v2 =	vsel vm9, $0x9580, v2  }
0xfc: {  	v4 =	vsel vm7, $0x9E00, v4;
	v6 =	vsel vm9, $0x9680, v6;
	v2 =	vsel vm8, $0x9980, v2  }
0xfd: {  	v4 =	vsel vm6, $0x14200, v4;
	v6 =	vsel vm8, $0x9A80, v6;
	v2 =	vsel vm7, $0x9D80, v2  }
0xfe: {  	v4 =	vsel vm5, $0x14600, v4;
	v6 =	vsel vm7, $0x9E80, v6;
	v2 =	vsel vm6, $0x14180, v2  }
0xff: {  	v4 =	vsel vm4, $0x14A00, v4;
	v6 =	vsel vm6, $0x14280, v6;
	v2 =	vsel vm5, $0x14580, v2  }
0x100: {  	v4 =	vsel vm3, $0x14E00, v4;
	v6 =	vsel vm5, $0x14680, v6;
	v2 =	vsel vm4, $0x14980, v2  }
0x101: {  	v4 =	vsel vm1, $0x15200, v4;
	v6 =	vsel vm4, $0x14A80, v6;
	v2 =	vsel vm3, $0x14D80, v2  }
0x102: {  	v4 =	vsel vm0, $0x15600, v4;
	v6 =	vsel vm3, $0x14E80, v6;
	v2 =	vsel vm1, $0x15180, v2  }
0x103: {  	v47 =	vsel vm2, $0x15A00, v4;
	v6 =	vsel vm1, $0x15280, v6;
	v2 =	vsel vm0, $0x15580, v2  }
0x104: {  	v4 =	vimm.s32 $0x15F80;
	v46 =	vsel vm2, $0x15980, v2;
	v2 =	vsel vm0, $0x15680, v6  }
0x105: {  	v4 =	vsel vm14, $0x8380, v4;
	v48 =	vsel vm2, $0x15A80, v2;
	v2 =	vimm.s32 $0x15F00  }
0x106: {  	v4 =	vsel vm13, $0x8780, v4;
	v6 =	vimm.s32 $0x11C00;
	v2 =	vsel vm14, $0x8300, v2  }
0x107: {  	v4 =	vsel vm12, $0x8B80, v4;
	v6 =	vsel vm14, $0x4000, v6;
	v2 =	vsel vm13, $0x8700, v2  }
0x108: {  	v4 =	vsel vm11, $0x8F80, v4;
	v6 =	vsel vm13, $0x4400, v6;
	v2 =	vsel vm12, $0x8B00, v2  }
0x109: {  	v4 =	vsel vm10, $0x9380, v4;
	v6 =	vsel vm12, $0x4800, v6;
	v2 =	vsel vm11, $0x8F00, v2  }
0x10a: {  	v4 =	vsel vm9, $0x9780, v4;
	v6 =	vsel vm11, $0x4C00, v6;
	v2 =	vsel vm10, $0x9300, v2  }
0x10b: {  	v4 =	vsel vm8, $0x9B80, v4;
	v6 =	vsel vm10, $0x5000, v6;
	v2 =	vsel vm9, $0x9700, v2  }
0x10c: {  	v4 =	vsel vm7, $0x9F80, v4;
	v6 =	vsel vm9, $0x5400, v6;
	v2 =	vsel vm8, $0x9B00, v2  }
0x10d: {  	v4 =	vsel vm6, $0x14380, v4;
	v6 =	vsel vm8, $0x5800, v6;
	v2 =	vsel vm7, $0x9F00, v2  }
0x10e: {  	v4 =	vsel vm5, $0x14780, v4;
	v6 =	vsel vm7, $0x5C00, v6;
	v2 =	vsel vm6, $0x14300, v2  }
0x10f: {  	v4 =	vsel vm4, $0x14B80, v4;
	v6 =	vsel vm6, $0x10000, v6;
	v2 =	vsel vm5, $0x14700, v2  }
0x110: {  	v4 =	vsel vm3, $0x14F80, v4;
	v6 =	vsel vm5, $0x10400, v6;
	v2 =	vsel vm4, $0x14B00, v2  }
0x111: {  	v4 =	vsel vm1, $0x15380, v4;
	v6 =	vsel vm4, $0x10800, v6;
	v2 =	vsel vm3, $0x14F00, v2  }
0x112: {  	v4 =	vsel vm0, $0x15780, v4;
	v6 =	vsel vm3, $0x10C00, v6;
	v2 =	vsel vm1, $0x15300, v2  }
0x113: {  	v50 =	vsel vm2, $0x15B80, v4;
	v6 =	vsel vm1, $0x11000, v6;
	v2 =	vsel vm0, $0x15700, v2  }
0x114: {  	v4 =	vimm.s32 $0x11D00;
	v49 =	vsel vm2, $0x15B00, v2;
	v2 =	vsel vm0, $0x11400, v6  }
0x115: {  	v4 =	vsel vm14, $0x4100, v4;
	v51 =	vsel vm2, $0x11800, v2;
	v2 =	vimm.s32 $0x11C80  }
0x116: {  	v4 =	vsel vm13, $0x4500, v4;
	v6 =	vimm.s32 $0x11D80;
	v2 =	vsel vm14, $0x4080, v2  }
0x117: {  	v4 =	vsel vm12, $0x4900, v4;
	v6 =	vsel vm14, $0x4180, v6;
	v2 =	vsel vm13, $0x4480, v2  }
0x118: {  	v4 =	vsel vm11, $0x4D00, v4;
	v6 =	vsel vm13, $0x4580, v6;
	v2 =	vsel vm12, $0x4880, v2  }
0x119: {  	v4 =	vsel vm10, $0x5100, v4;
	v6 =	vsel vm12, $0x4980, v6;
	v2 =	vsel vm11, $0x4C80, v2  }
0x11a: {  	v4 =	vsel vm9, $0x5500, v4;
	v6 =	vsel vm11, $0x4D80, v6;
	v2 =	vsel vm10, $0x5080, v2  }
0x11b: {  	v4 =	vsel vm8, $0x5900, v4;
	v6 =	vsel vm10, $0x5180, v6;
	v2 =	vsel vm9, $0x5480, v2  }
0x11c: {  	v4 =	vsel vm7, $0x5D00, v4;
	v6 =	vsel vm9, $0x5580, v6;
	v2 =	vsel vm8, $0x5880, v2  }
0x11d: {  	v4 =	vsel vm6, $0x10100, v4;
	v6 =	vsel vm8, $0x5980, v6;
	v2 =	vsel vm7, $0x5C80, v2  }
0x11e: {  	v4 =	vsel vm5, $0x10500, v4;
	v6 =	vsel vm7, $0x5D80, v6;
	v2 =	vsel vm6, $0x10080, v2  }
0x11f: {  	v4 =	vsel vm4, $0x10900, v4;
	v6 =	vsel vm6, $0x10180, v6;
	v2 =	vsel vm5, $0x10480, v2  }
0x120: {  	v4 =	vsel vm3, $0x10D00, v4;
	v6 =	vsel vm5, $0x10580, v6;
	v2 =	vsel vm4, $0x10880, v2  }
0x121: {  	v4 =	vsel vm1, $0x11100, v4;
	v6 =	vsel vm4, $0x10980, v6;
	v2 =	vsel vm3, $0x10C80, v2  }
0x122: {  	v4 =	vsel vm0, $0x11500, v4;
	v6 =	vsel vm3, $0x10D80, v6;
	v2 =	vsel vm1, $0x11080, v2  }
0x123: {  	v53 =	vsel vm2, $0x11900, v4;
	v6 =	vsel vm1, $0x11180, v6;
	v2 =	vsel vm0, $0x11480, v2  }
0x124: {  	v4 =	vimm.s32 $0x11E80;
	v52 =	vsel vm2, $0x11880, v2;
	v2 =	vsel vm0, $0x11580, v6  }
0x125: {  	v4 =	vsel vm14, $0x4280, v4;
	v54 =	vsel vm2, $0x11980, v2;
	v2 =	vimm.s32 $0x11E00  }
0x126: {  	v4 =	vsel vm13, $0x4680, v4;
	v6 =	vimm.s32 $0x11F00;
	v2 =	vsel vm14, $0x4200, v2  }
0x127: {  	v4 =	vsel vm12, $0x4A80, v4;
	v6 =	vsel vm14, $0x4300, v6;
	v2 =	vsel vm13, $0x4600, v2  }
0x128: {  	v4 =	vsel vm11, $0x4E80, v4;
	v6 =	vsel vm13, $0x4700, v6;
	v2 =	vsel vm12, $0x4A00, v2  }
0x129: {  	v4 =	vsel vm10, $0x5280, v4;
	v6 =	vsel vm12, $0x4B00, v6;
	v2 =	vsel vm11, $0x4E00, v2  }
0x12a: {  	v4 =	vsel vm9, $0x5680, v4;
	v6 =	vsel vm11, $0x4F00, v6;
	v2 =	vsel vm10, $0x5200, v2  }
0x12b: {  	v4 =	vsel vm8, $0x5A80, v4;
	v6 =	vsel vm10, $0x5300, v6;
	v2 =	vsel vm9, $0x5600, v2  }
0x12c: {  	v4 =	vsel vm7, $0x5E80, v4;
	v6 =	vsel vm9, $0x5700, v6;
	v2 =	vsel vm8, $0x5A00, v2  }
0x12d: {  	v4 =	vsel vm6, $0x10280, v4;
	v6 =	vsel vm8, $0x5B00, v6;
	v2 =	vsel vm7, $0x5E00, v2  }
0x12e: {  	v4 =	vsel vm5, $0x10680, v4;
	v6 =	vsel vm7, $0x5F00, v6;
	v2 =	vsel vm6, $0x10200, v2  }
0x12f: {  	v4 =	vsel vm4, $0x10A80, v4;
	v6 =	vsel vm6, $0x10300, v6;
	v2 =	vsel vm5, $0x10600, v2  }
0x130: {  	v4 =	vsel vm3, $0x10E80, v4;
	v6 =	vsel vm5, $0x10700, v6;
	v2 =	vsel vm4, $0x10A00, v2  }
0x131: {  	v4 =	vsel vm1, $0x11280, v4;
	v6 =	vsel vm4, $0x10B00, v6;
	v2 =	vsel vm3, $0x10E00, v2  }
0x132: {  	v4 =	vsel vm0, $0x11680, v4;
	v6 =	vsel vm3, $0x10F00, v6;
	v2 =	vsel vm1, $0x11200, v2  }
0x133: {  	v56 =	vsel vm2, $0x11A80, v4;
	v6 =	vsel vm1, $0x11300, v6;
	v2 =	vsel vm0, $0x11600, v2  }
0x134: {  	v4 =	vimm.s32 $0x17C00;
	v55 =	vsel vm2, $0x11A00, v2;
	v2 =	vsel vm0, $0x11700, v6  }
0x135: {  	v4 =	vsel vm14, $0xA000, v4;
	v57 =	vsel vm2, $0x11B00, v2;
	v2 =	vimm.s32 $0x11F80  }
0x136: {  	v4 =	vsel vm13, $0xA400, v4;
	v6 =	vimm.s32 $0x17C80;
	v2 =	vsel vm14, $0x4380, v2  }
0x137: {  	v4 =	vsel vm12, $0xA800, v4;
	v6 =	vsel vm14, $0xA080, v6;
	v2 =	vsel vm13, $0x4780, v2  }
0x138: {  	v4 =	vsel vm11, $0xAC00, v4;
	v6 =	vsel vm13, $0xA480, v6;
	v2 =	vsel vm12, $0x4B80, v2  }
0x139: {  	v4 =	vsel vm10, $0xB000, v4;
	v6 =	vsel vm12, $0xA880, v6;
	v2 =	vsel vm11, $0x4F80, v2  }
0x13a: {  	v4 =	vsel vm9, $0xB400, v4;
	v6 =	vsel vm11, $0xAC80, v6;
	v2 =	vsel vm10, $0x5380, v2  }
0x13b: {  	v4 =	vsel vm8, $0xB800, v4;
	v6 =	vsel vm10, $0xB080, v6;
	v2 =	vsel vm9, $0x5780, v2  }
0x13c: {  	v4 =	vsel vm7, $0xBC00, v4;
	v6 =	vsel vm9, $0xB480, v6;
	v2 =	vsel vm8, $0x5B80, v2  }
0x13d: {  	v4 =	vsel vm6, $0x16000, v4;
	v6 =	vsel vm8, $0xB880, v6;
	v2 =	vsel vm7, $0x5F80, v2  }
0x13e: {  	v4 =	vsel vm5, $0x16400, v4;
	v6 =	vsel vm7, $0xBC80, v6;
	v2 =	vsel vm6, $0x10380, v2  }
0x13f: {  	v4 =	vsel vm4, $0x16800, v4;
	v6 =	vsel vm6, $0x16080, v6;
	v2 =	vsel vm5, $0x10780, v2  }
0x140: {  	v4 =	vsel vm3, $0x16C00, v4;
	v6 =	vsel vm5, $0x16480, v6;
	v2 =	vsel vm4, $0x10B80, v2  }
0x141: {  	v4 =	vsel vm1, $0x17000, v4;
	v6 =	vsel vm4, $0x16880, v6;
	v2 =	vsel vm3, $0x10F80, v2  }
0x142: {  	v4 =	vsel vm0, $0x17400, v4;
	v6 =	vsel vm3, $0x16C80, v6;
	v2 =	vsel vm1, $0x11380, v2  }
0x143: {  	v59 =	vsel vm2, $0x17800, v4;
	v6 =	vsel vm1, $0x17080, v6;
	v2 =	vsel vm0, $0x11780, v2  }
0x144: {  	v4 =	vimm.s32 $0x17D80;
	v58 =	vsel vm2, $0x11B80, v2;
	v2 =	vsel vm0, $0x17480, v6  }
0x145: {  	v4 =	vsel vm14, $0xA180, v4;
	v60 =	vsel vm2, $0x17880, v2;
	v2 =	vimm.s32 $0x17D00  }
0x146: {  	v4 =	vsel vm13, $0xA580, v4;
	v6 =	vimm.s32 $0x17E00;
	v2 =	vsel vm14, $0xA100, v2  }
0x147: {  	v4 =	vsel vm12, $0xA980, v4;
	v6 =	vsel vm14, $0xA200, v6;
	v2 =	vsel vm13, $0xA500, v2  }
0x148: {  	v4 =	vsel vm11, $0xAD80, v4;
	v6 =	vsel vm13, $0xA600, v6;
	v2 =	vsel vm12, $0xA900, v2  }
0x149: {  	v4 =	vsel vm10, $0xB180, v4;
	v6 =	vsel vm12, $0xAA00, v6;
	v2 =	vsel vm11, $0xAD00, v2  }
0x14a: {  	v4 =	vsel vm9, $0xB580, v4;
	v6 =	vsel vm11, $0xAE00, v6;
	v2 =	vsel vm10, $0xB100, v2  }
0x14b: {  	v4 =	vsel vm8, $0xB980, v4;
	v6 =	vsel vm10, $0xB200, v6;
	v2 =	vsel vm9, $0xB500, v2  }
0x14c: {  	v4 =	vsel vm7, $0xBD80, v4;
	v6 =	vsel vm9, $0xB600, v6;
	v2 =	vsel vm8, $0xB900, v2  }
0x14d: {  	v4 =	vsel vm6, $0x16180, v4;
	v6 =	vsel vm8, $0xBA00, v6;
	v2 =	vsel vm7, $0xBD00, v2  }
0x14e: {  	v4 =	vsel vm5, $0x16580, v4;
	v6 =	vsel vm7, $0xBE00, v6;
	v2 =	vsel vm6, $0x16100, v2  }
0x14f: {  	v4 =	vsel vm4, $0x16980, v4;
	v6 =	vsel vm6, $0x16200, v6;
	v2 =	vsel vm5, $0x16500, v2  }
0x150: {  	v4 =	vsel vm3, $0x16D80, v4;
	v6 =	vsel vm5, $0x16600, v6;
	v2 =	vsel vm4, $0x16900, v2  }
0x151: {  	v4 =	vsel vm1, $0x17180, v4;
	v6 =	vsel vm4, $0x16A00, v6;
	v2 =	vsel vm3, $0x16D00, v2  }
0x152: {  	v4 =	vsel vm0, $0x17580, v4;
	v6 =	vsel vm3, $0x16E00, v6;
	v2 =	vsel vm1, $0x17100, v2  }
0x153: {  	v62 =	vsel vm2, $0x17980, v4;
	v6 =	vsel vm1, $0x17200, v6;
	v2 =	vsel vm0, $0x17500, v2  }
0x154: {  	v4 =	vimm.s32 $0x17F00;
	v61 =	vsel vm2, $0x17900, v2;
	v2 =	vsel vm0, $0x17600, v6  }
0x155: {  	v6 =	vimm.s32 $0x17F80;
	v63 =	vsel vm2, $0x17A00, v2;
	v2 =	vimm.s32 $0x17E80  }
0x156: {  	v4 =	vsel vm14, $0xA300, v4;
	v6 =	vsel vm14, $0xA380, v6;
	v2 =	vsel vm14, $0xA280, v2  }
0x157: {  	v4 =	vsel vm13, $0xA700, v4;
	v6 =	vsel vm13, $0xA780, v6;
	v2 =	vsel vm13, $0xA680, v2  }
0x158: {  	v4 =	vsel vm12, $0xAB00, v4;
	v6 =	vsel vm12, $0xAB80, v6;
	v2 =	vsel vm12, $0xAA80, v2  }
0x159: {  	s1 =	rddreg [dreg:$0x0];
	v4 =	vsel vm11, $0xAF00, v4;
	v6 =	vsel vm11, $0xAF80, v6;
	v2 =	vsel vm11, $0xAE80, v2  }
0x15a: {  	s0 =	rddreg [dreg:$0x1];
	v4 =	vsel vm10, $0xB300, v4;
	v6 =	vsel vm10, $0xB380, v6;
	v2 =	vsel vm10, $0xB280, v2  }
0x15b: {  	s3 =	rddreg [dreg:$0x2];
	s2 =	simm.s32 $0x0;
	s4 =	srdreg.scid;
	v4 =	vsel vm9, $0xB700, v4;
	v6 =	vsel vm9, $0xB780, v6;
	v2 =	vsel vm9, $0xB680, v2  }
0x15c: {  	s6 =	stileid.u32;
	s18 =	simm.s32 $0x4;
	s4 =	sand.u32 $0x1, s4;
	v4 =	vsel vm8, $0xBB00, v4;
	v6 =	vsel vm8, $0xBB80, v6;
	v2 =	vsel vm8, $0xBA80, v2  }
0x15d: {  	s6 =	sshll.u32 s6, $0xA;
	s5 =	ssub.s32 $0x2, s4;
	s4 =	sshll.u32 s4, $0x9;
	v4 =	vsel vm7, $0xBF00, v4;
	v6 =	vsel vm7, $0xBF80, v6;
	v2 =	vsel vm7, $0xBE80, v2  }
0x15e: {  	s9 =	simm.s32 $0x200;
	s13 =	simm.s32 $0x1;
	s4 =	sor.u32 s4, s6;
	v4 =	vsel vm6, $0x16300, v4;
	v6 =	vsel vm6, $0x16380, v6;
	v2 =	vsel vm6, $0x16280, v2  }
0x15f: {  	s14 =	simm.s32 $0x18200;
	[smem:$0x7FF] =	sst s2;
	s6 =	sshrl.u32 s4, $0x3;
	v4 =	vsel vm5, $0x16700, v4;
	v6 =	vsel vm5, $0x16780, v6;
	v2 =	vsel vm5, $0x16680, v2  }
.Ltmp0:
0x160: {  	s7 =	sshrl.u32 s5, $0x1;
	s1 =	sadd.s32 s1, s6;
	v4 =	vsel vm4, $0x16B00, v4;
	v6 =	vsel vm4, $0x16B80, v6;
	v2 =	vsel vm4, $0x16A80, v2;
	(pc) =	sbr.rel .LBB2_1-.Ltmp0, $4  }
0x161: {  	s3 =	sadd.s32 s3, s4;
	_ =	strace $0x80000047;
	[dreg:$0x5] =	wrdreg s1;
	v4 =	vsel vm3, $0x16F00, v4;
	v6 =	vsel vm3, $0x16F80, v6;
	v2 =	vsel vm3, $0x16E80, v2  }
0x162: {  	s5 =	ssub.s32 s5, s7;
	s30 =	sadd.s32 $0x8000, s3;
	[dreg:$0x4] =	wrdreg s3;
	v4 =	vsel vm1, $0x17300, v4;
	v6 =	vsel vm1, $0x17380, v6;
	v2 =	vsel vm1, $0x17280, v2  }
0x163: {  	s15 =	simm.s32 $0x2;
	s31 =	smax.u32 s5, $0x1;
	[dreg:$0x6] =	wrdreg s30;
	v4 =	vsel vm0, $0x17700, v4;
	v6 =	vsel vm0, $0x17780, v6;
	v2 =	vsel vm0, $0x17680, v2  }
0x164: {  	s16 =	simm.s32 $0x3;
	[dreg:$0x7] =	wrdreg s31;
	s1 =	simm.s32 $0x0;
	v4 =	vsel vm2, $0x17B00, v4;
	v6 =	vsel vm2, $0x17B80, v6;
	v2 =	vsel vm2, $0x17A80, v2  }
.LBB2_8:
0x165: {  	s17 =	rddreg [dreg:$0x4]  }
0x166: {  	[hbm4b:s17+s2] =	stream.linear.scatter [tilespmem:s14], [sflag:$0x4], $0x1000, $0x38;
	[tilespmem:$0x1C200] =	vst v63  }
0x167: {  	s1 =	simm.s32 $0x1A200;
	s18 =	simm.s32 $0x4;
	s17 =	sadd.s32 $0x4000, s17  }
0x168: {  	[hbm4b:s17+s2] =	stream.linear.scatter [tilespmem:s1], [sflag:$0x4], $0x1000, $0x38;
	[tilespmem:$0x1C200] =	vst v63  }
0x169: {  	_ =	swait.ge [sflag:s18], $0x2000  }
0x16a: {  	[sflag:s18] =	ssyncset.done $0x0  }
0x16b: {  	s28 =	simm.s32 $0x19200;
	s26 =	rddreg [dreg:$0x6];
	[sflag:s18] =	ssyncadd.s32 $0xFFFFE000  }
0x16c: {  	[hbm4b:s26+s2] =	stream.linear.scatter [tilespmem:s28], [sflag:$0x4], $0x1000, $0x38;
	[tilespmem:$0x1C200] =	vst v63  }
0x16d: {  	s29 =	simm.s32 $0x1B200;
	s17 =	sadd.s32 $0x4000, s26  }
0x16e: {  	[hbm4b:s17+s2] =	stream.linear.scatter [tilespmem:s29], [sflag:$0x4], $0x1000, $0x38;
	[tilespmem:$0x1C200] =	vst v63  }
0x16f: {  	_ =	swait.ge [sflag:s18], $0x2000  }
0x170: {  	s30 =	rddreg [dreg:$0x8]  }
0x171: {  	s31 =	rddreg [dreg:$0x7];
	s1 =	sadd.s32 $0x1, s30  }
0x172: {  	p0 =	sne.s32 s1, s31  }
.Ltmp1:
0x173: {  	_ = 	snop;
	(pc) =	sbr.rel @!p0 .LBB2_9-.Ltmp1, $3  }
0x174: {  	_ =	sdelay $0x1  }
0x175: {  	[sflag:s18] =	ssyncset.done $0x0  }
0x176: {  	[sflag:s18] =	ssyncadd.s32 $0xFFFFE000  }
.LBB2_1:
0x177: {  	[dreg:$0x8] =	wrdreg s1  }
0x178: {  	s17 =	rddreg [dreg:$0x5]  }
0x179: {  	[tilespmem:s2], [sflag:$0x4] =	stream.linear.gather [hbm4b:s17+s2], $0x200, $0x38;
	[tilespmem:$0x1C200] =	vst v63  }
0x17a: {  	_ =	swait.ge [sflag:s18], $0x200  }
0x17b: {  	[sflag:s18] =	ssyncset.done $0x0  }
0x17c: {  	[sflag:s18] =	ssyncadd.s32 $0xFFFFFE00  }
0x17d: {  	v12 =	vld.idx.msk [tilespmem:v0+s2+$0x0], $0xffff;
	_ =	sdelay $0x4  }
0x17e: {  	v12 =	vand.u32 $0xFFFFFF80, v12  }
0x17f: {  	v12 =	vadd.s32 s0, v12  }
0x180: {  	(v2sf) =	vpush v12, $0x0;
	_ =	sdelay $0x7  }
0x181: {  	(v2sf) =	vpush v12, $0x1;
	_ =	sdelay $0x6  }
0x182: {  	s21 =	spop (v2sf)  }
0x183: {  	(v2sf) =	vpush v12, $0x2;
	[tilespmem:s9], [sflag:$0x1] =	stream.linear.gather [hbm4b:s21+s2], $0x400, $0x38;
	[tilespmem:$0x1C200] =	vst v63  }
0x184: {  	s19 =	simm.s32 $0x6200;
	s22 =	sadd.s32 $0xF4280, s21  }
0x185: {  	[tilespmem:s19], [sflag:$0x1] =	stream.linear.gather [hbm4b:s22+s2], $0x400, $0x38;
	[tilespmem:$0x1C200] =	vst v63  }
0x186: {  	s3 =	simm.s32 $0xC200;
	s23 =	sadd.s32 $0x1E8500, s21  }
0x187: {  	[tilespmem:s3], [sflag:$0x1] =	stream.linear.gather [hbm4b:s23+s2], $0x400, $0x38;
	[tilespmem:$0x1C200] =	vst v63  }
0x188: {  	s4 =	simm.s32 $0x12200;
	s17 =	sadd.s32 $0x2DC780, s21  }
0x189: {  	[tilespmem:s4], [sflag:$0x1] =	stream.linear.gather [hbm4b:s17+s2], $0x400, $0x38;
	[tilespmem:$0x1C200] =	vst v63  }
0x18a: {  	s5 =	simm.s32 $0x600;
	s24 =	spop (v2sf)  }
0x18b: {  	(v2sf) =	vpush v12, $0x3;
	[tilespmem:s5], [sflag:$0x1] =	stream.linear.gather [hbm4b:s24+s2], $0x400, $0x38;
	[tilespmem:$0x1C200] =	vst v63  }
0x18c: {  	s6 =	simm.s32 $0x6600;
	s25 =	sadd.s32 $0xF4280, s24  }
0x18d: {  	[tilespmem:s6], [sflag:$0x1] =	stream.linear.gather [hbm4b:s25+s2], $0x400, $0x38;
	[tilespmem:$0x1C200] =	vst v63  }
0x18e: {  	s7 =	simm.s32 $0xC600;
	s26 =	sadd.s32 $0x1E8500, s24  }
0x18f: {  	[tilespmem:s7], [sflag:$0x1] =	stream.linear.gather [hbm4b:s26+s2], $0x400, $0x38;
	[tilespmem:$0x1C200] =	vst v63  }
0x190: {  	s8 =	simm.s32 $0x12600;
	s17 =	sadd.s32 $0x2DC780, s24  }
0x191: {  	[tilespmem:s8], [sflag:$0x1] =	stream.linear.gather [hbm4b:s17+s2], $0x400, $0x38;
	[tilespmem:$0x1C200] =	vst v63  }
0x192: {  	s10 =	simm.s32 $0xA00;
	s1 =	spop (v2sf)  }
0x193: {  	(v2sf) =	vpush v12, $0x4;
	[tilespmem:s10], [sflag:$0x1] =	stream.linear.gather [hbm4b:s1+s2], $0x400, $0x38;
	[tilespmem:$0x1C200] =	vst v63  }
0x194: {  	s11 =	simm.s32 $0x6A00;
	s12 =	sadd.s32 $0xF4280, s1  }
0x195: {  	[tilespmem:s11], [sflag:$0x1] =	stream.linear.gather [hbm4b:s12+s2], $0x400, $0x38;
	[tilespmem:$0x1C200] =	vst v63  }
0x196: {  	s20 =	sadd.s32 $0x1E8500, s1;
	s12 =	simm.s32 $0xCA00  }
0x197: {  	[tilespmem:s12], [sflag:$0x1] =	stream.linear.gather [hbm4b:s20+s2], $0x400, $0x38;
	[tilespmem:$0x1C200] =	vst v63  }
0x198: {  	s17 =	sadd.s32 $0x2DC780, s1;
	s20 =	simm.s32 $0x12A00  }
0x199: {  	[tilespmem:s20], [sflag:$0x1] =	stream.linear.gather [hbm4b:s17+s2], $0x400, $0x38;
	[tilespmem:$0x1C200] =	vst v63  }
0x19a: {  	s22 =	simm.s32 $0xE00;
	s21 =	spop (v2sf)  }
0x19b: {  	(v2sf) =	vpush v12, $0x5;
	[tilespmem:s22], [sflag:$0x1] =	stream.linear.gather [hbm4b:s21+s2], $0x400, $0x38;
	[tilespmem:$0x1C200] =	vst v63  }
0x19c: {  	s23 =	simm.s32 $0x6E00;
	s25 =	sadd.s32 $0xF4280, s21  }
0x19d: {  	[tilespmem:s23], [sflag:$0x1] =	stream.linear.gather [hbm4b:s25+s2], $0x400, $0x38;
	[tilespmem:$0x1C200] =	vst v63  }
0x19e: {  	s24 =	simm.s32 $0xCE00;
	s26 =	sadd.s32 $0x1E8500, s21  }
0x19f: {  	[tilespmem:s24], [sflag:$0x1] =	stream.linear.gather [hbm4b:s26+s2], $0x400, $0x38;
	[tilespmem:$0x1C200] =	vst v63  }
0x1a0: {  	s17 =	sadd.s32 $0x2DC780, s21;
	s25 =	simm.s32 $0x12E00  }
0x1a1: {  	[tilespmem:s25], [sflag:$0x1] =	stream.linear.gather [hbm4b:s17+s2], $0x400, $0x38;
	[tilespmem:$0x1C200] =	vst v63  }
0x1a2: {  	s26 =	simm.s32 $0x1200;
	s17 =	spop (v2sf)  }
0x1a3: {  	(v2sf) =	vpush v12, $0x6;
	[tilespmem:s26], [sflag:$0x1] =	stream.linear.gather [hbm4b:s17+s2], $0x400, $0x38;
	[tilespmem:$0x1C200] =	vst v63  }
0x1a4: {  	s28 =	simm.s32 $0x7200;
	s1 =	sadd.s32 $0xF4280, s17  }
0x1a5: {  	[tilespmem:s28], [sflag:$0x1] =	stream.linear.gather [hbm4b:s1+s2], $0x400, $0x38;
	[tilespmem:$0x1C200] =	vst v63  }
0x1a6: {  	s29 =	simm.s32 $0xD200;
	s21 =	sadd.s32 $0x1E8500, s17  }
0x1a7: {  	[tilespmem:s29], [sflag:$0x1] =	stream.linear.gather [hbm4b:s21+s2], $0x400, $0x38;
	[tilespmem:$0x1C200] =	vst v63  }
0x1a8: {  	s30 =	simm.s32 $0x13200;
	s17 =	sadd.s32 $0x2DC780, s17  }
0x1a9: {  	[tilespmem:s30], [sflag:$0x1] =	stream.linear.gather [hbm4b:s17+s2], $0x400, $0x38;
	[tilespmem:$0x1C200] =	vst v63  }
0x1aa: {  	s31 =	simm.s32 $0x1600;
	s17 =	spop (v2sf)  }
0x1ab: {  	(v2sf) =	vpush v12, $0x7;
	[tilespmem:s31], [sflag:$0x1] =	stream.linear.gather [hbm4b:s17+s2], $0x400, $0x38;
	[tilespmem:$0x1C200] =	vst v63  }
0x1ac: {  	s21 =	simm.s32 $0x7600;
	s1 =	sadd.s32 $0xF4280, s17  }
0x1ad: {  	[tilespmem:s21], [sflag:$0x1] =	stream.linear.gather [hbm4b:s1+s2], $0x400, $0x38;
	[tilespmem:$0x1C200] =	vst v63  }
0x1ae: {  	s1 =	sadd.s32 $0x1E8500, s17;
	s21 =	simm.s32 $0xD600  }
0x1af: {  	[tilespmem:s21], [sflag:$0x1] =	stream.linear.gather [hbm4b:s1+s2], $0x400, $0x38;
	[tilespmem:$0x1C200] =	vst v63  }
0x1b0: {  	s17 =	sadd.s32 $0x2DC780, s17;
	s21 =	simm.s32 $0x13600  }
0x1b1: {  	[tilespmem:s21], [sflag:$0x1] =	stream.linear.gather [hbm4b:s17+s2], $0x400, $0x38;
	[tilespmem:$0x1C200] =	vst v63  }
0x1b2: {  	s18 =	simm.s32 $0x1A00;
	s17 =	spop (v2sf)  }
0x1b3: {  	[tilespmem:s18], [sflag:$0x1] =	stream.linear.gather [hbm4b:s17+s2], $0x400, $0x38;
	[tilespmem:$0x1C200] =	vst v63  }
0x1b4: {  	s1 =	simm.s32 $0x7A00;
	s18 =	sadd.s32 $0xF4280, s17  }
0x1b5: {  	[tilespmem:s1], [sflag:$0x1] =	stream.linear.gather [hbm4b:s18+s2], $0x400, $0x38;
	[tilespmem:$0x1C200] =	vst v63  }
0x1b6: {  	s18 =	sadd.s32 $0x1E8500, s17;
	s1 =	simm.s32 $0xDA00  }
0x1b7: {  	[tilespmem:s1], [sflag:$0x1] =	stream.linear.gather [hbm4b:s18+s2], $0x400, $0x38;
	[tilespmem:$0x1C200] =	vst v63  }
0x1b8: {  	s17 =	sadd.s32 $0x2DC780, s17;
	s18 =	simm.s32 $0x13A00  }
0x1b9: {  	[tilespmem:s18], [sflag:$0x1] =	stream.linear.gather [hbm4b:s17+s2], $0x400, $0x38;
	[tilespmem:$0x1C200] =	vst v63  }
0x1ba: {  	s17 =	spop (v2sf);
	s18 =	simm.s32 $0x1E00  }
0x1bb: {  	[tilespmem:s18], [sflag:$0x1] =	stream.linear.gather [hbm4b:s17+s2], $0x400, $0x38;
	[tilespmem:$0x1C200] =	vst v63  }
0x1bc: {  	s1 =	simm.s32 $0x7E00;
	s18 =	sadd.s32 $0xF4280, s17  }
0x1bd: {  	[tilespmem:s1], [sflag:$0x1] =	stream.linear.gather [hbm4b:s18+s2], $0x400, $0x38;
	[tilespmem:$0x1C200] =	vst v63  }
0x1be: {  	s18 =	sadd.s32 $0x1E8500, s17;
	s1 =	simm.s32 $0xDE00  }
0x1bf: {  	[tilespmem:s1], [sflag:$0x1] =	stream.linear.gather [hbm4b:s18+s2], $0x400, $0x38;
	[tilespmem:$0x1C200] =	vst v63  }
0x1c0: {  	s17 =	sadd.s32 $0x2DC780, s17;
	s18 =	simm.s32 $0x13E00  }
0x1c1: {  	[tilespmem:s18], [sflag:$0x1] =	stream.linear.gather [hbm4b:s17+s2], $0x400, $0x38;
	[tilespmem:$0x1C200] =	vst v63  }
0x1c2: {  	v12 =	vld.idx.msk [tilespmem:v8+s2+$0x0], $0xffff;
	_ =	sdelay $0x4  }
0x1c3: {  	v12 =	vand.u32 $0xFFFFFF80, v12  }
0x1c4: {  	v12 =	vadd.s32 s0, v12  }
0x1c5: {  	(v2sf) =	vpush v12, $0x0;
	_ =	sdelay $0x7  }
0x1c6: {  	(v2sf) =	vpush v12, $0x1;
	_ =	sdelay $0x6  }
0x1c7: {  	s18 =	simm.s32 $0x2200;
	s17 =	spop (v2sf)  }
0x1c8: {  	(v2sf) =	vpush v12, $0x2;
	[tilespmem:s18], [sflag:$0x2] =	stream.linear.gather [hbm4b:s17+s2], $0x400, $0x38;
	[tilespmem:$0x1C200] =	vst v63  }
0x1c9: {  	s1 =	simm.s32 $0x8200;
	s18 =	sadd.s32 $0xF4280, s17  }
0x1ca: {  	[tilespmem:s1], [sflag:$0x2] =	stream.linear.gather [hbm4b:s18+s2], $0x400, $0x38;
	[tilespmem:$0x1C200] =	vst v63  }
0x1cb: {  	s18 =	sadd.s32 $0x1E8500, s17;
	s1 =	simm.s32 $0xE200  }
0x1cc: {  	[tilespmem:s1], [sflag:$0x2] =	stream.linear.gather [hbm4b:s18+s2], $0x400, $0x38;
	[tilespmem:$0x1C200] =	vst v63  }
0x1cd: {  	s17 =	sadd.s32 $0x2DC780, s17;
	s18 =	simm.s32 $0x14200  }
0x1ce: {  	[tilespmem:s18], [sflag:$0x2] =	stream.linear.gather [hbm4b:s17+s2], $0x400, $0x38;
	[tilespmem:$0x1C200] =	vst v63  }
0x1cf: {  	s17 =	spop (v2sf);
	s18 =	simm.s32 $0x2600  }
0x1d0: {  	(v2sf) =	vpush v12, $0x3;
	[tilespmem:s18], [sflag:$0x2] =	stream.linear.gather [hbm4b:s17+s2], $0x400, $0x38;
	[tilespmem:$0x1C200] =	vst v63  }
0x1d1: {  	s1 =	simm.s32 $0x8600;
	s18 =	sadd.s32 $0xF4280, s17  }
0x1d2: {  	[tilespmem:s1], [sflag:$0x2] =	stream.linear.gather [hbm4b:s18+s2], $0x400, $0x38;
	[tilespmem:$0x1C200] =	vst v63  }
0x1d3: {  	s18 =	sadd.s32 $0x1E8500, s17;
	s1 =	simm.s32 $0xE600  }
0x1d4: {  	[tilespmem:s1], [sflag:$0x2] =	stream.linear.gather [hbm4b:s18+s2], $0x400, $0x38;
	[tilespmem:$0x1C200] =	vst v63  }
0x1d5: {  	s17 =	sadd.s32 $0x2DC780, s17;
	s18 =	simm.s32 $0x14600  }
0x1d6: {  	[tilespmem:s18], [sflag:$0x2] =	stream.linear.gather [hbm4b:s17+s2], $0x400, $0x38;
	[tilespmem:$0x1C200] =	vst v63  }
0x1d7: {  	s17 =	spop (v2sf);
	s18 =	simm.s32 $0x2A00  }
0x1d8: {  	(v2sf) =	vpush v12, $0x4;
	[tilespmem:s18], [sflag:$0x2] =	stream.linear.gather [hbm4b:s17+s2], $0x400, $0x38;
	[tilespmem:$0x1C200] =	vst v63  }
0x1d9: {  	s1 =	simm.s32 $0x8A00;
	s18 =	sadd.s32 $0xF4280, s17  }
0x1da: {  	[tilespmem:s1], [sflag:$0x2] =	stream.linear.gather [hbm4b:s18+s2], $0x400, $0x38;
	[tilespmem:$0x1C200] =	vst v63  }
0x1db: {  	s18 =	sadd.s32 $0x1E8500, s17;
	s1 =	simm.s32 $0xEA00  }
0x1dc: {  	[tilespmem:s1], [sflag:$0x2] =	stream.linear.gather [hbm4b:s18+s2], $0x400, $0x38;
	[tilespmem:$0x1C200] =	vst v63  }
0x1dd: {  	s17 =	sadd.s32 $0x2DC780, s17;
	s18 =	simm.s32 $0x14A00  }
0x1de: {  	[tilespmem:s18], [sflag:$0x2] =	stream.linear.gather [hbm4b:s17+s2], $0x400, $0x38;
	[tilespmem:$0x1C200] =	vst v63  }
0x1df: {  	s17 =	spop (v2sf);
	s18 =	simm.s32 $0x2E00  }
0x1e0: {  	(v2sf) =	vpush v12, $0x5;
	[tilespmem:s18], [sflag:$0x2] =	stream.linear.gather [hbm4b:s17+s2], $0x400, $0x38;
	[tilespmem:$0x1C200] =	vst v63  }
0x1e1: {  	s1 =	simm.s32 $0x8E00;
	s18 =	sadd.s32 $0xF4280, s17  }
0x1e2: {  	[tilespmem:s1], [sflag:$0x2] =	stream.linear.gather [hbm4b:s18+s2], $0x400, $0x38;
	[tilespmem:$0x1C200] =	vst v63  }
0x1e3: {  	s18 =	sadd.s32 $0x1E8500, s17;
	s1 =	simm.s32 $0xEE00  }
0x1e4: {  	[tilespmem:s1], [sflag:$0x2] =	stream.linear.gather [hbm4b:s18+s2], $0x400, $0x38;
	[tilespmem:$0x1C200] =	vst v63  }
0x1e5: {  	s17 =	sadd.s32 $0x2DC780, s17;
	s18 =	simm.s32 $0x14E00  }
0x1e6: {  	[tilespmem:s18], [sflag:$0x2] =	stream.linear.gather [hbm4b:s17+s2], $0x400, $0x38;
	[tilespmem:$0x1C200] =	vst v63  }
0x1e7: {  	s17 =	spop (v2sf);
	s18 =	simm.s32 $0x3200  }
0x1e8: {  	(v2sf) =	vpush v12, $0x6;
	[tilespmem:s18], [sflag:$0x2] =	stream.linear.gather [hbm4b:s17+s2], $0x400, $0x38;
	[tilespmem:$0x1C200] =	vst v63  }
0x1e9: {  	s1 =	simm.s32 $0x9200;
	s18 =	sadd.s32 $0xF4280, s17  }
0x1ea: {  	[tilespmem:s1], [sflag:$0x2] =	stream.linear.gather [hbm4b:s18+s2], $0x400, $0x38;
	[tilespmem:$0x1C200] =	vst v63  }
0x1eb: {  	s18 =	sadd.s32 $0x1E8500, s17;
	s1 =	simm.s32 $0xF200  }
0x1ec: {  	[tilespmem:s1], [sflag:$0x2] =	stream.linear.gather [hbm4b:s18+s2], $0x400, $0x38;
	[tilespmem:$0x1C200] =	vst v63  }
0x1ed: {  	s17 =	sadd.s32 $0x2DC780, s17;
	s18 =	simm.s32 $0x15200  }
0x1ee: {  	[tilespmem:s18], [sflag:$0x2] =	stream.linear.gather [hbm4b:s17+s2], $0x400, $0x38;
	[tilespmem:$0x1C200] =	vst v63  }
0x1ef: {  	s17 =	spop (v2sf);
	s18 =	simm.s32 $0x3600  }
0x1f0: {  	(v2sf) =	vpush v12, $0x7;
	[tilespmem:s18], [sflag:$0x2] =	stream.linear.gather [hbm4b:s17+s2], $0x400, $0x38;
	[tilespmem:$0x1C200] =	vst v63  }
0x1f1: {  	s1 =	simm.s32 $0x9600;
	s18 =	sadd.s32 $0xF4280, s17  }
0x1f2: {  	[tilespmem:s1], [sflag:$0x2] =	stream.linear.gather [hbm4b:s18+s2], $0x400, $0x38;
	[tilespmem:$0x1C200] =	vst v63  }
0x1f3: {  	s18 =	sadd.s32 $0x1E8500, s17;
	s1 =	simm.s32 $0xF600  }
0x1f4: {  	[tilespmem:s1], [sflag:$0x2] =	stream.linear.gather [hbm4b:s18+s2], $0x400, $0x38;
	[tilespmem:$0x1C200] =	vst v63  }
0x1f5: {  	s17 =	sadd.s32 $0x2DC780, s17;
	s18 =	simm.s32 $0x15600  }
0x1f6: {  	[tilespmem:s18], [sflag:$0x2] =	stream.linear.gather [hbm4b:s17+s2], $0x400, $0x38;
	[tilespmem:$0x1C200] =	vst v63  }
0x1f7: {  	s17 =	spop (v2sf);
	s18 =	simm.s32 $0x3A00  }
0x1f8: {  	[tilespmem:s18], [sflag:$0x2] =	stream.linear.gather [hbm4b:s17+s2], $0x400, $0x38;
	[tilespmem:$0x1C200] =	vst v63  }
0x1f9: {  	s1 =	simm.s32 $0x9A00;
	s18 =	sadd.s32 $0xF4280, s17  }
0x1fa: {  	[tilespmem:s1], [sflag:$0x2] =	stream.linear.gather [hbm4b:s18+s2], $0x400, $0x38;
	[tilespmem:$0x1C200] =	vst v63  }
0x1fb: {  	s18 =	sadd.s32 $0x1E8500, s17;
	s1 =	simm.s32 $0xFA00  }
0x1fc: {  	[tilespmem:s1], [sflag:$0x2] =	stream.linear.gather [hbm4b:s18+s2], $0x400, $0x38;
	[tilespmem:$0x1C200] =	vst v63  }
0x1fd: {  	s17 =	sadd.s32 $0x2DC780, s17;
	s18 =	simm.s32 $0x15A00  }
0x1fe: {  	[tilespmem:s18], [sflag:$0x2] =	stream.linear.gather [hbm4b:s17+s2], $0x400, $0x38;
	[tilespmem:$0x1C200] =	vst v63  }
0x1ff: {  	s17 =	spop (v2sf);
	s18 =	simm.s32 $0x3E00  }
0x200: {  	[tilespmem:s18], [sflag:$0x2] =	stream.linear.gather [hbm4b:s17+s2], $0x400, $0x38;
	[tilespmem:$0x1C200] =	vst v63  }
0x201: {  	s1 =	simm.s32 $0x9E00;
	s18 =	sadd.s32 $0xF4280, s17  }
0x202: {  	[tilespmem:s1], [sflag:$0x2] =	stream.linear.gather [hbm4b:s18+s2], $0x400, $0x38;
	[tilespmem:$0x1C200] =	vst v63  }
0x203: {  	s18 =	sadd.s32 $0x1E8500, s17;
	s1 =	simm.s32 $0xFE00  }
0x204: {  	[tilespmem:s1], [sflag:$0x2] =	stream.linear.gather [hbm4b:s18+s2], $0x400, $0x38;
	[tilespmem:$0x1C200] =	vst v63  }
0x205: {  	s17 =	sadd.s32 $0x2DC780, s17;
	s18 =	simm.s32 $0x15E00  }
0x206: {  	[tilespmem:s18], [sflag:$0x2] =	stream.linear.gather [hbm4b:s17+s2], $0x400, $0x38;
	[tilespmem:$0x1C200] =	vst v63  }
0x207: {  	v12 =	vld.idx.msk [tilespmem:v10+s2+$0x0], $0xffff;
	_ =	sdelay $0x4  }
0x208: {  	v12 =	vand.u32 $0xFFFFFF80, v12  }
0x209: {  	v12 =	vadd.s32 s0, v12  }
0x20a: {  	(v2sf) =	vpush v12, $0x0;
	_ =	sdelay $0x7  }
0x20b: {  	(v2sf) =	vpush v12, $0x1;
	_ =	sdelay $0x6  }
0x20c: {  	s18 =	simm.s32 $0x4200;
	s17 =	spop (v2sf)  }
0x20d: {  	(v2sf) =	vpush v12, $0x2;
	[tilespmem:s18], [sflag:$0x3] =	stream.linear.gather [hbm4b:s17+s2], $0x400, $0x38;
	[tilespmem:$0x1C200] =	vst v63  }
0x20e: {  	s1 =	simm.s32 $0xA200;
	s18 =	sadd.s32 $0xF4280, s17  }
0x20f: {  	[tilespmem:s1], [sflag:$0x3] =	stream.linear.gather [hbm4b:s18+s2], $0x400, $0x38;
	[tilespmem:$0x1C200] =	vst v63  }
0x210: {  	s18 =	sadd.s32 $0x1E8500, s17;
	s1 =	simm.s32 $0x10200  }
0x211: {  	[tilespmem:s1], [sflag:$0x3] =	stream.linear.gather [hbm4b:s18+s2], $0x400, $0x38;
	[tilespmem:$0x1C200] =	vst v63  }
0x212: {  	s17 =	sadd.s32 $0x2DC780, s17;
	s18 =	simm.s32 $0x16200  }
0x213: {  	[tilespmem:s18], [sflag:$0x3] =	stream.linear.gather [hbm4b:s17+s2], $0x400, $0x38;
	[tilespmem:$0x1C200] =	vst v63  }
0x214: {  	s17 =	spop (v2sf);
	s18 =	simm.s32 $0x4600  }
0x215: {  	(v2sf) =	vpush v12, $0x3;
	[tilespmem:s18], [sflag:$0x3] =	stream.linear.gather [hbm4b:s17+s2], $0x400, $0x38;
	[tilespmem:$0x1C200] =	vst v63  }
0x216: {  	s1 =	simm.s32 $0xA600;
	s18 =	sadd.s32 $0xF4280, s17  }
0x217: {  	[tilespmem:s1], [sflag:$0x3] =	stream.linear.gather [hbm4b:s18+s2], $0x400, $0x38;
	[tilespmem:$0x1C200] =	vst v63  }
0x218: {  	s18 =	sadd.s32 $0x1E8500, s17;
	s1 =	simm.s32 $0x10600  }
0x219: {  	[tilespmem:s1], [sflag:$0x3] =	stream.linear.gather [hbm4b:s18+s2], $0x400, $0x38;
	[tilespmem:$0x1C200] =	vst v63  }
0x21a: {  	s17 =	sadd.s32 $0x2DC780, s17;
	s18 =	simm.s32 $0x16600  }
0x21b: {  	[tilespmem:s18], [sflag:$0x3] =	stream.linear.gather [hbm4b:s17+s2], $0x400, $0x38;
	[tilespmem:$0x1C200] =	vst v63  }
0x21c: {  	s17 =	spop (v2sf);
	s18 =	simm.s32 $0x4A00  }
0x21d: {  	(v2sf) =	vpush v12, $0x4;
	[tilespmem:s18], [sflag:$0x3] =	stream.linear.gather [hbm4b:s17+s2], $0x400, $0x38;
	[tilespmem:$0x1C200] =	vst v63  }
0x21e: {  	s1 =	simm.s32 $0xAA00;
	s18 =	sadd.s32 $0xF4280, s17  }
0x21f: {  	[tilespmem:s1], [sflag:$0x3] =	stream.linear.gather [hbm4b:s18+s2], $0x400, $0x38;
	[tilespmem:$0x1C200] =	vst v63  }
0x220: {  	s18 =	sadd.s32 $0x1E8500, s17;
	s1 =	simm.s32 $0x10A00  }
0x221: {  	[tilespmem:s1], [sflag:$0x3] =	stream.linear.gather [hbm4b:s18+s2], $0x400, $0x38;
	[tilespmem:$0x1C200] =	vst v63  }
0x222: {  	s17 =	sadd.s32 $0x2DC780, s17;
	s18 =	simm.s32 $0x16A00  }
0x223: {  	[tilespmem:s18], [sflag:$0x3] =	stream.linear.gather [hbm4b:s17+s2], $0x400, $0x38;
	[tilespmem:$0x1C200] =	vst v63  }
0x224: {  	s17 =	spop (v2sf);
	s18 =	simm.s32 $0x4E00  }
0x225: {  	(v2sf) =	vpush v12, $0x5;
	[tilespmem:s18], [sflag:$0x3] =	stream.linear.gather [hbm4b:s17+s2], $0x400, $0x38;
	[tilespmem:$0x1C200] =	vst v63  }
0x226: {  	s1 =	simm.s32 $0xAE00;
	s18 =	sadd.s32 $0xF4280, s17  }
0x227: {  	[tilespmem:s1], [sflag:$0x3] =	stream.linear.gather [hbm4b:s18+s2], $0x400, $0x38;
	[tilespmem:$0x1C200] =	vst v63  }
0x228: {  	s18 =	sadd.s32 $0x1E8500, s17;
	s1 =	simm.s32 $0x10E00  }
0x229: {  	[tilespmem:s1], [sflag:$0x3] =	stream.linear.gather [hbm4b:s18+s2], $0x400, $0x38;
	[tilespmem:$0x1C200] =	vst v63  }
0x22a: {  	s17 =	sadd.s32 $0x2DC780, s17;
	s18 =	simm.s32 $0x16E00  }
0x22b: {  	[tilespmem:s18], [sflag:$0x3] =	stream.linear.gather [hbm4b:s17+s2], $0x400, $0x38;
	[tilespmem:$0x1C200] =	vst v63  }
0x22c: {  	s17 =	spop (v2sf);
	s18 =	simm.s32 $0x5200  }
0x22d: {  	(v2sf) =	vpush v12, $0x6;
	[tilespmem:s18], [sflag:$0x3] =	stream.linear.gather [hbm4b:s17+s2], $0x400, $0x38;
	[tilespmem:$0x1C200] =	vst v63  }
0x22e: {  	s1 =	simm.s32 $0xB200;
	s18 =	sadd.s32 $0xF4280, s17  }
0x22f: {  	[tilespmem:s1], [sflag:$0x3] =	stream.linear.gather [hbm4b:s18+s2], $0x400, $0x38;
	[tilespmem:$0x1C200] =	vst v63  }
0x230: {  	s18 =	sadd.s32 $0x1E8500, s17;
	s1 =	simm.s32 $0x11200  }
0x231: {  	[tilespmem:s1], [sflag:$0x3] =	stream.linear.gather [hbm4b:s18+s2], $0x400, $0x38;
	[tilespmem:$0x1C200] =	vst v63  }
0x232: {  	s17 =	sadd.s32 $0x2DC780, s17;
	s18 =	simm.s32 $0x17200  }
0x233: {  	[tilespmem:s18], [sflag:$0x3] =	stream.linear.gather [hbm4b:s17+s2], $0x400, $0x38;
	[tilespmem:$0x1C200] =	vst v63  }
0x234: {  	s17 =	spop (v2sf);
	s18 =	simm.s32 $0x5600  }
0x235: {  	(v2sf) =	vpush v12, $0x7;
	[tilespmem:s18], [sflag:$0x3] =	stream.linear.gather [hbm4b:s17+s2], $0x400, $0x38;
	[tilespmem:$0x1C200] =	vst v63  }
0x236: {  	s1 =	simm.s32 $0xB600;
	s18 =	sadd.s32 $0xF4280, s17  }
0x237: {  	[tilespmem:s1], [sflag:$0x3] =	stream.linear.gather [hbm4b:s18+s2], $0x400, $0x38;
	[tilespmem:$0x1C200] =	vst v63  }
0x238: {  	s18 =	sadd.s32 $0x1E8500, s17;
	s1 =	simm.s32 $0x11600  }
0x239: {  	[tilespmem:s1], [sflag:$0x3] =	stream.linear.gather [hbm4b:s18+s2], $0x400, $0x38;
	[tilespmem:$0x1C200] =	vst v63  }
0x23a: {  	s17 =	sadd.s32 $0x2DC780, s17;
	s18 =	simm.s32 $0x17600  }
0x23b: {  	[tilespmem:s18], [sflag:$0x3] =	stream.linear.gather [hbm4b:s17+s2], $0x400, $0x38;
	[tilespmem:$0x1C200] =	vst v63  }
0x23c: {  	s17 =	spop (v2sf);
	s18 =	simm.s32 $0x5A00  }
0x23d: {  	[tilespmem:s18], [sflag:$0x3] =	stream.linear.gather [hbm4b:s17+s2], $0x400, $0x38;
	[tilespmem:$0x1C200] =	vst v63  }
0x23e: {  	s1 =	simm.s32 $0xBA00;
	s18 =	sadd.s32 $0xF4280, s17  }
0x23f: {  	[tilespmem:s1], [sflag:$0x3] =	stream.linear.gather [hbm4b:s18+s2], $0x400, $0x38;
	[tilespmem:$0x1C200] =	vst v63  }
0x240: {  	s18 =	sadd.s32 $0x1E8500, s17;
	s1 =	simm.s32 $0x11A00  }
0x241: {  	[tilespmem:s1], [sflag:$0x3] =	stream.linear.gather [hbm4b:s18+s2], $0x400, $0x38;
	[tilespmem:$0x1C200] =	vst v63  }
0x242: {  	s17 =	sadd.s32 $0x2DC780, s17;
	s18 =	simm.s32 $0x17A00  }
0x243: {  	[tilespmem:s18], [sflag:$0x3] =	stream.linear.gather [hbm4b:s17+s2], $0x400, $0x38;
	[tilespmem:$0x1C200] =	vst v63  }
0x244: {  	s17 =	spop (v2sf);
	s18 =	simm.s32 $0x5E00  }
0x245: {  	[tilespmem:s18], [sflag:$0x3] =	stream.linear.gather [hbm4b:s17+s2], $0x400, $0x38;
	[tilespmem:$0x1C200] =	vst v63  }
0x246: {  	s1 =	simm.s32 $0xBE00;
	s18 =	sadd.s32 $0xF4280, s17  }
0x247: {  	[tilespmem:s1], [sflag:$0x3] =	stream.linear.gather [hbm4b:s18+s2], $0x400, $0x38;
	[tilespmem:$0x1C200] =	vst v63  }
0x248: {  	s18 =	sadd.s32 $0x1E8500, s17;
	s1 =	simm.s32 $0x11E00  }
0x249: {  	[tilespmem:s1], [sflag:$0x3] =	stream.linear.gather [hbm4b:s18+s2], $0x400, $0x38;
	[tilespmem:$0x1C200] =	vst v63  }
0x24a: {  	s17 =	sadd.s32 $0x2DC780, s17;
	s18 =	simm.s32 $0x17E00  }
0x24b: {  	[tilespmem:s18], [sflag:$0x3] =	stream.linear.gather [hbm4b:s17+s2], $0x400, $0x38;
	[tilespmem:$0x1C200] =	vst v63  }
0x24c: {  	_ =	swait.ge [sflag:s13], $0x8000  }
0x24d: {  	[sflag:s13] =	ssyncset.done $0x0  }
0x24e: {  	[sflag:s13] =	ssyncadd.s32 $0xFFFF8000  }
0x24f: {  	v12 =	vld.idx.msk [tilespmem:v0+s2+$0x0], $0xffff;
	_ =	sdelay $0x4  }
0x250: {  	v12 =	vand.u32 $0x7F, v12  }
0x251: {  	v14 =	vor.u32 v1, v12;
	_ =	sdelay $0x1  }
0x252: {  	v18 =	vld [tilespmem:$0x1FF60];
	_ =	sdelay $0x2  }
0x253: {  	v14 =	vld.idx.msk [tilespmem:v14+s9+$0x0], $0xffff;
	_ =	sdelay $0x2  }
0x254: {  	v16 =	vor.u32 v3, v12;
	_ =	sdelay $0x1  }
0x255: {  	[tilespmem:v18+s14+$0x0] =	vst.idx.msk $0xffff, v14;
	v18 =	vld [tilespmem:$0x1FF70];
	_ =	sdelay $0x2  }
0x256: {  	v14 =	vld.idx.msk [tilespmem:v16+s9+$0x0], $0xffff;
	_ =	sdelay $0x2  }
0x257: {  	v16 =	vor.u32 v5, v12;
	_ =	sdelay $0x1  }
0x258: {  	[tilespmem:v18+s14+$0x0] =	vst.idx.msk $0xffff, v14;
	v18 =	vld [tilespmem:$0x1FF80];
	_ =	sdelay $0x2  }
0x259: {  	v14 =	vld.idx.msk [tilespmem:v16+s9+$0x0], $0xffff;
	_ =	sdelay $0x2  }
0x25a: {  	v16 =	vor.u32 v7, v12;
	_ =	sdelay $0x1  }
0x25b: {  	[tilespmem:v18+s14+$0x0] =	vst.idx.msk $0xffff, v14;
	v18 =	vld [tilespmem:$0x1FF90];
	_ =	sdelay $0x2  }
0x25c: {  	v14 =	vld.idx.msk [tilespmem:v16+s9+$0x0], $0xffff;
	_ =	sdelay $0x2  }
0x25d: {  	v16 =	vor.u32 v9, v12;
	_ =	sdelay $0x1  }
0x25e: {  	[tilespmem:v18+s14+$0x0] =	vst.idx.msk $0xffff, v14;
	v18 =	vld [tilespmem:$0x1FFA0];
	_ =	sdelay $0x2  }
0x25f: {  	v14 =	vld.idx.msk [tilespmem:v16+s9+$0x0], $0xffff;
	_ =	sdelay $0x2  }
0x260: {  	v16 =	vor.u32 v11, v12;
	_ =	sdelay $0x1  }
0x261: {  	[tilespmem:v18+s14+$0x0] =	vst.idx.msk $0xffff, v14;
	v18 =	vld [tilespmem:$0x1FFB0];
	_ =	sdelay $0x2  }
0x262: {  	v14 =	vld.idx.msk [tilespmem:v16+s9+$0x0], $0xffff;
	_ =	sdelay $0x2  }
0x263: {  	v16 =	vor.u32 v13, v12;
	_ =	sdelay $0x1  }
0x264: {  	[tilespmem:v18+s14+$0x0] =	vst.idx.msk $0xffff, v14;
	v18 =	vld [tilespmem:$0x1FFC0];
	_ =	sdelay $0x2  }
0x265: {  	v14 =	vld.idx.msk [tilespmem:v16+s9+$0x0], $0xffff;
	_ =	sdelay $0x2  }
0x266: {  	v16 =	vor.u32 v15, v12;
	_ =	sdelay $0x1  }
0x267: {  	[tilespmem:v18+s14+$0x0] =	vst.idx.msk $0xffff, v14;
	v18 =	vld [tilespmem:$0x1FFD0];
	_ =	sdelay $0x2  }
0x268: {  	v14 =	vld.idx.msk [tilespmem:v16+s9+$0x0], $0xffff;
	_ =	sdelay $0x2  }
0x269: {  	v16 =	vor.u32 v17, v12;
	_ =	sdelay $0x1  }
0x26a: {  	[tilespmem:v18+s14+$0x0] =	vst.idx.msk $0xffff, v14;
	v18 =	vld [tilespmem:$0x1FFE0];
	_ =	sdelay $0x2  }
0x26b: {  	v14 =	vld.idx.msk [tilespmem:v16+s9+$0x0], $0xffff;
	_ =	sdelay $0x2  }
0x26c: {  	v16 =	vor.u32 v19, v12;
	_ =	sdelay $0x1  }
0x26d: {  	[tilespmem:v18+s14+$0x0] =	vst.idx.msk $0xffff, v14;
	v18 =	vld [tilespmem:$0x1FFF0];
	_ =	sdelay $0x2  }
0x26e: {  	v14 =	vld.idx.msk [tilespmem:v16+s9+$0x0], $0xffff  }
0x26f: {  	v16 =	vor.u32 v21, v12;
	_ =	sdelay $0x3  }
0x270: {  	[tilespmem:v18+s14+$0x0] =	vst.idx.msk $0xffff, v14  }
0x271: {  	v14 =	vld.idx.msk [tilespmem:v16+s9+$0x0], $0xffff  }
0x272: {  	v16 =	vor.u32 v23, v12;
	_ =	sdelay $0x3  }
0x273: {  	[tilespmem:v22+s14+$0x0] =	vst.idx.msk $0xffff, v14  }
0x274: {  	v14 =	vld.idx.msk [tilespmem:v16+s9+$0x0], $0xffff  }
0x275: {  	v16 =	vor.u32 v25, v12;
	_ =	sdelay $0x3  }
0x276: {  	[tilespmem:v24+s14+$0x0] =	vst.idx.msk $0xffff, v14  }
0x277: {  	v14 =	vld.idx.msk [tilespmem:v16+s9+$0x0], $0xffff  }
0x278: {  	v16 =	vor.u32 v27, v12;
	_ =	sdelay $0x3  }
0x279: {  	[tilespmem:v26+s14+$0x0] =	vst.idx.msk $0xffff, v14  }
0x27a: {  	v14 =	vld.idx.msk [tilespmem:v16+s9+$0x0], $0xffff  }
0x27b: {  	v16 =	vor.u32 v29, v12;
	_ =	sdelay $0x3  }
0x27c: {  	[tilespmem:v28+s14+$0x0] =	vst.idx.msk $0xffff, v14  }
0x27d: {  	v14 =	vld.idx.msk [tilespmem:v16+s9+$0x0], $0xffff  }
0x27e: {  	v12 =	vor.u32 v31, v12;
	_ =	sdelay $0x3  }
0x27f: {  	[tilespmem:v30+s14+$0x0] =	vst.idx.msk $0xffff, v14  }
0x280: {  	v12 =	vld.idx.msk [tilespmem:v12+s9+$0x0], $0xffff;
	_ =	sdelay $0x4  }
0x281: {  	[tilespmem:v32+s14+$0x0] =	vst.idx.msk $0xffff, v12  }
0x282: {  	v12 =	vld.idx.msk [tilespmem:v33+s2+$0x0], $0xffff;
	_ =	sdelay $0x4  }
0x283: {  	v12 =	vand.u32 $0xFFFFFF80, v12  }
0x284: {  	v12 =	vadd.s32 s0, v12  }
0x285: {  	(v2sf) =	vpush v12, $0x0;
	_ =	sdelay $0x7  }
0x286: {  	(v2sf) =	vpush v12, $0x1;
	_ =	sdelay $0x6  }
0x287: {  	s17 =	spop (v2sf)  }
0x288: {  	(v2sf) =	vpush v12, $0x2;
	[tilespmem:s9], [sflag:$0x1] =	stream.linear.gather [hbm4b:s17+s2], $0x400, $0x38;
	[tilespmem:$0x1C200] =	vst v63  }
0x289: {  	s1 =	sadd.s32 $0xF4280, s17  }
0x28a: {  	[tilespmem:s19], [sflag:$0x1] =	stream.linear.gather [hbm4b:s1+s2], $0x400, $0x38;
	[tilespmem:$0x1C200] =	vst v63  }
0x28b: {  	s1 =	sadd.s32 $0x1E8500, s17  }
0x28c: {  	[tilespmem:s3], [sflag:$0x1] =	stream.linear.gather [hbm4b:s1+s2], $0x400, $0x38;
	[tilespmem:$0x1C200] =	vst v63  }
0x28d: {  	s17 =	sadd.s32 $0x2DC780, s17  }
0x28e: {  	[tilespmem:s4], [sflag:$0x1] =	stream.linear.gather [hbm4b:s17+s2], $0x400, $0x38;
	[tilespmem:$0x1C200] =	vst v63  }
0x28f: {  	s4 =	spop (v2sf)  }
0x290: {  	(v2sf) =	vpush v12, $0x3;
	[tilespmem:s5], [sflag:$0x1] =	stream.linear.gather [hbm4b:s4+s2], $0x400, $0x38;
	[tilespmem:$0x1C200] =	vst v63  }
0x291: {  	s5 =	sadd.s32 $0xF4280, s4  }
0x292: {  	[tilespmem:s6], [sflag:$0x1] =	stream.linear.gather [hbm4b:s5+s2], $0x400, $0x38;
	[tilespmem:$0x1C200] =	vst v63  }
0x293: {  	s6 =	sadd.s32 $0x1E8500, s4  }
0x294: {  	[tilespmem:s7], [sflag:$0x1] =	stream.linear.gather [hbm4b:s6+s2], $0x400, $0x38;
	[tilespmem:$0x1C200] =	vst v63  }
0x295: {  	s17 =	sadd.s32 $0x2DC780, s4  }
0x296: {  	[tilespmem:s8], [sflag:$0x1] =	stream.linear.gather [hbm4b:s17+s2], $0x400, $0x38;
	[tilespmem:$0x1C200] =	vst v63  }
0x297: {  	s8 =	spop (v2sf)  }
0x298: {  	(v2sf) =	vpush v12, $0x4;
	[tilespmem:s10], [sflag:$0x1] =	stream.linear.gather [hbm4b:s8+s2], $0x400, $0x38;
	[tilespmem:$0x1C200] =	vst v63  }
0x299: {  	s10 =	sadd.s32 $0xF4280, s8  }
0x29a: {  	[tilespmem:s11], [sflag:$0x1] =	stream.linear.gather [hbm4b:s10+s2], $0x400, $0x38;
	[tilespmem:$0x1C200] =	vst v63  }
0x29b: {  	s11 =	sadd.s32 $0x1E8500, s8  }
0x29c: {  	[tilespmem:s12], [sflag:$0x1] =	stream.linear.gather [hbm4b:s11+s2], $0x400, $0x38;
	[tilespmem:$0x1C200] =	vst v63  }
0x29d: {  	s17 =	sadd.s32 $0x2DC780, s8  }
0x29e: {  	[tilespmem:s20], [sflag:$0x1] =	stream.linear.gather [hbm4b:s17+s2], $0x400, $0x38;
	[tilespmem:$0x1C200] =	vst v63  }
0x29f: {  	s19 =	spop (v2sf)  }
0x2a0: {  	(v2sf) =	vpush v12, $0x5;
	[tilespmem:s22], [sflag:$0x1] =	stream.linear.gather [hbm4b:s19+s2], $0x400, $0x38;
	[tilespmem:$0x1C200] =	vst v63  }
0x2a1: {  	s20 =	sadd.s32 $0xF4280, s19  }
0x2a2: {  	[tilespmem:s23], [sflag:$0x1] =	stream.linear.gather [hbm4b:s20+s2], $0x400, $0x38;
	[tilespmem:$0x1C200] =	vst v63  }
0x2a3: {  	s22 =	sadd.s32 $0x1E8500, s19  }
0x2a4: {  	[tilespmem:s24], [sflag:$0x1] =	stream.linear.gather [hbm4b:s22+s2], $0x400, $0x38;
	[tilespmem:$0x1C200] =	vst v63  }
0x2a5: {  	s17 =	sadd.s32 $0x2DC780, s19  }
0x2a6: {  	[tilespmem:s25], [sflag:$0x1] =	stream.linear.gather [hbm4b:s17+s2], $0x400, $0x38;
	[tilespmem:$0x1C200] =	vst v63  }
0x2a7: {  	s23 =	spop (v2sf)  }
0x2a8: {  	(v2sf) =	vpush v12, $0x6;
	[tilespmem:s26], [sflag:$0x1] =	stream.linear.gather [hbm4b:s23+s2], $0x400, $0x38;
	[tilespmem:$0x1C200] =	vst v63  }
0x2a9: {  	s24 =	sadd.s32 $0xF4280, s23  }
0x2aa: {  	[tilespmem:s28], [sflag:$0x1] =	stream.linear.gather [hbm4b:s24+s2], $0x400, $0x38;
	[tilespmem:$0x1C200] =	vst v63  }
0x2ab: {  	s1 =	simm.s32 $0xE00;
	s3 =	simm.s32 $0x6E00;
	s25 =	sadd.s32 $0x1E8500, s23  }
0x2ac: {  	[tilespmem:s29], [sflag:$0x1] =	stream.linear.gather [hbm4b:s25+s2], $0x400, $0x38;
	[tilespmem:$0x1C200] =	vst v63  }
0x2ad: {  	s5 =	simm.s32 $0xCE00;
	s4 =	simm.s32 $0x7200;
	s17 =	sadd.s32 $0x2DC780, s23  }
0x2ae: {  	[tilespmem:s30], [sflag:$0x1] =	stream.linear.gather [hbm4b:s17+s2], $0x400, $0x38;
	[tilespmem:$0x1C200] =	vst v63  }
0x2af: {  	s7 =	simm.s32 $0x12E00;
	s6 =	simm.s32 $0x1200;
	s26 =	spop (v2sf)  }
0x2b0: {  	(v2sf) =	vpush v12, $0x7;
	[tilespmem:s31], [sflag:$0x1] =	stream.linear.gather [hbm4b:s26+s2], $0x400, $0x38;
	[tilespmem:$0x1C200] =	vst v63  }
0x2b1: {  	s8 =	simm.s32 $0xD200;
	s20 =	simm.s32 $0x7600;
	s19 =	sadd.s32 $0xF4280, s26  }
0x2b2: {  	[tilespmem:s20], [sflag:$0x1] =	stream.linear.gather [hbm4b:s19+s2], $0x400, $0x38;
	[tilespmem:$0x1C200] =	vst v63  }
0x2b3: {  	s10 =	simm.s32 $0x13200;
	s23 =	simm.s32 $0xD600;
	s22 =	sadd.s32 $0x1E8500, s26  }
0x2b4: {  	[tilespmem:s23], [sflag:$0x1] =	stream.linear.gather [hbm4b:s22+s2], $0x400, $0x38;
	[tilespmem:$0x1C200] =	vst v63  }
0x2b5: {  	s11 =	simm.s32 $0x1600;
	s12 =	simm.s32 $0x7600;
	s17 =	sadd.s32 $0x2DC780, s26  }
0x2b6: {  	[tilespmem:s21], [sflag:$0x1] =	stream.linear.gather [hbm4b:s17+s2], $0x400, $0x38;
	[tilespmem:$0x1C200] =	vst v63  }
0x2b7: {  	s24 =	simm.s32 $0x1A00;
	s28 =	simm.s32 $0x1E00;
	s17 =	spop (v2sf)  }
0x2b8: {  	[tilespmem:s24], [sflag:$0x1] =	stream.linear.gather [hbm4b:s17+s2], $0x400, $0x38;
	[tilespmem:$0x1C200] =	vst v63  }
0x2b9: {  	s29 =	simm.s32 $0x7E00;
	s26 =	simm.s32 $0x7A00;
	s25 =	sadd.s32 $0xF4280, s17  }
0x2ba: {  	[tilespmem:s26], [sflag:$0x1] =	stream.linear.gather [hbm4b:s25+s2], $0x400, $0x38;
	[tilespmem:$0x1C200] =	vst v63  }
0x2bb: {  	s30 =	simm.s32 $0xDE00;
	s21 =	sadd.s32 $0x1E8500, s17;
	s26 =	simm.s32 $0xDA00  }
0x2bc: {  	[tilespmem:s26], [sflag:$0x1] =	stream.linear.gather [hbm4b:s21+s2], $0x400, $0x38;
	[tilespmem:$0x1C200] =	vst v63  }
0x2bd: {  	s31 =	simm.s32 $0x13E00;
	s19 =	simm.s32 $0x13A00;
	s17 =	sadd.s32 $0x2DC780, s17  }
0x2be: {  	[tilespmem:s19], [sflag:$0x1] =	stream.linear.gather [hbm4b:s17+s2], $0x400, $0x38;
	[tilespmem:$0x1C200] =	vst v63  }
0x2bf: {  	s20 =	simm.s32 $0xD600;
	s21 =	simm.s32 $0x1E00;
	s17 =	spop (v2sf)  }
0x2c0: {  	[tilespmem:s21], [sflag:$0x1] =	stream.linear.gather [hbm4b:s17+s2], $0x400, $0x38;
	[tilespmem:$0x1C200] =	vst v63  }
0x2c1: {  	s22 =	simm.s32 $0x13600;
	s19 =	sadd.s32 $0xF4280, s17;
	s21 =	simm.s32 $0x7E00  }
0x2c2: {  	[tilespmem:s21], [sflag:$0x1] =	stream.linear.gather [hbm4b:s19+s2], $0x400, $0x38;
	[tilespmem:$0x1C200] =	vst v63  }
0x2c3: {  	s23 =	simm.s32 $0x1A00;
	s19 =	sadd.s32 $0x1E8500, s17;
	s21 =	simm.s32 $0xDE00  }
0x2c4: {  	[tilespmem:s21], [sflag:$0x1] =	stream.linear.gather [hbm4b:s19+s2], $0x400, $0x38;
	[tilespmem:$0x1C200] =	vst v63  }
0x2c5: {  	s24 =	simm.s32 $0x7A00;
	s17 =	sadd.s32 $0x2DC780, s17;
	s21 =	simm.s32 $0x13E00  }
0x2c6: {  	[tilespmem:s21], [sflag:$0x1] =	stream.linear.gather [hbm4b:s17+s2], $0x400, $0x38;
	[tilespmem:$0x1C200] =	vst v63  }
0x2c7: {  	s25 =	simm.s32 $0xDA00;
	s26 =	simm.s32 $0x13A00;
	s17 =	simm.s32 $0x30  }
.LBB2_2:
0x2c8: {  	s18 =	sadd.s32 $0xFFFFFFD8, s17  }
0x2c9: {  	v12 =	vor.u32 s18, v0;
	_ =	sdelay $0x1  }
0x2ca: {  	_ =	swait.ge [sflag:s15], $0x8000  }
0x2cb: {  	[sflag:s15] =	ssyncset.done $0x0  }
0x2cc: {  	[sflag:s15] =	ssyncadd.s32 $0xFFFF8000  }
0x2cd: {  	v14 =	vld.idx.msk [tilespmem:v12+s2+$0x0], $0xffff;
	_ =	sdelay $0x4  }
0x2ce: {  	v14 =	vand.u32 $0x7F, v14  }
0x2cf: {  	v16 =	vor.u32 v34, v14  }
0x2d0: {  	v18 =	vmov s18  }
0x2d1: {  	v18 =	vshll.u32 v18, $0x3  }
0x2d2: {  	v18 =	vadd.s32 v35, v18  }
0x2d3: {  	v18 =	vand.u32 $0x7FFFFC00, v18;
	v12 =	vand.u32 $0x7F, v12  }
0x2d4: {  	v12 =	vor.u32 v12, v18;
	v16 =	vld.idx.msk [tilespmem:v16+s9+$0x0], $0xffff  }
0x2d5: {  	v18 =	vor.u32 v36, v14;
	_ =	sdelay $0x3  }
0x2d6: {  	[tilespmem:v12+s14+$0x0] =	vst.idx.msk $0xffff, v16  }
0x2d7: {  	v16 =	vld.idx.msk [tilespmem:v18+s9+$0x0], $0xffff;
	v18 =	vor.u32 $0x80, v12  }
0x2d8: {  	v20 =	vor.u32 v37, v14;
	_ =	sdelay $0x3  }
0x2d9: {  	[tilespmem:v18+s14+$0x0] =	vst.idx.msk $0xffff, v16  }
0x2da: {  	v18 =	vor.u32 $0x100, v12;
	v16 =	vld.idx.msk [tilespmem:v20+s9+$0x0], $0xffff  }
0x2db: {  	v20 =	vor.u32 v38, v14;
	_ =	sdelay $0x3  }
0x2dc: {  	[tilespmem:v18+s14+$0x0] =	vst.idx.msk $0xffff, v16  }
0x2dd: {  	v18 =	vor.u32 $0x180, v12;
	v16 =	vld.idx.msk [tilespmem:v20+s9+$0x0], $0xffff  }
0x2de: {  	v20 =	vor.u32 v39, v14;
	_ =	sdelay $0x3  }
0x2df: {  	[tilespmem:v18+s14+$0x0] =	vst.idx.msk $0xffff, v16  }
0x2e0: {  	v18 =	vor.u32 $0x200, v12;
	v16 =	vld.idx.msk [tilespmem:v20+s9+$0x0], $0xffff  }
0x2e1: {  	v20 =	vor.u32 v40, v14;
	_ =	sdelay $0x3  }
0x2e2: {  	[tilespmem:v18+s14+$0x0] =	vst.idx.msk $0xffff, v16  }
0x2e3: {  	v18 =	vor.u32 $0x280, v12;
	v16 =	vld.idx.msk [tilespmem:v20+s9+$0x0], $0xffff  }
0x2e4: {  	v20 =	vor.u32 v41, v14;
	_ =	sdelay $0x3  }
0x2e5: {  	[tilespmem:v18+s14+$0x0] =	vst.idx.msk $0xffff, v16  }
0x2e6: {  	v18 =	vor.u32 $0x300, v12;
	v16 =	vld.idx.msk [tilespmem:v20+s9+$0x0], $0xffff  }
0x2e7: {  	v20 =	vor.u32 v42, v14;
	_ =	sdelay $0x3  }
0x2e8: {  	[tilespmem:v18+s14+$0x0] =	vst.idx.msk $0xffff, v16  }
0x2e9: {  	v18 =	vor.u32 $0x380, v12;
	v16 =	vld.idx.msk [tilespmem:v20+s9+$0x0], $0xffff  }
0x2ea: {  	v20 =	vor.u32 v43, v14;
	_ =	sdelay $0x3  }
0x2eb: {  	[tilespmem:v18+s14+$0x0] =	vst.idx.msk $0xffff, v16  }
0x2ec: {  	v18 =	vadd.s32 $0x2000, v12;
	v16 =	vld.idx.msk [tilespmem:v20+s9+$0x0], $0xffff  }
0x2ed: {  	v20 =	vor.u32 v44, v14;
	_ =	sdelay $0x3  }
0x2ee: {  	[tilespmem:v18+s14+$0x0] =	vst.idx.msk $0xffff, v16  }
0x2ef: {  	v18 =	vadd.s32 $0x2080, v12;
	v16 =	vld.idx.msk [tilespmem:v20+s9+$0x0], $0xffff  }
0x2f0: {  	v20 =	vor.u32 v45, v14;
	_ =	sdelay $0x3  }
0x2f1: {  	[tilespmem:v18+s14+$0x0] =	vst.idx.msk $0xffff, v16  }
0x2f2: {  	v18 =	vadd.s32 $0x2100, v12;
	v16 =	vld.idx.msk [tilespmem:v20+s9+$0x0], $0xffff  }
0x2f3: {  	v20 =	vor.u32 v46, v14;
	_ =	sdelay $0x3  }
0x2f4: {  	[tilespmem:v18+s14+$0x0] =	vst.idx.msk $0xffff, v16  }
0x2f5: {  	v18 =	vadd.s32 $0x2180, v12;
	v16 =	vld.idx.msk [tilespmem:v20+s9+$0x0], $0xffff  }
0x2f6: {  	v20 =	vor.u32 v47, v14;
	_ =	sdelay $0x3  }
0x2f7: {  	[tilespmem:v18+s14+$0x0] =	vst.idx.msk $0xffff, v16  }
0x2f8: {  	v18 =	vadd.s32 $0x2200, v12;
	v16 =	vld.idx.msk [tilespmem:v20+s9+$0x0], $0xffff  }
0x2f9: {  	v20 =	vor.u32 v48, v14;
	_ =	sdelay $0x3  }
0x2fa: {  	[tilespmem:v18+s14+$0x0] =	vst.idx.msk $0xffff, v16  }
0x2fb: {  	v18 =	vadd.s32 $0x2280, v12;
	v16 =	vld.idx.msk [tilespmem:v20+s9+$0x0], $0xffff  }
0x2fc: {  	v20 =	vor.u32 v49, v14;
	_ =	sdelay $0x3  }
0x2fd: {  	[tilespmem:v18+s14+$0x0] =	vst.idx.msk $0xffff, v16  }
0x2fe: {  	v18 =	vadd.s32 $0x2300, v12;
	v16 =	vld.idx.msk [tilespmem:v20+s9+$0x0], $0xffff  }
0x2ff: {  	v14 =	vor.u32 v50, v14;
	_ =	sdelay $0x3  }
0x300: {  	[tilespmem:v18+s14+$0x0] =	vst.idx.msk $0xffff, v16  }
0x301: {  	p0 =	seq.s32 s17, $0x210;
	v12 =	vadd.s32 $0x2380, v12;
	v14 =	vld.idx.msk [tilespmem:v14+s9+$0x0], $0xffff  }
.Ltmp2:
0x302: {  	_ = 	snop;
	(pc) =	sbr.rel @p0 .LBB2_4-.Ltmp2, $2  }
0x303: {  	_ =	sdelay $0x2  }
0x304: {  	[tilespmem:v12+s14+$0x0] =	vst.idx.msk $0xffff, v14  }
0x305: {  	s18 =	sadd.s32 $0xFFFFFFF0, s17  }
0x306: {  	v12 =	vor.u32 s18, v0;
	_ =	sdelay $0x4  }
0x307: {  	v12 =	vld.idx.msk [tilespmem:v12+s2+$0x0], $0xffff;
	_ =	sdelay $0x4  }
0x308: {  	v12 =	vand.u32 $0xFFFFFF80, v12  }
0x309: {  	v12 =	vadd.s32 s0, v12  }
0x30a: {  	(v2sf) =	vpush v12, $0x0;
	_ =	sdelay $0x7  }
0x30b: {  	(v2sf) =	vpush v12, $0x1;
	_ =	sdelay $0x6  }
0x30c: {  	s19 =	simm.s32 $0x2200;
	s18 =	spop (v2sf)  }
0x30d: {  	(v2sf) =	vpush v12, $0x2;
	[tilespmem:s19], [sflag:$0x2] =	stream.linear.gather [hbm4b:s18+s2], $0x400, $0x38;
	[tilespmem:$0x1C200] =	vst v63  }
0x30e: {  	s21 =	simm.s32 $0x8200;
	s19 =	sadd.s32 $0xF4280, s18  }
0x30f: {  	[tilespmem:s21], [sflag:$0x2] =	stream.linear.gather [hbm4b:s19+s2], $0x400, $0x38;
	[tilespmem:$0x1C200] =	vst v63  }
0x310: {  	s19 =	sadd.s32 $0x1E8500, s18;
	s21 =	simm.s32 $0xE200  }
0x311: {  	[tilespmem:s21], [sflag:$0x2] =	stream.linear.gather [hbm4b:s19+s2], $0x400, $0x38;
	[tilespmem:$0x1C200] =	vst v63  }
0x312: {  	s18 =	sadd.s32 $0x2DC780, s18;
	s21 =	simm.s32 $0x14200  }
0x313: {  	[tilespmem:s21], [sflag:$0x2] =	stream.linear.gather [hbm4b:s18+s2], $0x400, $0x38;
	[tilespmem:$0x1C200] =	vst v63  }
0x314: {  	s18 =	spop (v2sf);
	s21 =	simm.s32 $0x2600  }
0x315: {  	(v2sf) =	vpush v12, $0x3;
	[tilespmem:s21], [sflag:$0x2] =	stream.linear.gather [hbm4b:s18+s2], $0x400, $0x38;
	[tilespmem:$0x1C200] =	vst v63  }
0x316: {  	s19 =	sadd.s32 $0xF4280, s18;
	s21 =	simm.s32 $0x8600  }
0x317: {  	[tilespmem:s21], [sflag:$0x2] =	stream.linear.gather [hbm4b:s19+s2], $0x400, $0x38;
	[tilespmem:$0x1C200] =	vst v63  }
0x318: {  	s19 =	sadd.s32 $0x1E8500, s18;
	s21 =	simm.s32 $0xE600  }
0x319: {  	[tilespmem:s21], [sflag:$0x2] =	stream.linear.gather [hbm4b:s19+s2], $0x400, $0x38;
	[tilespmem:$0x1C200] =	vst v63  }
0x31a: {  	s18 =	sadd.s32 $0x2DC780, s18;
	s21 =	simm.s32 $0x14600  }
0x31b: {  	[tilespmem:s21], [sflag:$0x2] =	stream.linear.gather [hbm4b:s18+s2], $0x400, $0x38;
	[tilespmem:$0x1C200] =	vst v63  }
0x31c: {  	s18 =	spop (v2sf);
	s21 =	simm.s32 $0x2A00  }
0x31d: {  	(v2sf) =	vpush v12, $0x4;
	[tilespmem:s21], [sflag:$0x2] =	stream.linear.gather [hbm4b:s18+s2], $0x400, $0x38;
	[tilespmem:$0x1C200] =	vst v63  }
0x31e: {  	s19 =	sadd.s32 $0xF4280, s18;
	s21 =	simm.s32 $0x8A00  }
0x31f: {  	[tilespmem:s21], [sflag:$0x2] =	stream.linear.gather [hbm4b:s19+s2], $0x400, $0x38;
	[tilespmem:$0x1C200] =	vst v63  }
0x320: {  	s19 =	sadd.s32 $0x1E8500, s18;
	s21 =	simm.s32 $0xEA00  }
0x321: {  	[tilespmem:s21], [sflag:$0x2] =	stream.linear.gather [hbm4b:s19+s2], $0x400, $0x38;
	[tilespmem:$0x1C200] =	vst v63  }
0x322: {  	s18 =	sadd.s32 $0x2DC780, s18;
	s21 =	simm.s32 $0x14A00  }
0x323: {  	[tilespmem:s21], [sflag:$0x2] =	stream.linear.gather [hbm4b:s18+s2], $0x400, $0x38;
	[tilespmem:$0x1C200] =	vst v63  }
0x324: {  	s18 =	spop (v2sf);
	s21 =	simm.s32 $0x2E00  }
0x325: {  	(v2sf) =	vpush v12, $0x5;
	[tilespmem:s21], [sflag:$0x2] =	stream.linear.gather [hbm4b:s18+s2], $0x400, $0x38;
	[tilespmem:$0x1C200] =	vst v63  }
0x326: {  	s19 =	sadd.s32 $0xF4280, s18;
	s21 =	simm.s32 $0x8E00  }
0x327: {  	[tilespmem:s21], [sflag:$0x2] =	stream.linear.gather [hbm4b:s19+s2], $0x400, $0x38;
	[tilespmem:$0x1C200] =	vst v63  }
0x328: {  	s19 =	sadd.s32 $0x1E8500, s18;
	s21 =	simm.s32 $0xEE00  }
0x329: {  	[tilespmem:s21], [sflag:$0x2] =	stream.linear.gather [hbm4b:s19+s2], $0x400, $0x38;
	[tilespmem:$0x1C200] =	vst v63  }
0x32a: {  	s18 =	sadd.s32 $0x2DC780, s18;
	s21 =	simm.s32 $0x14E00  }
0x32b: {  	[tilespmem:s21], [sflag:$0x2] =	stream.linear.gather [hbm4b:s18+s2], $0x400, $0x38;
	[tilespmem:$0x1C200] =	vst v63  }
0x32c: {  	s18 =	spop (v2sf);
	s21 =	simm.s32 $0x3200  }
0x32d: {  	(v2sf) =	vpush v12, $0x6;
	[tilespmem:s21], [sflag:$0x2] =	stream.linear.gather [hbm4b:s18+s2], $0x400, $0x38;
	[tilespmem:$0x1C200] =	vst v63  }
0x32e: {  	s19 =	sadd.s32 $0xF4280, s18;
	s21 =	simm.s32 $0x9200  }
0x32f: {  	[tilespmem:s21], [sflag:$0x2] =	stream.linear.gather [hbm4b:s19+s2], $0x400, $0x38;
	[tilespmem:$0x1C200] =	vst v63  }
0x330: {  	s19 =	sadd.s32 $0x1E8500, s18;
	s21 =	simm.s32 $0xF200  }
0x331: {  	[tilespmem:s21], [sflag:$0x2] =	stream.linear.gather [hbm4b:s19+s2], $0x400, $0x38;
	[tilespmem:$0x1C200] =	vst v63  }
0x332: {  	s18 =	sadd.s32 $0x2DC780, s18;
	s21 =	simm.s32 $0x15200  }
0x333: {  	[tilespmem:s21], [sflag:$0x2] =	stream.linear.gather [hbm4b:s18+s2], $0x400, $0x38;
	[tilespmem:$0x1C200] =	vst v63  }
0x334: {  	s18 =	spop (v2sf);
	s21 =	simm.s32 $0x3600  }
0x335: {  	(v2sf) =	vpush v12, $0x7;
	[tilespmem:s21], [sflag:$0x2] =	stream.linear.gather [hbm4b:s18+s2], $0x400, $0x38;
	[tilespmem:$0x1C200] =	vst v63  }
0x336: {  	s19 =	sadd.s32 $0xF4280, s18;
	s21 =	simm.s32 $0x9600  }
0x337: {  	[tilespmem:s21], [sflag:$0x2] =	stream.linear.gather [hbm4b:s19+s2], $0x400, $0x38;
	[tilespmem:$0x1C200] =	vst v63  }
0x338: {  	s19 =	sadd.s32 $0x1E8500, s18;
	s21 =	simm.s32 $0xF600  }
0x339: {  	[tilespmem:s21], [sflag:$0x2] =	stream.linear.gather [hbm4b:s19+s2], $0x400, $0x38;
	[tilespmem:$0x1C200] =	vst v63  }
0x33a: {  	s18 =	sadd.s32 $0x2DC780, s18;
	s21 =	simm.s32 $0x15600  }
0x33b: {  	[tilespmem:s21], [sflag:$0x2] =	stream.linear.gather [hbm4b:s18+s2], $0x400, $0x38;
	[tilespmem:$0x1C200] =	vst v63  }
0x33c: {  	s18 =	spop (v2sf);
	s21 =	simm.s32 $0x3A00  }
0x33d: {  	[tilespmem:s21], [sflag:$0x2] =	stream.linear.gather [hbm4b:s18+s2], $0x400, $0x38;
	[tilespmem:$0x1C200] =	vst v63  }
0x33e: {  	s19 =	sadd.s32 $0xF4280, s18;
	s21 =	simm.s32 $0x9A00  }
0x33f: {  	[tilespmem:s21], [sflag:$0x2] =	stream.linear.gather [hbm4b:s19+s2], $0x400, $0x38;
	[tilespmem:$0x1C200] =	vst v63  }
0x340: {  	s19 =	sadd.s32 $0x1E8500, s18;
	s21 =	simm.s32 $0xFA00  }
0x341: {  	[tilespmem:s21], [sflag:$0x2] =	stream.linear.gather [hbm4b:s19+s2], $0x400, $0x38;
	[tilespmem:$0x1C200] =	vst v63  }
0x342: {  	s18 =	sadd.s32 $0x2DC780, s18;
	s21 =	simm.s32 $0x15A00  }
0x343: {  	[tilespmem:s21], [sflag:$0x2] =	stream.linear.gather [hbm4b:s18+s2], $0x400, $0x38;
	[tilespmem:$0x1C200] =	vst v63  }
0x344: {  	s18 =	spop (v2sf);
	s21 =	simm.s32 $0x3E00  }
0x345: {  	[tilespmem:s21], [sflag:$0x2] =	stream.linear.gather [hbm4b:s18+s2], $0x400, $0x38;
	[tilespmem:$0x1C200] =	vst v63  }
0x346: {  	s19 =	sadd.s32 $0xF4280, s18;
	s21 =	simm.s32 $0x9E00  }
0x347: {  	[tilespmem:s21], [sflag:$0x2] =	stream.linear.gather [hbm4b:s19+s2], $0x400, $0x38;
	[tilespmem:$0x1C200] =	vst v63  }
0x348: {  	s19 =	sadd.s32 $0x1E8500, s18;
	s21 =	simm.s32 $0xFE00  }
0x349: {  	[tilespmem:s21], [sflag:$0x2] =	stream.linear.gather [hbm4b:s19+s2], $0x400, $0x38;
	[tilespmem:$0x1C200] =	vst v63  }
0x34a: {  	s18 =	sadd.s32 $0x2DC780, s18;
	s21 =	simm.s32 $0x15E00  }
0x34b: {  	[tilespmem:s21], [sflag:$0x2] =	stream.linear.gather [hbm4b:s18+s2], $0x400, $0x38;
	[tilespmem:$0x1C200] =	vst v63  }
.LBB2_4:
0x34c: {  	s18 =	sadd.s32 $0xFFFFFFE0, s17  }
0x34d: {  	v12 =	vor.u32 s18, v0;
	_ =	sdelay $0x1  }
0x34e: {  	_ =	swait.ge [sflag:s16], $0x8000  }
0x34f: {  	[sflag:s16] =	ssyncset.done $0x0  }
0x350: {  	[sflag:s16] =	ssyncadd.s32 $0xFFFF8000  }
0x351: {  	v14 =	vld.idx.msk [tilespmem:v12+s2+$0x0], $0xffff;
	_ =	sdelay $0x4  }
0x352: {  	v14 =	vand.u32 $0x7F, v14  }
0x353: {  	v16 =	vor.u32 v51, v14  }
0x354: {  	v18 =	vmov s18  }
0x355: {  	v18 =	vshll.u32 v18, $0x3  }
0x356: {  	v18 =	vadd.s32 v35, v18  }
0x357: {  	v18 =	vand.u32 $0x7FFFFC00, v18;
	v12 =	vand.u32 $0x7F, v12  }
0x358: {  	v12 =	vor.u32 v12, v18;
	v16 =	vld.idx.msk [tilespmem:v16+s9+$0x0], $0xffff  }
0x359: {  	v18 =	vor.u32 v52, v14;
	_ =	sdelay $0x3  }
0x35a: {  	[tilespmem:v12+s14+$0x0] =	vst.idx.msk $0xffff, v16  }
0x35b: {  	v16 =	vld.idx.msk [tilespmem:v18+s9+$0x0], $0xffff;
	v18 =	vor.u32 $0x80, v12  }
0x35c: {  	v20 =	vor.u32 v53, v14;
	_ =	sdelay $0x3  }
0x35d: {  	[tilespmem:v18+s14+$0x0] =	vst.idx.msk $0xffff, v16  }
0x35e: {  	v18 =	vor.u32 $0x100, v12;
	v16 =	vld.idx.msk [tilespmem:v20+s9+$0x0], $0xffff  }
0x35f: {  	v20 =	vor.u32 v54, v14;
	_ =	sdelay $0x3  }
0x360: {  	[tilespmem:v18+s14+$0x0] =	vst.idx.msk $0xffff, v16  }
0x361: {  	v18 =	vor.u32 $0x180, v12;
	v16 =	vld.idx.msk [tilespmem:v20+s9+$0x0], $0xffff  }
0x362: {  	v20 =	vor.u32 v55, v14;
	_ =	sdelay $0x3  }
0x363: {  	[tilespmem:v18+s14+$0x0] =	vst.idx.msk $0xffff, v16  }
0x364: {  	v18 =	vor.u32 $0x200, v12;
	v16 =	vld.idx.msk [tilespmem:v20+s9+$0x0], $0xffff  }
0x365: {  	v20 =	vor.u32 v56, v14;
	_ =	sdelay $0x3  }
0x366: {  	[tilespmem:v18+s14+$0x0] =	vst.idx.msk $0xffff, v16  }
0x367: {  	v18 =	vor.u32 $0x280, v12;
	v16 =	vld.idx.msk [tilespmem:v20+s9+$0x0], $0xffff  }
0x368: {  	v20 =	vor.u32 v57, v14;
	_ =	sdelay $0x3  }
0x369: {  	[tilespmem:v18+s14+$0x0] =	vst.idx.msk $0xffff, v16  }
0x36a: {  	v18 =	vor.u32 $0x300, v12;
	v16 =	vld.idx.msk [tilespmem:v20+s9+$0x0], $0xffff  }
0x36b: {  	v20 =	vor.u32 v58, v14;
	_ =	sdelay $0x3  }
0x36c: {  	[tilespmem:v18+s14+$0x0] =	vst.idx.msk $0xffff, v16  }
0x36d: {  	v18 =	vor.u32 $0x380, v12;
	v16 =	vld.idx.msk [tilespmem:v20+s9+$0x0], $0xffff  }
0x36e: {  	v20 =	vor.u32 v59, v14;
	_ =	sdelay $0x3  }
0x36f: {  	[tilespmem:v18+s14+$0x0] =	vst.idx.msk $0xffff, v16  }
0x370: {  	v18 =	vadd.s32 $0x2000, v12;
	v16 =	vld.idx.msk [tilespmem:v20+s9+$0x0], $0xffff  }
0x371: {  	v20 =	vor.u32 v60, v14;
	_ =	sdelay $0x3  }
0x372: {  	[tilespmem:v18+s14+$0x0] =	vst.idx.msk $0xffff, v16  }
0x373: {  	v18 =	vadd.s32 $0x2080, v12;
	v16 =	vld.idx.msk [tilespmem:v20+s9+$0x0], $0xffff  }
0x374: {  	v20 =	vor.u32 v61, v14;
	_ =	sdelay $0x3  }
0x375: {  	[tilespmem:v18+s14+$0x0] =	vst.idx.msk $0xffff, v16  }
0x376: {  	v18 =	vadd.s32 $0x2100, v12;
	v16 =	vld.idx.msk [tilespmem:v20+s9+$0x0], $0xffff  }
0x377: {  	v20 =	vor.u32 v62, v14;
	_ =	sdelay $0x3  }
0x378: {  	[tilespmem:v18+s14+$0x0] =	vst.idx.msk $0xffff, v16  }
0x379: {  	v18 =	vadd.s32 $0x2180, v12;
	v16 =	vld.idx.msk [tilespmem:v20+s9+$0x0], $0xffff  }
0x37a: {  	v20 =	vor.u32 v63, v14;
	_ =	sdelay $0x3  }
0x37b: {  	[tilespmem:v18+s14+$0x0] =	vst.idx.msk $0xffff, v16  }
0x37c: {  	v18 =	vadd.s32 $0x2200, v12;
	v16 =	vld.idx.msk [tilespmem:v20+s9+$0x0], $0xffff  }
0x37d: {  	v20 =	vor.u32 v2, v14;
	_ =	sdelay $0x3  }
0x37e: {  	[tilespmem:v18+s14+$0x0] =	vst.idx.msk $0xffff, v16  }
0x37f: {  	v18 =	vadd.s32 $0x2280, v12;
	v16 =	vld.idx.msk [tilespmem:v20+s9+$0x0], $0xffff  }
0x380: {  	v20 =	vor.u32 v4, v14;
	_ =	sdelay $0x3  }
0x381: {  	[tilespmem:v18+s14+$0x0] =	vst.idx.msk $0xffff, v16  }
0x382: {  	v18 =	vadd.s32 $0x2300, v12;
	v16 =	vld.idx.msk [tilespmem:v20+s9+$0x0], $0xffff  }
0x383: {  	v14 =	vor.u32 v6, v14;
	_ =	sdelay $0x3  }
0x384: {  	[tilespmem:v18+s14+$0x0] =	vst.idx.msk $0xffff, v16  }
0x385: {  	v12 =	vadd.s32 $0x2380, v12;
	v14 =	vld.idx.msk [tilespmem:v14+s9+$0x0], $0xffff  }
.Ltmp3:
0x386: {  	_ = 	snop;
	(pc) =	sbr.rel @p0 .LBB2_6-.Ltmp3, $2  }
0x387: {  	_ =	sdelay $0x2  }
0x388: {  	[tilespmem:v12+s14+$0x0] =	vst.idx.msk $0xffff, v14  }
0x389: {  	s18 =	sadd.s32 $0xFFFFFFF8, s17  }
0x38a: {  	v12 =	vor.u32 s18, v0;
	_ =	sdelay $0x4  }
0x38b: {  	v12 =	vld.idx.msk [tilespmem:v12+s2+$0x0], $0xffff;
	_ =	sdelay $0x4  }
0x38c: {  	v12 =	vand.u32 $0xFFFFFF80, v12  }
0x38d: {  	v12 =	vadd.s32 s0, v12  }
0x38e: {  	(v2sf) =	vpush v12, $0x0;
	_ =	sdelay $0x7  }
0x38f: {  	(v2sf) =	vpush v12, $0x1;
	_ =	sdelay $0x6  }
0x390: {  	s19 =	simm.s32 $0x4200;
	s18 =	spop (v2sf)  }
0x391: {  	(v2sf) =	vpush v12, $0x2;
	[tilespmem:s19], [sflag:$0x3] =	stream.linear.gather [hbm4b:s18+s2], $0x400, $0x38;
	[tilespmem:$0x1C200] =	vst v63  }
0x392: {  	s21 =	simm.s32 $0xA200;
	s19 =	sadd.s32 $0xF4280, s18  }
0x393: {  	[tilespmem:s21], [sflag:$0x3] =	stream.linear.gather [hbm4b:s19+s2], $0x400, $0x38;
	[tilespmem:$0x1C200] =	vst v63  }
0x394: {  	s19 =	sadd.s32 $0x1E8500, s18;
	s21 =	simm.s32 $0x10200  }
0x395: {  	[tilespmem:s21], [sflag:$0x3] =	stream.linear.gather [hbm4b:s19+s2], $0x400, $0x38;
	[tilespmem:$0x1C200] =	vst v63  }
0x396: {  	s18 =	sadd.s32 $0x2DC780, s18;
	s21 =	simm.s32 $0x16200  }
0x397: {  	[tilespmem:s21], [sflag:$0x3] =	stream.linear.gather [hbm4b:s18+s2], $0x400, $0x38;
	[tilespmem:$0x1C200] =	vst v63  }
0x398: {  	s18 =	spop (v2sf);
	s21 =	simm.s32 $0x4600  }
0x399: {  	(v2sf) =	vpush v12, $0x3;
	[tilespmem:s21], [sflag:$0x3] =	stream.linear.gather [hbm4b:s18+s2], $0x400, $0x38;
	[tilespmem:$0x1C200] =	vst v63  }
0x39a: {  	s19 =	sadd.s32 $0xF4280, s18;
	s21 =	simm.s32 $0xA600  }
0x39b: {  	[tilespmem:s21], [sflag:$0x3] =	stream.linear.gather [hbm4b:s19+s2], $0x400, $0x38;
	[tilespmem:$0x1C200] =	vst v63  }
0x39c: {  	s19 =	sadd.s32 $0x1E8500, s18;
	s21 =	simm.s32 $0x10600  }
0x39d: {  	[tilespmem:s21], [sflag:$0x3] =	stream.linear.gather [hbm4b:s19+s2], $0x400, $0x38;
	[tilespmem:$0x1C200] =	vst v63  }
0x39e: {  	s18 =	sadd.s32 $0x2DC780, s18;
	s21 =	simm.s32 $0x16600  }
0x39f: {  	[tilespmem:s21], [sflag:$0x3] =	stream.linear.gather [hbm4b:s18+s2], $0x400, $0x38;
	[tilespmem:$0x1C200] =	vst v63  }
0x3a0: {  	s18 =	spop (v2sf);
	s21 =	simm.s32 $0x4A00  }
0x3a1: {  	(v2sf) =	vpush v12, $0x4;
	[tilespmem:s21], [sflag:$0x3] =	stream.linear.gather [hbm4b:s18+s2], $0x400, $0x38;
	[tilespmem:$0x1C200] =	vst v63  }
0x3a2: {  	s19 =	sadd.s32 $0xF4280, s18;
	s21 =	simm.s32 $0xAA00  }
0x3a3: {  	[tilespmem:s21], [sflag:$0x3] =	stream.linear.gather [hbm4b:s19+s2], $0x400, $0x38;
	[tilespmem:$0x1C200] =	vst v63  }
0x3a4: {  	s19 =	sadd.s32 $0x1E8500, s18;
	s21 =	simm.s32 $0x10A00  }
0x3a5: {  	[tilespmem:s21], [sflag:$0x3] =	stream.linear.gather [hbm4b:s19+s2], $0x400, $0x38;
	[tilespmem:$0x1C200] =	vst v63  }
0x3a6: {  	s18 =	sadd.s32 $0x2DC780, s18;
	s21 =	simm.s32 $0x16A00  }
0x3a7: {  	[tilespmem:s21], [sflag:$0x3] =	stream.linear.gather [hbm4b:s18+s2], $0x400, $0x38;
	[tilespmem:$0x1C200] =	vst v63  }
0x3a8: {  	s18 =	spop (v2sf);
	s21 =	simm.s32 $0x4E00  }
0x3a9: {  	(v2sf) =	vpush v12, $0x5;
	[tilespmem:s21], [sflag:$0x3] =	stream.linear.gather [hbm4b:s18+s2], $0x400, $0x38;
	[tilespmem:$0x1C200] =	vst v63  }
0x3aa: {  	s19 =	sadd.s32 $0xF4280, s18;
	s21 =	simm.s32 $0xAE00  }
0x3ab: {  	[tilespmem:s21], [sflag:$0x3] =	stream.linear.gather [hbm4b:s19+s2], $0x400, $0x38;
	[tilespmem:$0x1C200] =	vst v63  }
0x3ac: {  	s19 =	sadd.s32 $0x1E8500, s18;
	s21 =	simm.s32 $0x10E00  }
0x3ad: {  	[tilespmem:s21], [sflag:$0x3] =	stream.linear.gather [hbm4b:s19+s2], $0x400, $0x38;
	[tilespmem:$0x1C200] =	vst v63  }
0x3ae: {  	s18 =	sadd.s32 $0x2DC780, s18;
	s21 =	simm.s32 $0x16E00  }
0x3af: {  	[tilespmem:s21], [sflag:$0x3] =	stream.linear.gather [hbm4b:s18+s2], $0x400, $0x38;
	[tilespmem:$0x1C200] =	vst v63  }
0x3b0: {  	s18 =	spop (v2sf);
	s21 =	simm.s32 $0x5200  }
0x3b1: {  	(v2sf) =	vpush v12, $0x6;
	[tilespmem:s21], [sflag:$0x3] =	stream.linear.gather [hbm4b:s18+s2], $0x400, $0x38;
	[tilespmem:$0x1C200] =	vst v63  }
0x3b2: {  	s19 =	sadd.s32 $0xF4280, s18;
	s21 =	simm.s32 $0xB200  }
0x3b3: {  	[tilespmem:s21], [sflag:$0x3] =	stream.linear.gather [hbm4b:s19+s2], $0x400, $0x38;
	[tilespmem:$0x1C200] =	vst v63  }
0x3b4: {  	s19 =	sadd.s32 $0x1E8500, s18;
	s21 =	simm.s32 $0x11200  }
0x3b5: {  	[tilespmem:s21], [sflag:$0x3] =	stream.linear.gather [hbm4b:s19+s2], $0x400, $0x38;
	[tilespmem:$0x1C200] =	vst v63  }
0x3b6: {  	s18 =	sadd.s32 $0x2DC780, s18;
	s21 =	simm.s32 $0x17200  }
0x3b7: {  	[tilespmem:s21], [sflag:$0x3] =	stream.linear.gather [hbm4b:s18+s2], $0x400, $0x38;
	[tilespmem:$0x1C200] =	vst v63  }
0x3b8: {  	s18 =	spop (v2sf);
	s21 =	simm.s32 $0x5600  }
0x3b9: {  	(v2sf) =	vpush v12, $0x7;
	[tilespmem:s21], [sflag:$0x3] =	stream.linear.gather [hbm4b:s18+s2], $0x400, $0x38;
	[tilespmem:$0x1C200] =	vst v63  }
0x3ba: {  	s19 =	sadd.s32 $0xF4280, s18;
	s21 =	simm.s32 $0xB600  }
0x3bb: {  	[tilespmem:s21], [sflag:$0x3] =	stream.linear.gather [hbm4b:s19+s2], $0x400, $0x38;
	[tilespmem:$0x1C200] =	vst v63  }
0x3bc: {  	s19 =	sadd.s32 $0x1E8500, s18;
	s21 =	simm.s32 $0x11600  }
0x3bd: {  	[tilespmem:s21], [sflag:$0x3] =	stream.linear.gather [hbm4b:s19+s2], $0x400, $0x38;
	[tilespmem:$0x1C200] =	vst v63  }
0x3be: {  	s18 =	sadd.s32 $0x2DC780, s18;
	s21 =	simm.s32 $0x17600  }
0x3bf: {  	[tilespmem:s21], [sflag:$0x3] =	stream.linear.gather [hbm4b:s18+s2], $0x400, $0x38;
	[tilespmem:$0x1C200] =	vst v63  }
0x3c0: {  	s18 =	spop (v2sf);
	s21 =	simm.s32 $0x5A00  }
0x3c1: {  	[tilespmem:s21], [sflag:$0x3] =	stream.linear.gather [hbm4b:s18+s2], $0x400, $0x38;
	[tilespmem:$0x1C200] =	vst v63  }
0x3c2: {  	s19 =	sadd.s32 $0xF4280, s18;
	s21 =	simm.s32 $0xBA00  }
0x3c3: {  	[tilespmem:s21], [sflag:$0x3] =	stream.linear.gather [hbm4b:s19+s2], $0x400, $0x38;
	[tilespmem:$0x1C200] =	vst v63  }
0x3c4: {  	s19 =	sadd.s32 $0x1E8500, s18;
	s21 =	simm.s32 $0x11A00  }
0x3c5: {  	[tilespmem:s21], [sflag:$0x3] =	stream.linear.gather [hbm4b:s19+s2], $0x400, $0x38;
	[tilespmem:$0x1C200] =	vst v63  }
0x3c6: {  	s18 =	sadd.s32 $0x2DC780, s18;
	s21 =	simm.s32 $0x17A00  }
0x3c7: {  	[tilespmem:s21], [sflag:$0x3] =	stream.linear.gather [hbm4b:s18+s2], $0x400, $0x38;
	[tilespmem:$0x1C200] =	vst v63  }
0x3c8: {  	s18 =	spop (v2sf);
	s21 =	simm.s32 $0x5E00  }
0x3c9: {  	[tilespmem:s21], [sflag:$0x3] =	stream.linear.gather [hbm4b:s18+s2], $0x400, $0x38;
	[tilespmem:$0x1C200] =	vst v63  }
0x3ca: {  	s19 =	sadd.s32 $0xF4280, s18;
	s21 =	simm.s32 $0xBE00  }
0x3cb: {  	[tilespmem:s21], [sflag:$0x3] =	stream.linear.gather [hbm4b:s19+s2], $0x400, $0x38;
	[tilespmem:$0x1C200] =	vst v63  }
0x3cc: {  	s19 =	sadd.s32 $0x1E8500, s18;
	s21 =	simm.s32 $0x11E00  }
0x3cd: {  	[tilespmem:s21], [sflag:$0x3] =	stream.linear.gather [hbm4b:s19+s2], $0x400, $0x38;
	[tilespmem:$0x1C200] =	vst v63  }
0x3ce: {  	s18 =	sadd.s32 $0x2DC780, s18;
	s21 =	simm.s32 $0x17E00  }
0x3cf: {  	[tilespmem:s21], [sflag:$0x3] =	stream.linear.gather [hbm4b:s18+s2], $0x400, $0x38;
	[tilespmem:$0x1C200] =	vst v63  }
.LBB2_6:
0x3d0: {  	s18 =	sadd.s32 $0xFFFFFFE8, s17  }
0x3d1: {  	v12 =	vor.u32 s18, v0;
	_ =	sdelay $0x1  }
0x3d2: {  	_ =	swait.ge [sflag:s13], $0x8000  }
0x3d3: {  	[sflag:s13] =	ssyncset.done $0x0  }
0x3d4: {  	[sflag:s13] =	ssyncadd.s32 $0xFFFF8000  }
0x3d5: {  	v14 =	vld.idx.msk [tilespmem:v12+s2+$0x0], $0xffff;
	_ =	sdelay $0x4  }
0x3d6: {  	v14 =	vand.u32 $0x7F, v14  }
0x3d7: {  	v16 =	vor.u32 v1, v14  }
0x3d8: {  	v18 =	vmov s18  }
0x3d9: {  	v18 =	vshll.u32 v18, $0x3  }
0x3da: {  	v18 =	vadd.s32 v35, v18  }
0x3db: {  	v18 =	vand.u32 $0x7FFFFC00, v18;
	v12 =	vand.u32 $0x7F, v12  }
0x3dc: {  	v12 =	vor.u32 v12, v18;
	v16 =	vld.idx.msk [tilespmem:v16+s9+$0x0], $0xffff  }
0x3dd: {  	v18 =	vor.u32 v3, v14;
	_ =	sdelay $0x3  }
0x3de: {  	[tilespmem:v12+s14+$0x0] =	vst.idx.msk $0xffff, v16  }
0x3df: {  	v16 =	vld.idx.msk [tilespmem:v18+s9+$0x0], $0xffff;
	v18 =	vor.u32 $0x80, v12  }
0x3e0: {  	v20 =	vor.u32 v5, v14;
	_ =	sdelay $0x3  }
0x3e1: {  	[tilespmem:v18+s14+$0x0] =	vst.idx.msk $0xffff, v16  }
0x3e2: {  	v18 =	vor.u32 $0x100, v12;
	v16 =	vld.idx.msk [tilespmem:v20+s9+$0x0], $0xffff  }
0x3e3: {  	v20 =	vor.u32 v7, v14;
	_ =	sdelay $0x3  }
0x3e4: {  	[tilespmem:v18+s14+$0x0] =	vst.idx.msk $0xffff, v16  }
0x3e5: {  	v18 =	vor.u32 $0x180, v12;
	v16 =	vld.idx.msk [tilespmem:v20+s9+$0x0], $0xffff  }
0x3e6: {  	v20 =	vor.u32 v9, v14;
	_ =	sdelay $0x3  }
0x3e7: {  	[tilespmem:v18+s14+$0x0] =	vst.idx.msk $0xffff, v16  }
0x3e8: {  	v18 =	vor.u32 $0x200, v12;
	v16 =	vld.idx.msk [tilespmem:v20+s9+$0x0], $0xffff  }
0x3e9: {  	v20 =	vor.u32 v11, v14;
	_ =	sdelay $0x3  }
0x3ea: {  	[tilespmem:v18+s14+$0x0] =	vst.idx.msk $0xffff, v16  }
0x3eb: {  	v18 =	vor.u32 $0x280, v12;
	v16 =	vld.idx.msk [tilespmem:v20+s9+$0x0], $0xffff  }
0x3ec: {  	v20 =	vor.u32 v13, v14;
	_ =	sdelay $0x3  }
0x3ed: {  	[tilespmem:v18+s14+$0x0] =	vst.idx.msk $0xffff, v16  }
0x3ee: {  	v18 =	vor.u32 $0x300, v12;
	v16 =	vld.idx.msk [tilespmem:v20+s9+$0x0], $0xffff  }
0x3ef: {  	v20 =	vor.u32 v15, v14;
	_ =	sdelay $0x3  }
0x3f0: {  	[tilespmem:v18+s14+$0x0] =	vst.idx.msk $0xffff, v16  }
0x3f1: {  	v18 =	vor.u32 $0x380, v12;
	v16 =	vld.idx.msk [tilespmem:v20+s9+$0x0], $0xffff  }
0x3f2: {  	v20 =	vor.u32 v17, v14;
	_ =	sdelay $0x3  }
0x3f3: {  	[tilespmem:v18+s14+$0x0] =	vst.idx.msk $0xffff, v16  }
0x3f4: {  	v18 =	vadd.s32 $0x2000, v12;
	v16 =	vld.idx.msk [tilespmem:v20+s9+$0x0], $0xffff  }
0x3f5: {  	v20 =	vor.u32 v19, v14;
	_ =	sdelay $0x3  }
0x3f6: {  	[tilespmem:v18+s14+$0x0] =	vst.idx.msk $0xffff, v16  }
0x3f7: {  	v18 =	vadd.s32 $0x2080, v12;
	v16 =	vld.idx.msk [tilespmem:v20+s9+$0x0], $0xffff  }
0x3f8: {  	v20 =	vor.u32 v21, v14;
	_ =	sdelay $0x3  }
0x3f9: {  	[tilespmem:v18+s14+$0x0] =	vst.idx.msk $0xffff, v16  }
0x3fa: {  	v18 =	vadd.s32 $0x2100, v12;
	v16 =	vld.idx.msk [tilespmem:v20+s9+$0x0], $0xffff  }
0x3fb: {  	v20 =	vor.u32 v23, v14;
	_ =	sdelay $0x3  }
0x3fc: {  	[tilespmem:v18+s14+$0x0] =	vst.idx.msk $0xffff, v16  }
0x3fd: {  	v18 =	vadd.s32 $0x2180, v12;
	v16 =	vld.idx.msk [tilespmem:v20+s9+$0x0], $0xffff  }
0x3fe: {  	v20 =	vor.u32 v25, v14;
	_ =	sdelay $0x3  }
0x3ff: {  	[tilespmem:v18+s14+$0x0] =	vst.idx.msk $0xffff, v16  }
0x400: {  	v18 =	vadd.s32 $0x2200, v12;
	v16 =	vld.idx.msk [tilespmem:v20+s9+$0x0], $0xffff  }
0x401: {  	v20 =	vor.u32 v27, v14;
	_ =	sdelay $0x3  }
0x402: {  	[tilespmem:v18+s14+$0x0] =	vst.idx.msk $0xffff, v16  }
0x403: {  	v18 =	vadd.s32 $0x2280, v12;
	v16 =	vld.idx.msk [tilespmem:v20+s9+$0x0], $0xffff  }
0x404: {  	v20 =	vor.u32 v29, v14;
	_ =	sdelay $0x3  }
0x405: {  	[tilespmem:v18+s14+$0x0] =	vst.idx.msk $0xffff, v16  }
0x406: {  	v18 =	vadd.s32 $0x2300, v12;
	v16 =	vld.idx.msk [tilespmem:v20+s9+$0x0], $0xffff  }
0x407: {  	v14 =	vor.u32 v31, v14;
	_ =	sdelay $0x3  }
0x408: {  	[tilespmem:v18+s14+$0x0] =	vst.idx.msk $0xffff, v16  }
0x409: {  	v12 =	vadd.s32 $0x2380, v12;
	v14 =	vld.idx.msk [tilespmem:v14+s9+$0x0], $0xffff  }
.Ltmp4:
0x40a: {  	_ = 	snop;
	(pc) =	sbr.rel @p0 .LBB2_8-.Ltmp4, $2  }
0x40b: {  	_ =	sdelay $0x2  }
0x40c: {  	[tilespmem:v12+s14+$0x0] =	vst.idx.msk $0xffff, v14  }
0x40d: {  	v12 =	vor.u32 s17, v0;
	_ =	sdelay $0x4  }
0x40e: {  	v12 =	vld.idx.msk [tilespmem:v12+s2+$0x0], $0xffff;
	_ =	sdelay $0x4  }
0x40f: {  	v12 =	vand.u32 $0xFFFFFF80, v12  }
0x410: {  	v12 =	vadd.s32 s0, v12  }
0x411: {  	(v2sf) =	vpush v12, $0x0;
	_ =	sdelay $0x7  }
0x412: {  	(v2sf) =	vpush v12, $0x1;
	_ =	sdelay $0x6  }
0x413: {  	s18 =	spop (v2sf)  }
0x414: {  	(v2sf) =	vpush v12, $0x2;
	[tilespmem:s9], [sflag:$0x1] =	stream.linear.gather [hbm4b:s18+s2], $0x400, $0x38;
	[tilespmem:$0x1C200] =	vst v63  }
0x415: {  	s21 =	simm.s32 $0x6200;
	s19 =	sadd.s32 $0xF4280, s18  }
0x416: {  	[tilespmem:s21], [sflag:$0x1] =	stream.linear.gather [hbm4b:s19+s2], $0x400, $0x38;
	[tilespmem:$0x1C200] =	vst v63  }
0x417: {  	s19 =	sadd.s32 $0x1E8500, s18;
	s21 =	simm.s32 $0xC200  }
0x418: {  	[tilespmem:s21], [sflag:$0x1] =	stream.linear.gather [hbm4b:s19+s2], $0x400, $0x38;
	[tilespmem:$0x1C200] =	vst v63  }
0x419: {  	s18 =	sadd.s32 $0x2DC780, s18;
	s21 =	simm.s32 $0x12200  }
0x41a: {  	[tilespmem:s21], [sflag:$0x1] =	stream.linear.gather [hbm4b:s18+s2], $0x400, $0x38;
	[tilespmem:$0x1C200] =	vst v63  }
0x41b: {  	s18 =	spop (v2sf);
	s21 =	simm.s32 $0x600  }
0x41c: {  	(v2sf) =	vpush v12, $0x3;
	[tilespmem:s21], [sflag:$0x1] =	stream.linear.gather [hbm4b:s18+s2], $0x400, $0x38;
	[tilespmem:$0x1C200] =	vst v63  }
0x41d: {  	s19 =	sadd.s32 $0xF4280, s18;
	s21 =	simm.s32 $0x6600  }
0x41e: {  	[tilespmem:s21], [sflag:$0x1] =	stream.linear.gather [hbm4b:s19+s2], $0x400, $0x38;
	[tilespmem:$0x1C200] =	vst v63  }
0x41f: {  	s19 =	sadd.s32 $0x1E8500, s18;
	s21 =	simm.s32 $0xC600  }
0x420: {  	[tilespmem:s21], [sflag:$0x1] =	stream.linear.gather [hbm4b:s19+s2], $0x400, $0x38;
	[tilespmem:$0x1C200] =	vst v63  }
0x421: {  	s18 =	sadd.s32 $0x2DC780, s18;
	s21 =	simm.s32 $0x12600  }
0x422: {  	[tilespmem:s21], [sflag:$0x1] =	stream.linear.gather [hbm4b:s18+s2], $0x400, $0x38;
	[tilespmem:$0x1C200] =	vst v63  }
0x423: {  	s18 =	spop (v2sf);
	s21 =	simm.s32 $0xA00  }
0x424: {  	(v2sf) =	vpush v12, $0x4;
	[tilespmem:s21], [sflag:$0x1] =	stream.linear.gather [hbm4b:s18+s2], $0x400, $0x38;
	[tilespmem:$0x1C200] =	vst v63  }
0x425: {  	s19 =	sadd.s32 $0xF4280, s18;
	s21 =	simm.s32 $0x6A00  }
0x426: {  	[tilespmem:s21], [sflag:$0x1] =	stream.linear.gather [hbm4b:s19+s2], $0x400, $0x38;
	[tilespmem:$0x1C200] =	vst v63  }
0x427: {  	s19 =	sadd.s32 $0x1E8500, s18;
	s21 =	simm.s32 $0xCA00  }
0x428: {  	[tilespmem:s21], [sflag:$0x1] =	stream.linear.gather [hbm4b:s19+s2], $0x400, $0x38;
	[tilespmem:$0x1C200] =	vst v63  }
0x429: {  	s18 =	sadd.s32 $0x2DC780, s18;
	s21 =	simm.s32 $0x12A00  }
0x42a: {  	[tilespmem:s21], [sflag:$0x1] =	stream.linear.gather [hbm4b:s18+s2], $0x400, $0x38;
	[tilespmem:$0x1C200] =	vst v63  }
0x42b: {  	s18 =	spop (v2sf)  }
0x42c: {  	(v2sf) =	vpush v12, $0x5;
	[tilespmem:s1], [sflag:$0x1] =	stream.linear.gather [hbm4b:s18+s2], $0x400, $0x38;
	[tilespmem:$0x1C200] =	vst v63  }
0x42d: {  	s21 =	sadd.s32 $0xF4280, s18  }
0x42e: {  	[tilespmem:s3], [sflag:$0x1] =	stream.linear.gather [hbm4b:s21+s2], $0x400, $0x38;
	[tilespmem:$0x1C200] =	vst v63  }
0x42f: {  	s21 =	sadd.s32 $0x1E8500, s18  }
0x430: {  	[tilespmem:s5], [sflag:$0x1] =	stream.linear.gather [hbm4b:s21+s2], $0x400, $0x38;
	[tilespmem:$0x1C200] =	vst v63  }
0x431: {  	s18 =	sadd.s32 $0x2DC780, s18  }
0x432: {  	[tilespmem:s7], [sflag:$0x1] =	stream.linear.gather [hbm4b:s18+s2], $0x400, $0x38;
	[tilespmem:$0x1C200] =	vst v63  }
0x433: {  	s18 =	spop (v2sf)  }
0x434: {  	(v2sf) =	vpush v12, $0x6;
	[tilespmem:s6], [sflag:$0x1] =	stream.linear.gather [hbm4b:s18+s2], $0x400, $0x38;
	[tilespmem:$0x1C200] =	vst v63  }
0x435: {  	s21 =	sadd.s32 $0xF4280, s18  }
0x436: {  	[tilespmem:s4], [sflag:$0x1] =	stream.linear.gather [hbm4b:s21+s2], $0x400, $0x38;
	[tilespmem:$0x1C200] =	vst v63  }
0x437: {  	s21 =	sadd.s32 $0x1E8500, s18  }
0x438: {  	[tilespmem:s8], [sflag:$0x1] =	stream.linear.gather [hbm4b:s21+s2], $0x400, $0x38;
	[tilespmem:$0x1C200] =	vst v63  }
0x439: {  	s18 =	sadd.s32 $0x2DC780, s18  }
0x43a: {  	[tilespmem:s10], [sflag:$0x1] =	stream.linear.gather [hbm4b:s18+s2], $0x400, $0x38;
	[tilespmem:$0x1C200] =	vst v63  }
0x43b: {  	s18 =	spop (v2sf)  }
0x43c: {  	(v2sf) =	vpush v12, $0x7;
	[tilespmem:s11], [sflag:$0x1] =	stream.linear.gather [hbm4b:s18+s2], $0x400, $0x38;
	[tilespmem:$0x1C200] =	vst v63  }
0x43d: {  	s21 =	sadd.s32 $0xF4280, s18  }
0x43e: {  	[tilespmem:s12], [sflag:$0x1] =	stream.linear.gather [hbm4b:s21+s2], $0x400, $0x38;
	[tilespmem:$0x1C200] =	vst v63  }
0x43f: {  	s21 =	sadd.s32 $0x1E8500, s18  }
0x440: {  	[tilespmem:s20], [sflag:$0x1] =	stream.linear.gather [hbm4b:s21+s2], $0x400, $0x38;
	[tilespmem:$0x1C200] =	vst v63  }
0x441: {  	s18 =	sadd.s32 $0x2DC780, s18  }
0x442: {  	[tilespmem:s22], [sflag:$0x1] =	stream.linear.gather [hbm4b:s18+s2], $0x400, $0x38;
	[tilespmem:$0x1C200] =	vst v63  }
0x443: {  	s18 =	spop (v2sf)  }
0x444: {  	[tilespmem:s23], [sflag:$0x1] =	stream.linear.gather [hbm4b:s18+s2], $0x400, $0x38;
	[tilespmem:$0x1C200] =	vst v63  }
0x445: {  	s21 =	sadd.s32 $0xF4280, s18  }
0x446: {  	[tilespmem:s24], [sflag:$0x1] =	stream.linear.gather [hbm4b:s21+s2], $0x400, $0x38;
	[tilespmem:$0x1C200] =	vst v63  }
0x447: {  	s21 =	sadd.s32 $0x1E8500, s18  }
0x448: {  	[tilespmem:s25], [sflag:$0x1] =	stream.linear.gather [hbm4b:s21+s2], $0x400, $0x38;
	[tilespmem:$0x1C200] =	vst v63  }
0x449: {  	s18 =	sadd.s32 $0x2DC780, s18  }
0x44a: {  	[tilespmem:s26], [sflag:$0x1] =	stream.linear.gather [hbm4b:s18+s2], $0x400, $0x38;
	[tilespmem:$0x1C200] =	vst v63  }
0x44b: {  	s18 =	spop (v2sf)  }
0x44c: {  	[tilespmem:s28], [sflag:$0x1] =	stream.linear.gather [hbm4b:s18+s2], $0x400, $0x38;
	[tilespmem:$0x1C200] =	vst v63  }
0x44d: {  	s21 =	sadd.s32 $0xF4280, s18  }
0x44e: {  	[tilespmem:s29], [sflag:$0x1] =	stream.linear.gather [hbm4b:s21+s2], $0x400, $0x38;
	[tilespmem:$0x1C200] =	vst v63  }
.Ltmp5:
0x44f: {  	_ = 	snop;
	(pc) =	sbr.rel .LBB2_2-.Ltmp5, $4  }
0x450: {  	s21 =	sadd.s32 $0x1E8500, s18  }
0x451: {  	[tilespmem:s30], [sflag:$0x1] =	stream.linear.gather [hbm4b:s21+s2], $0x400, $0x38;
	[tilespmem:$0x1C200] =	vst v63  }
0x452: {  	s17 =	sadd.s32 $0x18, s17;
	s18 =	sadd.s32 $0x2DC780, s18  }
0x453: {  	[tilespmem:s31], [sflag:$0x1] =	stream.linear.gather [hbm4b:s18+s2], $0x400, $0x38;
	[tilespmem:$0x1C200] =	vst v63  }
.LBB2_9:
0x454: {  	_ =	sfence.sel $0x180000  }
0x455: {  	[bflag:$0x0] =	sbarrier.arrive $0xFFFF  }
0x456: {  	_ =	strace $0x90000047  }
0x457: {  	s0 =	stileid.u32;
	[bflag:$0x2] =	sbarrier.arrive $0xFFFF  }
0x458: {  	p0 =	sne.s32 s0, $0x0;
	s0 =	rddreg [dreg:$0x3]  }
0x459: {  	s0 =	sadd.s32 @!p0 $0x100000, s0  }
0x45a: {  	[sflag:s0] =	ssyncadd.tile.s32 @!p0 $0x1;
	_ =	shalt  }
.Lfunc_end2:
_tile_overlayer_lowered:
.L_overlay_start_2:
0x45b: {  	(tag) =	ssettag $0x2  }
0x45c: {  	s0 =	rddreg [dreg:$0x0];
	s2 =	stileid.u32  }
0x45d: {  	s1 =	rddreg [dreg:$0x1];
	p0 =	sne.s32 s2, $0x0  }
0x45e: {  	s3 =	rddreg [dreg:$0x2];
	[bflag:$0x3] =	sbarrier.arrive $0xFFFF;
	s2 =	simm.s32 @!p0 $0x1C04  }
0x45f: {  	[timem:s3], [sflag:s2] =	dma.local @!p0 [hbm:s0], s1  }
0x460: {  	s0 =	simm.s32 @!p0 $0x4  }
0x461: {  	_ =	swait.ge @!p0 [sflag:s0], s1  }
0x462: {  	s1 =	ssub.s32 @!p0 $0x0, s1;
	[sflag:s0] =	ssyncset.done @!p0 $0x0  }
0x463: {  	[sflag:s0] =	ssyncadd.s32 @!p0 s1  }
0x464: {  	[bflag:$0x3] =	sbarrier.arrive $0xFFFF  }
0x465: {  	_ =	shalt  }

</sc_bundles>
